<compile_context>
chip_gen: v7x
topology: tpu7x:2x2x1
jax: 0.10.2.dev20260603
libtpu: 0.0.44.dev20260713+nightly
codegen_flags: <defaults>
</compile_context>

<pallas_src>
import functools

import jax
import jax.numpy as jnp
from jax import lax
from jax.experimental import pallas as pl
from jax.experimental.pallas import tpu as pltpu
from jax.experimental.pallas import tpu_sc as plsc

VOCAB = 100000
HIDDEN = 64
NUM_CLASSES = 3
BATCH = 4096
SEQ = 200

PAD = 16
NC, NS = 2, 16
NW = NC * NS
VPAD = 100352
BPW = BATCH // NW
CB = 8
NCHUNK = BPW // CB
ROWS = CB * SEQ


def _proj_body(w_ref, b_ref, embt_ref, out_ref):
    x = lax.dot_general(
        w_ref[...], embt_ref[...],
        (((1,), (0,)), ((), ())),
        preferred_element_type=jnp.float32,
    )
    x = x + b_ref[...]
    out_ref[...] = lax.pad(x, jnp.float32(0.0),
                           ((0, PAD - NUM_CLASSES, 0), (0, 0, 0)))


def _project(emb_t, w, bcol):
    blk = 25088
    return pl.pallas_call(
        _proj_body,
        grid=((VPAD + blk - 1) // blk,),
        in_specs=[pl.BlockSpec((NUM_CLASSES, HIDDEN), lambda i: (0, 0)),
                  pl.BlockSpec((NUM_CLASSES, 1), lambda i: (0, 0)),
                  pl.BlockSpec((HIDDEN, blk), lambda i: (0, i))],
        out_specs=pl.BlockSpec((PAD, blk), lambda i: (0, i)),
        out_shape=jax.ShapeDtypeStruct((PAD, VPAD), jnp.float32),
    )(w, bcol, emb_t)


def _sc_transpose(pt):
    mesh = plsc.VectorSubcoreMesh(core_axis_name="c", subcore_axis_name="s")
    CPW = VPAD // NW
    NG = CPW // 16

    HALF = CPW // 2
    NGH = HALF // 16

    @functools.partial(
        pl.kernel,
        mesh=mesh,
        out_type=jax.ShapeDtypeStruct((VPAD, PAD), jnp.float32),
        scratch_types=[
            pltpu.VMEM((PAD, HALF), jnp.float32),
            pltpu.VMEM((PAD, HALF), jnp.float32),
            pltpu.VMEM((HALF, PAD), jnp.float32),
            pltpu.VMEM((HALF, PAD), jnp.float32),
            pltpu.SemaphoreType.DMA,
            pltpu.SemaphoreType.DMA,
            pltpu.SemaphoreType.DMA,
            pltpu.SemaphoreType.DMA,
        ],
        compiler_params=pltpu.CompilerParams(use_tc_tiling_on_sc=False,
                                             needs_layout_passes=False),
    )
    def k(pt_hbm, out_hbm, slab0, slab1, out0, out1, si0, si1, so0, so1):
        wid = lax.axis_index("s") * NC + lax.axis_index("c")
        base = wid * CPW
        lanes = lax.iota(jnp.int32, 16)
        slab = (slab0, slab1)
        outv = (out0, out1)

        cpi = [pltpu.async_copy(pt_hbm.at[:, pl.ds(base, HALF)], slab0, si0),
               pltpu.async_copy(pt_hbm.at[:, pl.ds(base + HALF, HALF)],
                                slab1, si1)]
        cpo = [None, None]
        for h in range(2):
            cpi[h].wait()

            def grp(g, carry, _h=h):
                col0 = g * 16
                for r in range(PAD):
                    v = slab[_h][r, pl.ds(col0, 16)]
                    plsc.store_scatter(
                        outv[_h],
                        [col0 + lanes, jnp.full((16,), r, jnp.int32)], v)
                return carry

            lax.fori_loop(0, NGH, grp, 0)
            cpo[h] = pltpu.async_copy(
                outv[h], out_hbm.at[pl.ds(base + h * HALF, HALF)],
                so0 if h == 0 else so1)
        cpo[0].wait()
        cpo[1].wait()

    return k(pt)


def _sc_pool(ids_flat, ptab):
    mesh = plsc.VectorSubcoreMesh(core_axis_name="c", subcore_axis_name="s")

    @functools.partial(
        pl.kernel,
        mesh=mesh,
        out_type=jax.ShapeDtypeStruct((BATCH, PAD), jnp.float32),
        scratch_types=[
            pltpu.VMEM((BPW * SEQ,), jnp.int32),
            pltpu.VMEM((ROWS, PAD), jnp.float32),
            pltpu.VMEM((ROWS, PAD), jnp.float32),
            pltpu.VMEM((BPW, PAD), jnp.float32),
            pltpu.SemaphoreType.DMA,
            pltpu.SemaphoreType.DMA,
        ],
        compiler_params=pltpu.CompilerParams(use_tc_tiling_on_sc=False),
    )
    def k(ids_hbm, ptab_hbm, out_hbm,
          idx_v, rows0, rows1, out_v, sem0, sem1):
        wid = lax.axis_index("s") * NC + lax.axis_index("c")
        base = wid * BPW
        pltpu.sync_copy(ids_hbm.at[pl.ds(base * SEQ, BPW * SEQ)], idx_v)
        inv = jnp.float32(1.0 / SEQ)

        rows = (rows0, rows1)
        sem = (sem0, sem1)

        def start(c, p):
            return pltpu.async_copy(
                ptab_hbm.at[idx_v.at[pl.ds(c * ROWS, ROWS)]], rows[p],
                sem[p])

        def compute(c, p):
            rv = rows[p]

            def row_body(bi, carry):
                r0 = bi * SEQ

                def acc_body(j, acc):
                    o = r0 + j * 8
                    s = ((rv[o] + rv[o + 1]) + (rv[o + 2] + rv[o + 3])) \
                        + ((rv[o + 4] + rv[o + 5]) + (rv[o + 6] + rv[o + 7]))
                    return acc + s

                acc = lax.fori_loop(0, SEQ // 8, acc_body,
                                    jnp.zeros((PAD,), jnp.float32))
                out_v[c * CB + bi] = acc * inv
                return carry

            lax.fori_loop(0, CB, row_body, 0)

        cps = [start(0, 0), start(1, 1)]
        for c in range(NCHUNK):
            p = c % 2
            cps[p].wait()
            compute(c, p)
            if c + 2 < NCHUNK:
                cps[p] = start(c + 2, p)

        pltpu.sync_copy(out_v, out_hbm.at[pl.ds(base, BPW)])

    return k(ids_flat, ptab)


def kernel(input_ids, emb_table, W, b):
    bcol = b.reshape(NUM_CLASSES, 1)
    ptab = _sc_transpose(_project(emb_table.T, W, bcol))
    ids_flat = input_ids.reshape(-1).astype(jnp.int32)
    out = _sc_pool(ids_flat, ptab)
    return out[:, :NUM_CLASSES]

# --- scband reference (transcript-rebuilt; emitter-appended) ---
"""Pipeline reference for scband-hfclassification-model-28982439313917 (READ-ONLY COPY).

The authoritative reference and input builder live on the scoring server;
editing this copy changes nothing except your own understanding.
"""

import jax, jax.numpy as jnp
import numpy as np

VOCAB = 100000
HIDDEN = 64
NUM_CLASSES = 3
BATCH = 4096
SEQ = 200


def setup_inputs(seed: int = 0) -> dict:
    key = jax.random.key(seed)
    k_ids, k_emb, k_w, k_b = jax.random.split(key, 4)
    input_ids = jax.random.randint(k_ids, (BATCH, SEQ), 0, VOCAB, dtype=jnp.int64 if jax.config.jax_enable_x64 else jnp.int32)
    emb_table = jax.random.normal(k_emb, (VOCAB, HIDDEN), dtype=jnp.float32)
    W = jax.random.normal(k_w, (NUM_CLASSES, HIDDEN), dtype=jnp.float32) * (1.0 / np.sqrt(HIDDEN))
    b = jnp.zeros((NUM_CLASSES,), dtype=jnp.float32)
    return {"input_ids": input_ids, "emb_table": emb_table, "W": W, "b": b}


def reference(input_ids, emb_table, W, b):
    # embedding lookup (gather) -> mean over sequence -> linear classifier
    x = jnp.take(emb_table, input_ids, axis=0)  # [B, L, H]
    x = x.mean(axis=1)                          # [B, H]
    logits = x @ W.T + b                        # [B, num_classes]
    return logits

if __name__ == "__main__":
    import jax
    _d = setup_inputs()
    print(jax.jit(kernel)(*tuple(_d.values())))

</pallas_src>

<mosaic_0001>
#map = affine_map<(d0, d1) -> (0, 0)>
module attributes {stable_mosaic.version = 14 : i64} {
  func.func @k(%arg0: i32, %arg1: i32, %arg2: memref<16x100352xf32, #tpu.memory_space<hbm>>, %arg3: memref<100352x16xf32, #tpu.memory_space<hbm>>, %arg4: memref<16x1568xf32, #tpu.memory_space<vmem>>, %arg5: memref<16x1568xf32, #tpu.memory_space<vmem>>, %arg6: memref<1568x16xf32, #tpu.memory_space<vmem>>, %arg7: memref<1568x16xf32, #tpu.memory_space<vmem>>, %arg8: memref<!tpu.dma_semaphore, #tpu.memory_space<semaphore_mem>>, %arg9: memref<!tpu.dma_semaphore, #tpu.memory_space<semaphore_mem>>, %arg10: memref<!tpu.dma_semaphore, #tpu.memory_space<semaphore_mem>>, %arg11: memref<!tpu.dma_semaphore, #tpu.memory_space<semaphore_mem>>) attributes {dimension_semantics = [#tpu.dimension_semantics<core_parallel>, #tpu.dimension_semantics<subcore_parallel>], iteration_bounds = array<i64: 2, 16>, scalar_prefetch = 0 : i64, scratch_operands = 8 : i64, tpu.core_type = #tpu.core_type<sc_vector_subcore>, window_params = [{transform_indices = #map}, {transform_indices = #map}]} {
    %mul3A = arith.constant 2 : i32
    %mul3A_0 = arith.muli %arg1, %mul3A : i32
    %add3A = arith.addi %mul3A_0, %arg0 : i32
    %mul3A_1 = arith.constant 3136 : i32
    %mul3A_2 = arith.muli %add3A, %mul3A_1 : i32
    %iota3A = tpu.iota {dimensions = array<i32: 0>} : vector<16xi32>
    %dma_start3A = arith.constant 0 : i32
    %dma_start3A_3 = tpu.memref_slice %arg2[%dma_start3A, %mul3A_2] : memref<16x100352xf32, #tpu.memory_space<hbm>> -> memref<16x1568xf32, #tpu.memory_space<hbm>>
    %dma_start3A_4 = arith.constant 0 : i32
    %dma_start3A_5 = tpu.memref_slice %arg2[%dma_start3A_4, %mul3A_2] : memref<16x100352xf32, #tpu.memory_space<hbm>> -> memref<16x1568xf32, #tpu.memory_space<hbm>>
    tpu.enqueue_dma source(%dma_start3A_5 : memref<16x1568xf32, #tpu.memory_space<hbm>>) target(%arg4 : memref<16x1568xf32, #tpu.memory_space<vmem>>) target_semaphore(%arg8 : memref<!tpu.dma_semaphore, #tpu.memory_space<semaphore_mem>>)
    %add3A_6 = arith.constant 1568 : i32
    %add3A_7 = arith.addi %mul3A_2, %add3A_6 : i32
    %dma_start3A_8 = arith.constant 0 : i32
    %dma_start3A_9 = tpu.memref_slice %arg2[%dma_start3A_8, %add3A_7] : memref<16x100352xf32, #tpu.memory_space<hbm>> -> memref<16x1568xf32, #tpu.memory_space<hbm>>
    %dma_start3A_10 = arith.constant 0 : i32
    %dma_start3A_11 = tpu.memref_slice %arg2[%dma_start3A_10, %add3A_7] : memref<16x100352xf32, #tpu.memory_space<hbm>> -> memref<16x1568xf32, #tpu.memory_space<hbm>>
    tpu.enqueue_dma source(%dma_start3A_11 : memref<16x1568xf32, #tpu.memory_space<hbm>>) target(%arg5 : memref<16x1568xf32, #tpu.memory_space<vmem>>) target_semaphore(%arg9 : memref<!tpu.dma_semaphore, #tpu.memory_space<semaphore_mem>>)
    %dma_wait3A = arith.constant 0 : i32
    %dma_wait3A_12 = tpu.memref_slice %arg2[%dma_wait3A, %mul3A_2] : memref<16x100352xf32, #tpu.memory_space<hbm>> -> memref<16x1568xf32, #tpu.memory_space<hbm>>
    %dma_wait3A_13 = arith.constant 0 : i32
    %dma_wait3A_14 = tpu.memref_slice %arg2[%dma_wait3A_13, %mul3A_2] : memref<16x100352xf32, #tpu.memory_space<hbm>> -> memref<16x1568xf32, #tpu.memory_space<hbm>>
    tpu.wait_dma2 semaphore(%arg8 : memref<!tpu.dma_semaphore, #tpu.memory_space<semaphore_mem>>) src(%dma_wait3A_14 : memref<16x1568xf32, #tpu.memory_space<hbm>>) dst(%arg4 : memref<16x1568xf32, #tpu.memory_space<vmem>>)
    %scan3A = arith.constant 0 : i32
    %scan3A_15 = arith.constant 0 : i32
    %scan3A_16 = arith.constant 98 : i32
    %scan3A_17 = arith.addi %scan3A_15, %scan3A_16 : i32
    %scan3A_18 = arith.constant 1 : i32
    scf.for %scan3A_50 = %scan3A_15 to %scan3A_17 step %scan3A_18  : i32 {
      %mul3A_51 = arith.constant 16 : i32
      %mul3A_52 = arith.muli %scan3A_50, %mul3A_51 : i32
      %get3A = arith.constant 0 : i32
      %get3A_53 = arith.index_cast %get3A : i32 to index
      %get3A_54 = arith.index_cast %mul3A_52 : i32 to index
      %get3A_55 = tpu.vector_load %arg4[%get3A_53, %get3A_54] {strides = array<i32>} : memref<16x1568xf32, #tpu.memory_space<vmem>>, vector<16xf32>,
      %add3A_56 = vector.broadcast %mul3A_52 : i32 to vector<16xi32>
      %add3A_57 = arith.addi %add3A_56, %iota3A : vector<16xi32>
      %broadcast_in_dim3A = arith.constant 0 : i32
      %broadcast_in_dim3A_58 = vector.broadcast %broadcast_in_dim3A : i32 to vector<16xi32>
      tpu.vector_store_idx %arg6[%add3A_57, %broadcast_in_dim3A_58], %get3A_55 : memref<1568x16xf32, #tpu.memory_space<vmem>>[vector<16xi32>, vector<16xi32>], vector<16xf32>,
      %get3A_59 = arith.constant 1 : i32
      %get3A_60 = arith.index_cast %get3A_59 : i32 to index
      %get3A_61 = arith.index_cast %mul3A_52 : i32 to index
      %get3A_62 = tpu.vector_load %arg4[%get3A_60, %get3A_61] {strides = array<i32>} : memref<16x1568xf32, #tpu.memory_space<vmem>>, vector<16xf32>,
      %add3A_63 = vector.broadcast %mul3A_52 : i32 to vector<16xi32>
      %add3A_64 = arith.addi %add3A_63, %iota3A : vector<16xi32>
      %broadcast_in_dim3A_65 = arith.constant 1 : i32
      %broadcast_in_dim3A_66 = vector.broadcast %broadcast_in_dim3A_65 : i32 to vector<16xi32>
      tpu.vector_store_idx %arg6[%add3A_64, %broadcast_in_dim3A_66], %get3A_62 : memref<1568x16xf32, #tpu.memory_space<vmem>>[vector<16xi32>, vector<16xi32>], vector<16xf32>,
      %get3A_67 = arith.constant 2 : i32
      %get3A_68 = arith.index_cast %get3A_67 : i32 to index
      %get3A_69 = arith.index_cast %mul3A_52 : i32 to index
      %get3A_70 = tpu.vector_load %arg4[%get3A_68, %get3A_69] {strides = array<i32>} : memref<16x1568xf32, #tpu.memory_space<vmem>>, vector<16xf32>,
      %add3A_71 = vector.broadcast %mul3A_52 : i32 to vector<16xi32>
      %add3A_72 = arith.addi %add3A_71, %iota3A : vector<16xi32>
      %broadcast_in_dim3A_73 = arith.constant 2 : i32
      %broadcast_in_dim3A_74 = vector.broadcast %broadcast_in_dim3A_73 : i32 to vector<16xi32>
      tpu.vector_store_idx %arg6[%add3A_72, %broadcast_in_dim3A_74], %get3A_70 : memref<1568x16xf32, #tpu.memory_space<vmem>>[vector<16xi32>, vector<16xi32>], vector<16xf32>,
      %get3A_75 = arith.constant 3 : i32
      %get3A_76 = arith.index_cast %get3A_75 : i32 to index
      %get3A_77 = arith.index_cast %mul3A_52 : i32 to index
      %get3A_78 = tpu.vector_load %arg4[%get3A_76, %get3A_77] {strides = array<i32>} : memref<16x1568xf32, #tpu.memory_space<vmem>>, vector<16xf32>,
      %add3A_79 = vector.broadcast %mul3A_52 : i32 to vector<16xi32>
      %add3A_80 = arith.addi %add3A_79, %iota3A : vector<16xi32>
      %broadcast_in_dim3A_81 = arith.constant 3 : i32
      %broadcast_in_dim3A_82 = vector.broadcast %broadcast_in_dim3A_81 : i32 to vector<16xi32>
      tpu.vector_store_idx %arg6[%add3A_80, %broadcast_in_dim3A_82], %get3A_78 : memref<1568x16xf32, #tpu.memory_space<vmem>>[vector<16xi32>, vector<16xi32>], vector<16xf32>,
      %get3A_83 = arith.constant 4 : i32
      %get3A_84 = arith.index_cast %get3A_83 : i32 to index
      %get3A_85 = arith.index_cast %mul3A_52 : i32 to index
      %get3A_86 = tpu.vector_load %arg4[%get3A_84, %get3A_85] {strides = array<i32>} : memref<16x1568xf32, #tpu.memory_space<vmem>>, vector<16xf32>,
      %add3A_87 = vector.broadcast %mul3A_52 : i32 to vector<16xi32>
      %add3A_88 = arith.addi %add3A_87, %iota3A : vector<16xi32>
      %broadcast_in_dim3A_89 = arith.constant 4 : i32
      %broadcast_in_dim3A_90 = vector.broadcast %broadcast_in_dim3A_89 : i32 to vector<16xi32>
      tpu.vector_store_idx %arg6[%add3A_88, %broadcast_in_dim3A_90], %get3A_86 : memref<1568x16xf32, #tpu.memory_space<vmem>>[vector<16xi32>, vector<16xi32>], vector<16xf32>,
      %get3A_91 = arith.constant 5 : i32
      %get3A_92 = arith.index_cast %get3A_91 : i32 to index
      %get3A_93 = arith.index_cast %mul3A_52 : i32 to index
      %get3A_94 = tpu.vector_load %arg4[%get3A_92, %get3A_93] {strides = array<i32>} : memref<16x1568xf32, #tpu.memory_space<vmem>>, vector<16xf32>,
      %add3A_95 = vector.broadcast %mul3A_52 : i32 to vector<16xi32>
      %add3A_96 = arith.addi %add3A_95, %iota3A : vector<16xi32>
      %broadcast_in_dim3A_97 = arith.constant 5 : i32
      %broadcast_in_dim3A_98 = vector.broadcast %broadcast_in_dim3A_97 : i32 to vector<16xi32>
      tpu.vector_store_idx %arg6[%add3A_96, %broadcast_in_dim3A_98], %get3A_94 : memref<1568x16xf32, #tpu.memory_space<vmem>>[vector<16xi32>, vector<16xi32>], vector<16xf32>,
      %get3A_99 = arith.constant 6 : i32
      %get3A_100 = arith.index_cast %get3A_99 : i32 to index
      %get3A_101 = arith.index_cast %mul3A_52 : i32 to index
      %get3A_102 = tpu.vector_load %arg4[%get3A_100, %get3A_101] {strides = array<i32>} : memref<16x1568xf32, #tpu.memory_space<vmem>>, vector<16xf32>,
      %add3A_103 = vector.broadcast %mul3A_52 : i32 to vector<16xi32>
      %add3A_104 = arith.addi %add3A_103, %iota3A : vector<16xi32>
      %broadcast_in_dim3A_105 = arith.constant 6 : i32
      %broadcast_in_dim3A_106 = vector.broadcast %broadcast_in_dim3A_105 : i32 to vector<16xi32>
      tpu.vector_store_idx %arg6[%add3A_104, %broadcast_in_dim3A_106], %get3A_102 : memref<1568x16xf32, #tpu.memory_space<vmem>>[vector<16xi32>, vector<16xi32>], vector<16xf32>,
      %get3A_107 = arith.constant 7 : i32
      %get3A_108 = arith.index_cast %get3A_107 : i32 to index
      %get3A_109 = arith.index_cast %mul3A_52 : i32 to index
      %get3A_110 = tpu.vector_load %arg4[%get3A_108, %get3A_109] {strides = array<i32>} : memref<16x1568xf32, #tpu.memory_space<vmem>>, vector<16xf32>,
      %add3A_111 = vector.broadcast %mul3A_52 : i32 to vector<16xi32>
      %add3A_112 = arith.addi %add3A_111, %iota3A : vector<16xi32>
      %broadcast_in_dim3A_113 = arith.constant 7 : i32
      %broadcast_in_dim3A_114 = vector.broadcast %broadcast_in_dim3A_113 : i32 to vector<16xi32>
      tpu.vector_store_idx %arg6[%add3A_112, %broadcast_in_dim3A_114], %get3A_110 : memref<1568x16xf32, #tpu.memory_space<vmem>>[vector<16xi32>, vector<16xi32>], vector<16xf32>,
      %get3A_115 = arith.constant 8 : i32
      %get3A_116 = arith.index_cast %get3A_115 : i32 to index
      %get3A_117 = arith.index_cast %mul3A_52 : i32 to index
      %get3A_118 = tpu.vector_load %arg4[%get3A_116, %get3A_117] {strides = array<i32>} : memref<16x1568xf32, #tpu.memory_space<vmem>>, vector<16xf32>,
      %add3A_119 = vector.broadcast %mul3A_52 : i32 to vector<16xi32>
      %add3A_120 = arith.addi %add3A_119, %iota3A : vector<16xi32>
      %broadcast_in_dim3A_121 = arith.constant 8 : i32
      %broadcast_in_dim3A_122 = vector.broadcast %broadcast_in_dim3A_121 : i32 to vector<16xi32>
      tpu.vector_store_idx %arg6[%add3A_120, %broadcast_in_dim3A_122], %get3A_118 : memref<1568x16xf32, #tpu.memory_space<vmem>>[vector<16xi32>, vector<16xi32>], vector<16xf32>,
      %get3A_123 = arith.constant 9 : i32
      %get3A_124 = arith.index_cast %get3A_123 : i32 to index
      %get3A_125 = arith.index_cast %mul3A_52 : i32 to index
      %get3A_126 = tpu.vector_load %arg4[%get3A_124, %get3A_125] {strides = array<i32>} : memref<16x1568xf32, #tpu.memory_space<vmem>>, vector<16xf32>,
      %add3A_127 = vector.broadcast %mul3A_52 : i32 to vector<16xi32>
      %add3A_128 = arith.addi %add3A_127, %iota3A : vector<16xi32>
      %broadcast_in_dim3A_129 = arith.constant 9 : i32
      %broadcast_in_dim3A_130 = vector.broadcast %broadcast_in_dim3A_129 : i32 to vector<16xi32>
      tpu.vector_store_idx %arg6[%add3A_128, %broadcast_in_dim3A_130], %get3A_126 : memref<1568x16xf32, #tpu.memory_space<vmem>>[vector<16xi32>, vector<16xi32>], vector<16xf32>,
      %get3A_131 = arith.constant 10 : i32
      %get3A_132 = arith.index_cast %get3A_131 : i32 to index
      %get3A_133 = arith.index_cast %mul3A_52 : i32 to index
      %get3A_134 = tpu.vector_load %arg4[%get3A_132, %get3A_133] {strides = array<i32>} : memref<16x1568xf32, #tpu.memory_space<vmem>>, vector<16xf32>,
      %add3A_135 = vector.broadcast %mul3A_52 : i32 to vector<16xi32>
      %add3A_136 = arith.addi %add3A_135, %iota3A : vector<16xi32>
      %broadcast_in_dim3A_137 = arith.constant 10 : i32
      %broadcast_in_dim3A_138 = vector.broadcast %broadcast_in_dim3A_137 : i32 to vector<16xi32>
      tpu.vector_store_idx %arg6[%add3A_136, %broadcast_in_dim3A_138], %get3A_134 : memref<1568x16xf32, #tpu.memory_space<vmem>>[vector<16xi32>, vector<16xi32>], vector<16xf32>,
      %get3A_139 = arith.constant 11 : i32
      %get3A_140 = arith.index_cast %get3A_139 : i32 to index
      %get3A_141 = arith.index_cast %mul3A_52 : i32 to index
      %get3A_142 = tpu.vector_load %arg4[%get3A_140, %get3A_141] {strides = array<i32>} : memref<16x1568xf32, #tpu.memory_space<vmem>>, vector<16xf32>,
      %add3A_143 = vector.broadcast %mul3A_52 : i32 to vector<16xi32>
      %add3A_144 = arith.addi %add3A_143, %iota3A : vector<16xi32>
      %broadcast_in_dim3A_145 = arith.constant 11 : i32
      %broadcast_in_dim3A_146 = vector.broadcast %broadcast_in_dim3A_145 : i32 to vector<16xi32>
      tpu.vector_store_idx %arg6[%add3A_144, %broadcast_in_dim3A_146], %get3A_142 : memref<1568x16xf32, #tpu.memory_space<vmem>>[vector<16xi32>, vector<16xi32>], vector<16xf32>,
      %get3A_147 = arith.constant 12 : i32
      %get3A_148 = arith.index_cast %get3A_147 : i32 to index
      %get3A_149 = arith.index_cast %mul3A_52 : i32 to index
      %get3A_150 = tpu.vector_load %arg4[%get3A_148, %get3A_149] {strides = array<i32>} : memref<16x1568xf32, #tpu.memory_space<vmem>>, vector<16xf32>,
      %add3A_151 = vector.broadcast %mul3A_52 : i32 to vector<16xi32>
      %add3A_152 = arith.addi %add3A_151, %iota3A : vector<16xi32>
      %broadcast_in_dim3A_153 = arith.constant 12 : i32
      %broadcast_in_dim3A_154 = vector.broadcast %broadcast_in_dim3A_153 : i32 to vector<16xi32>
      tpu.vector_store_idx %arg6[%add3A_152, %broadcast_in_dim3A_154], %get3A_150 : memref<1568x16xf32, #tpu.memory_space<vmem>>[vector<16xi32>, vector<16xi32>], vector<16xf32>,
      %get3A_155 = arith.constant 13 : i32
      %get3A_156 = arith.index_cast %get3A_155 : i32 to index
      %get3A_157 = arith.index_cast %mul3A_52 : i32 to index
      %get3A_158 = tpu.vector_load %arg4[%get3A_156, %get3A_157] {strides = array<i32>} : memref<16x1568xf32, #tpu.memory_space<vmem>>, vector<16xf32>,
      %add3A_159 = vector.broadcast %mul3A_52 : i32 to vector<16xi32>
      %add3A_160 = arith.addi %add3A_159, %iota3A : vector<16xi32>
      %broadcast_in_dim3A_161 = arith.constant 13 : i32
      %broadcast_in_dim3A_162 = vector.broadcast %broadcast_in_dim3A_161 : i32 to vector<16xi32>
      tpu.vector_store_idx %arg6[%add3A_160, %broadcast_in_dim3A_162], %get3A_158 : memref<1568x16xf32, #tpu.memory_space<vmem>>[vector<16xi32>, vector<16xi32>], vector<16xf32>,
      %get3A_163 = arith.constant 14 : i32
      %get3A_164 = arith.index_cast %get3A_163 : i32 to index
      %get3A_165 = arith.index_cast %mul3A_52 : i32 to index
      %get3A_166 = tpu.vector_load %arg4[%get3A_164, %get3A_165] {strides = array<i32>} : memref<16x1568xf32, #tpu.memory_space<vmem>>, vector<16xf32>,
      %add3A_167 = vector.broadcast %mul3A_52 : i32 to vector<16xi32>
      %add3A_168 = arith.addi %add3A_167, %iota3A : vector<16xi32>
      %broadcast_in_dim3A_169 = arith.constant 14 : i32
      %broadcast_in_dim3A_170 = vector.broadcast %broadcast_in_dim3A_169 : i32 to vector<16xi32>
      tpu.vector_store_idx %arg6[%add3A_168, %broadcast_in_dim3A_170], %get3A_166 : memref<1568x16xf32, #tpu.memory_space<vmem>>[vector<16xi32>, vector<16xi32>], vector<16xf32>,
      %get3A_171 = arith.constant 15 : i32
      %get3A_172 = arith.index_cast %get3A_171 : i32 to index
      %get3A_173 = arith.index_cast %mul3A_52 : i32 to index
      %get3A_174 = tpu.vector_load %arg4[%get3A_172, %get3A_173] {strides = array<i32>} : memref<16x1568xf32, #tpu.memory_space<vmem>>, vector<16xf32>,
      %add3A_175 = vector.broadcast %mul3A_52 : i32 to vector<16xi32>
      %add3A_176 = arith.addi %add3A_175, %iota3A : vector<16xi32>
      %broadcast_in_dim3A_177 = arith.constant 15 : i32
      %broadcast_in_dim3A_178 = vector.broadcast %broadcast_in_dim3A_177 : i32 to vector<16xi32>
      tpu.vector_store_idx %arg6[%add3A_176, %broadcast_in_dim3A_178], %get3A_174 : memref<1568x16xf32, #tpu.memory_space<vmem>>[vector<16xi32>, vector<16xi32>], vector<16xf32>,
    }
    %scan3A_19 = arith.constant 98 : i32
    %add3A_20 = arith.constant 0 : i32
    %add3A_21 = arith.addi %mul3A_2, %add3A_20 : i32
    %dma_start3A_22 = arith.constant 0 : i32
    %dma_start3A_23 = tpu.memref_slice %arg3[%add3A_21, %dma_start3A_22] : memref<100352x16xf32, #tpu.memory_space<hbm>> -> memref<1568x16xf32, #tpu.memory_space<hbm>>
    %dma_start3A_24 = arith.constant 0 : i32
    %dma_start3A_25 = tpu.memref_slice %arg3[%add3A_21, %dma_start3A_24] : memref<100352x16xf32, #tpu.memory_space<hbm>> -> memref<1568x16xf32, #tpu.memory_space<hbm>>
    tpu.enqueue_dma source(%arg6 : memref<1568x16xf32, #tpu.memory_space<vmem>>) target(%dma_start3A_25 : memref<1568x16xf32, #tpu.memory_space<hbm>>) target_semaphore(%arg10 : memref<!tpu.dma_semaphore, #tpu.memory_space<semaphore_mem>>)
    %dma_wait3A_26 = arith.constant 0 : i32
    %dma_wait3A_27 = tpu.memref_slice %arg2[%dma_wait3A_26, %add3A_7] : memref<16x100352xf32, #tpu.memory_space<hbm>> -> memref<16x1568xf32, #tpu.memory_space<hbm>>
    %dma_wait3A_28 = arith.constant 0 : i32
    %dma_wait3A_29 = tpu.memref_slice %arg2[%dma_wait3A_28, %add3A_7] : memref<16x100352xf32, #tpu.memory_space<hbm>> -> memref<16x1568xf32, #tpu.memory_space<hbm>>
    tpu.wait_dma2 semaphore(%arg9 : memref<!tpu.dma_semaphore, #tpu.memory_space<semaphore_mem>>) src(%dma_wait3A_29 : memref<16x1568xf32, #tpu.memory_space<hbm>>) dst(%arg5 : memref<16x1568xf32, #tpu.memory_space<vmem>>)
    %scan3A_30 = arith.constant 0 : i32
    %scan3A_31 = arith.constant 0 : i32
    %scan3A_32 = arith.constant 98 : i32
    %scan3A_33 = arith.addi %scan3A_31, %scan3A_32 : i32
    %scan3A_34 = arith.constant 1 : i32
    scf.for %scan3A_50 = %scan3A_31 to %scan3A_33 step %scan3A_34  : i32 {
      %mul3A_51 = arith.constant 16 : i32
      %mul3A_52 = arith.muli %scan3A_50, %mul3A_51 : i32
      %get3A = arith.constant 0 : i32
      %get3A_53 = arith.index_cast %get3A : i32 to index
      %get3A_54 = arith.index_cast %mul3A_52 : i32 to index
      %get3A_55 = tpu.vector_load %arg5[%get3A_53, %get3A_54] {strides = array<i32>} : memref<16x1568xf32, #tpu.memory_space<vmem>>, vector<16xf32>,
      %add3A_56 = vector.broadcast %mul3A_52 : i32 to vector<16xi32>
      %add3A_57 = arith.addi %add3A_56, %iota3A : vector<16xi32>
      %broadcast_in_dim3A = arith.constant 0 : i32
      %broadcast_in_dim3A_58 = vector.broadcast %broadcast_in_dim3A : i32 to vector<16xi32>
      tpu.vector_store_idx %arg7[%add3A_57, %broadcast_in_dim3A_58], %get3A_55 : memref<1568x16xf32, #tpu.memory_space<vmem>>[vector<16xi32>, vector<16xi32>], vector<16xf32>,
      %get3A_59 = arith.constant 1 : i32
      %get3A_60 = arith.index_cast %get3A_59 : i32 to index
      %get3A_61 = arith.index_cast %mul3A_52 : i32 to index
      %get3A_62 = tpu.vector_load %arg5[%get3A_60, %get3A_61] {strides = array<i32>} : memref<16x1568xf32, #tpu.memory_space<vmem>>, vector<16xf32>,
      %add3A_63 = vector.broadcast %mul3A_52 : i32 to vector<16xi32>
      %add3A_64 = arith.addi %add3A_63, %iota3A : vector<16xi32>
      %broadcast_in_dim3A_65 = arith.constant 1 : i32
      %broadcast_in_dim3A_66 = vector.broadcast %broadcast_in_dim3A_65 : i32 to vector<16xi32>
      tpu.vector_store_idx %arg7[%add3A_64, %broadcast_in_dim3A_66], %get3A_62 : memref<1568x16xf32, #tpu.memory_space<vmem>>[vector<16xi32>, vector<16xi32>], vector<16xf32>,
      %get3A_67 = arith.constant 2 : i32
      %get3A_68 = arith.index_cast %get3A_67 : i32 to index
      %get3A_69 = arith.index_cast %mul3A_52 : i32 to index
      %get3A_70 = tpu.vector_load %arg5[%get3A_68, %get3A_69] {strides = array<i32>} : memref<16x1568xf32, #tpu.memory_space<vmem>>, vector<16xf32>,
      %add3A_71 = vector.broadcast %mul3A_52 : i32 to vector<16xi32>
      %add3A_72 = arith.addi %add3A_71, %iota3A : vector<16xi32>
      %broadcast_in_dim3A_73 = arith.constant 2 : i32
      %broadcast_in_dim3A_74 = vector.broadcast %broadcast_in_dim3A_73 : i32 to vector<16xi32>
      tpu.vector_store_idx %arg7[%add3A_72, %broadcast_in_dim3A_74], %get3A_70 : memref<1568x16xf32, #tpu.memory_space<vmem>>[vector<16xi32>, vector<16xi32>], vector<16xf32>,
      %get3A_75 = arith.constant 3 : i32
      %get3A_76 = arith.index_cast %get3A_75 : i32 to index
      %get3A_77 = arith.index_cast %mul3A_52 : i32 to index
      %get3A_78 = tpu.vector_load %arg5[%get3A_76, %get3A_77] {strides = array<i32>} : memref<16x1568xf32, #tpu.memory_space<vmem>>, vector<16xf32>,
      %add3A_79 = vector.broadcast %mul3A_52 : i32 to vector<16xi32>
      %add3A_80 = arith.addi %add3A_79, %iota3A : vector<16xi32>
      %broadcast_in_dim3A_81 = arith.constant 3 : i32
      %broadcast_in_dim3A_82 = vector.broadcast %broadcast_in_dim3A_81 : i32 to vector<16xi32>
      tpu.vector_store_idx %arg7[%add3A_80, %broadcast_in_dim3A_82], %get3A_78 : memref<1568x16xf32, #tpu.memory_space<vmem>>[vector<16xi32>, vector<16xi32>], vector<16xf32>,
      %get3A_83 = arith.constant 4 : i32
      %get3A_84 = arith.index_cast %get3A_83 : i32 to index
      %get3A_85 = arith.index_cast %mul3A_52 : i32 to index
      %get3A_86 = tpu.vector_load %arg5[%get3A_84, %get3A_85] {strides = array<i32>} : memref<16x1568xf32, #tpu.memory_space<vmem>>, vector<16xf32>,
      %add3A_87 = vector.broadcast %mul3A_52 : i32 to vector<16xi32>
      %add3A_88 = arith.addi %add3A_87, %iota3A : vector<16xi32>
      %broadcast_in_dim3A_89 = arith.constant 4 : i32
      %broadcast_in_dim3A_90 = vector.broadcast %broadcast_in_dim3A_89 : i32 to vector<16xi32>
      tpu.vector_store_idx %arg7[%add3A_88, %broadcast_in_dim3A_90], %get3A_86 : memref<1568x16xf32, #tpu.memory_space<vmem>>[vector<16xi32>, vector<16xi32>], vector<16xf32>,
      %get3A_91 = arith.constant 5 : i32
      %get3A_92 = arith.index_cast %get3A_91 : i32 to index
      %get3A_93 = arith.index_cast %mul3A_52 : i32 to index
      %get3A_94 = tpu.vector_load %arg5[%get3A_92, %get3A_93] {strides = array<i32>} : memref<16x1568xf32, #tpu.memory_space<vmem>>, vector<16xf32>,
      %add3A_95 = vector.broadcast %mul3A_52 : i32 to vector<16xi32>
      %add3A_96 = arith.addi %add3A_95, %iota3A : vector<16xi32>
      %broadcast_in_dim3A_97 = arith.constant 5 : i32
      %broadcast_in_dim3A_98 = vector.broadcast %broadcast_in_dim3A_97 : i32 to vector<16xi32>
      tpu.vector_store_idx %arg7[%add3A_96, %broadcast_in_dim3A_98], %get3A_94 : memref<1568x16xf32, #tpu.memory_space<vmem>>[vector<16xi32>, vector<16xi32>], vector<16xf32>,
      %get3A_99 = arith.constant 6 : i32
      %get3A_100 = arith.index_cast %get3A_99 : i32 to index
      %get3A_101 = arith.index_cast %mul3A_52 : i32 to index
      %get3A_102 = tpu.vector_load %arg5[%get3A_100, %get3A_101] {strides = array<i32>} : memref<16x1568xf32, #tpu.memory_space<vmem>>, vector<16xf32>,
      %add3A_103 = vector.broadcast %mul3A_52 : i32 to vector<16xi32>
      %add3A_104 = arith.addi %add3A_103, %iota3A : vector<16xi32>
      %broadcast_in_dim3A_105 = arith.constant 6 : i32
      %broadcast_in_dim3A_106 = vector.broadcast %broadcast_in_dim3A_105 : i32 to vector<16xi32>
      tpu.vector_store_idx %arg7[%add3A_104, %broadcast_in_dim3A_106], %get3A_102 : memref<1568x16xf32, #tpu.memory_space<vmem>>[vector<16xi32>, vector<16xi32>], vector<16xf32>,
      %get3A_107 = arith.constant 7 : i32
      %get3A_108 = arith.index_cast %get3A_107 : i32 to index
      %get3A_109 = arith.index_cast %mul3A_52 : i32 to index
      %get3A_110 = tpu.vector_load %arg5[%get3A_108, %get3A_109] {strides = array<i32>} : memref<16x1568xf32, #tpu.memory_space<vmem>>, vector<16xf32>,
      %add3A_111 = vector.broadcast %mul3A_52 : i32 to vector<16xi32>
      %add3A_112 = arith.addi %add3A_111, %iota3A : vector<16xi32>
      %broadcast_in_dim3A_113 = arith.constant 7 : i32
      %broadcast_in_dim3A_114 = vector.broadcast %broadcast_in_dim3A_113 : i32 to vector<16xi32>
      tpu.vector_store_idx %arg7[%add3A_112, %broadcast_in_dim3A_114], %get3A_110 : memref<1568x16xf32, #tpu.memory_space<vmem>>[vector<16xi32>, vector<16xi32>], vector<16xf32>,
      %get3A_115 = arith.constant 8 : i32
      %get3A_116 = arith.index_cast %get3A_115 : i32 to index
      %get3A_117 = arith.index_cast %mul3A_52 : i32 to index
      %get3A_118 = tpu.vector_load %arg5[%get3A_116, %get3A_117] {strides = array<i32>} : memref<16x1568xf32, #tpu.memory_space<vmem>>, vector<16xf32>,
      %add3A_119 = vector.broadcast %mul3A_52 : i32 to vector<16xi32>
      %add3A_120 = arith.addi %add3A_119, %iota3A : vector<16xi32>
      %broadcast_in_dim3A_121 = arith.constant 8 : i32
      %broadcast_in_dim3A_122 = vector.broadcast %broadcast_in_dim3A_121 : i32 to vector<16xi32>
      tpu.vector_store_idx %arg7[%add3A_120, %broadcast_in_dim3A_122], %get3A_118 : memref<1568x16xf32, #tpu.memory_space<vmem>>[vector<16xi32>, vector<16xi32>], vector<16xf32>,
      %get3A_123 = arith.constant 9 : i32
      %get3A_124 = arith.index_cast %get3A_123 : i32 to index
      %get3A_125 = arith.index_cast %mul3A_52 : i32 to index
      %get3A_126 = tpu.vector_load %arg5[%get3A_124, %get3A_125] {strides = array<i32>} : memref<16x1568xf32, #tpu.memory_space<vmem>>, vector<16xf32>,
      %add3A_127 = vector.broadcast %mul3A_52 : i32 to vector<16xi32>
      %add3A_128 = arith.addi %add3A_127, %iota3A : vector<16xi32>
      %broadcast_in_dim3A_129 = arith.constant 9 : i32
      %broadcast_in_dim3A_130 = vector.broadcast %broadcast_in_dim3A_129 : i32 to vector<16xi32>
      tpu.vector_store_idx %arg7[%add3A_128, %broadcast_in_dim3A_130], %get3A_126 : memref<1568x16xf32, #tpu.memory_space<vmem>>[vector<16xi32>, vector<16xi32>], vector<16xf32>,
      %get3A_131 = arith.constant 10 : i32
      %get3A_132 = arith.index_cast %get3A_131 : i32 to index
      %get3A_133 = arith.index_cast %mul3A_52 : i32 to index
      %get3A_134 = tpu.vector_load %arg5[%get3A_132, %get3A_133] {strides = array<i32>} : memref<16x1568xf32, #tpu.memory_space<vmem>>, vector<16xf32>,
      %add3A_135 = vector.broadcast %mul3A_52 : i32 to vector<16xi32>
      %add3A_136 = arith.addi %add3A_135, %iota3A : vector<16xi32>
      %broadcast_in_dim3A_137 = arith.constant 10 : i32
      %broadcast_in_dim3A_138 = vector.broadcast %broadcast_in_dim3A_137 : i32 to vector<16xi32>
      tpu.vector_store_idx %arg7[%add3A_136, %broadcast_in_dim3A_138], %get3A_134 : memref<1568x16xf32, #tpu.memory_space<vmem>>[vector<16xi32>, vector<16xi32>], vector<16xf32>,
      %get3A_139 = arith.constant 11 : i32
      %get3A_140 = arith.index_cast %get3A_139 : i32 to index
      %get3A_141 = arith.index_cast %mul3A_52 : i32 to index
      %get3A_142 = tpu.vector_load %arg5[%get3A_140, %get3A_141] {strides = array<i32>} : memref<16x1568xf32, #tpu.memory_space<vmem>>, vector<16xf32>,
      %add3A_143 = vector.broadcast %mul3A_52 : i32 to vector<16xi32>
      %add3A_144 = arith.addi %add3A_143, %iota3A : vector<16xi32>
      %broadcast_in_dim3A_145 = arith.constant 11 : i32
      %broadcast_in_dim3A_146 = vector.broadcast %broadcast_in_dim3A_145 : i32 to vector<16xi32>
      tpu.vector_store_idx %arg7[%add3A_144, %broadcast_in_dim3A_146], %get3A_142 : memref<1568x16xf32, #tpu.memory_space<vmem>>[vector<16xi32>, vector<16xi32>], vector<16xf32>,
      %get3A_147 = arith.constant 12 : i32
      %get3A_148 = arith.index_cast %get3A_147 : i32 to index
      %get3A_149 = arith.index_cast %mul3A_52 : i32 to index
      %get3A_150 = tpu.vector_load %arg5[%get3A_148, %get3A_149] {strides = array<i32>} : memref<16x1568xf32, #tpu.memory_space<vmem>>, vector<16xf32>,
      %add3A_151 = vector.broadcast %mul3A_52 : i32 to vector<16xi32>
      %add3A_152 = arith.addi %add3A_151, %iota3A : vector<16xi32>
      %broadcast_in_dim3A_153 = arith.constant 12 : i32
      %broadcast_in_dim3A_154 = vector.broadcast %broadcast_in_dim3A_153 : i32 to vector<16xi32>
      tpu.vector_store_idx %arg7[%add3A_152, %broadcast_in_dim3A_154], %get3A_150 : memref<1568x16xf32, #tpu.memory_space<vmem>>[vector<16xi32>, vector<16xi32>], vector<16xf32>,
      %get3A_155 = arith.constant 13 : i32
      %get3A_156 = arith.index_cast %get3A_155 : i32 to index
      %get3A_157 = arith.index_cast %mul3A_52 : i32 to index
      %get3A_158 = tpu.vector_load %arg5[%get3A_156, %get3A_157] {strides = array<i32>} : memref<16x1568xf32, #tpu.memory_space<vmem>>, vector<16xf32>,
      %add3A_159 = vector.broadcast %mul3A_52 : i32 to vector<16xi32>
      %add3A_160 = arith.addi %add3A_159, %iota3A : vector<16xi32>
      %broadcast_in_dim3A_161 = arith.constant 13 : i32
      %broadcast_in_dim3A_162 = vector.broadcast %broadcast_in_dim3A_161 : i32 to vector<16xi32>
      tpu.vector_store_idx %arg7[%add3A_160, %broadcast_in_dim3A_162], %get3A_158 : memref<1568x16xf32, #tpu.memory_space<vmem>>[vector<16xi32>, vector<16xi32>], vector<16xf32>,
      %get3A_163 = arith.constant 14 : i32
      %get3A_164 = arith.index_cast %get3A_163 : i32 to index
      %get3A_165 = arith.index_cast %mul3A_52 : i32 to index
      %get3A_166 = tpu.vector_load %arg5[%get3A_164, %get3A_165] {strides = array<i32>} : memref<16x1568xf32, #tpu.memory_space<vmem>>, vector<16xf32>,
      %add3A_167 = vector.broadcast %mul3A_52 : i32 to vector<16xi32>
      %add3A_168 = arith.addi %add3A_167, %iota3A : vector<16xi32>
      %broadcast_in_dim3A_169 = arith.constant 14 : i32
      %broadcast_in_dim3A_170 = vector.broadcast %broadcast_in_dim3A_169 : i32 to vector<16xi32>
      tpu.vector_store_idx %arg7[%add3A_168, %broadcast_in_dim3A_170], %get3A_166 : memref<1568x16xf32, #tpu.memory_space<vmem>>[vector<16xi32>, vector<16xi32>], vector<16xf32>,
      %get3A_171 = arith.constant 15 : i32
      %get3A_172 = arith.index_cast %get3A_171 : i32 to index
      %get3A_173 = arith.index_cast %mul3A_52 : i32 to index
      %get3A_174 = tpu.vector_load %arg5[%get3A_172, %get3A_173] {strides = array<i32>} : memref<16x1568xf32, #tpu.memory_space<vmem>>, vector<16xf32>,
      %add3A_175 = vector.broadcast %mul3A_52 : i32 to vector<16xi32>
      %add3A_176 = arith.addi %add3A_175, %iota3A : vector<16xi32>
      %broadcast_in_dim3A_177 = arith.constant 15 : i32
      %broadcast_in_dim3A_178 = vector.broadcast %broadcast_in_dim3A_177 : i32 to vector<16xi32>
      tpu.vector_store_idx %arg7[%add3A_176, %broadcast_in_dim3A_178], %get3A_174 : memref<1568x16xf32, #tpu.memory_space<vmem>>[vector<16xi32>, vector<16xi32>], vector<16xf32>,
    }
    %scan3A_35 = arith.constant 98 : i32
    %add3A_36 = arith.constant 1568 : i32
    %add3A_37 = arith.addi %mul3A_2, %add3A_36 : i32
    %dma_start3A_38 = arith.constant 0 : i32
    %dma_start3A_39 = tpu.memref_slice %arg3[%add3A_37, %dma_start3A_38] : memref<100352x16xf32, #tpu.memory_space<hbm>> -> memref<1568x16xf32, #tpu.memory_space<hbm>>
    %dma_start3A_40 = arith.constant 0 : i32
    %dma_start3A_41 = tpu.memref_slice %arg3[%add3A_37, %dma_start3A_40] : memref<100352x16xf32, #tpu.memory_space<hbm>> -> memref<1568x16xf32, #tpu.memory_space<hbm>>
    tpu.enqueue_dma source(%arg7 : memref<1568x16xf32, #tpu.memory_space<vmem>>) target(%dma_start3A_41 : memref<1568x16xf32, #tpu.memory_space<hbm>>) target_semaphore(%arg11 : memref<!tpu.dma_semaphore, #tpu.memory_space<semaphore_mem>>)
    %dma_wait3A_42 = arith.constant 0 : i32
    %dma_wait3A_43 = tpu.memref_slice %arg3[%add3A_21, %dma_wait3A_42] : memref<100352x16xf32, #tpu.memory_space<hbm>> -> memref<1568x16xf32, #tpu.memory_space<hbm>>
    %dma_wait3A_44 = arith.constant 0 : i32
    %dma_wait3A_45 = tpu.memref_slice %arg3[%add3A_21, %dma_wait3A_44] : memref<100352x16xf32, #tpu.memory_space<hbm>> -> memref<1568x16xf32, #tpu.memory_space<hbm>>
    tpu.wait_dma2 semaphore(%arg10 : memref<!tpu.dma_semaphore, #tpu.memory_space<semaphore_mem>>) src(%arg6 : memref<1568x16xf32, #tpu.memory_space<vmem>>) dst(%dma_wait3A_45 : memref<1568x16xf32, #tpu.memory_space<hbm>>)
    %dma_wait3A_46 = arith.constant 0 : i32
    %dma_wait3A_47 = tpu.memref_slice %arg3[%add3A_37, %dma_wait3A_46] : memref<100352x16xf32, #tpu.memory_space<hbm>> -> memref<1568x16xf32, #tpu.memory_space<hbm>>
    %dma_wait3A_48 = arith.constant 0 : i32
    %dma_wait3A_49 = tpu.memref_slice %arg3[%add3A_37, %dma_wait3A_48] : memref<100352x16xf32, #tpu.memory_space<hbm>> -> memref<1568x16xf32, #tpu.memory_space<hbm>>
    tpu.wait_dma2 semaphore(%arg11 : memref<!tpu.dma_semaphore, #tpu.memory_space<semaphore_mem>>) src(%arg7 : memref<1568x16xf32, #tpu.memory_space<vmem>>) dst(%dma_wait3A_49 : memref<1568x16xf32, #tpu.memory_space<hbm>>)
    return
  }
}

#map = affine_map<(d0, d1) -> (0)>
#map1 = affine_map<(d0, d1) -> (0, 0)>
module attributes {stable_mosaic.version = 14 : i64} {
  func.func @k(%arg0: i32, %arg1: i32, %arg2: memref<819200xi32, #tpu.memory_space<hbm>>, %arg3: memref<100352x16xf32, #tpu.memory_space<hbm>>, %arg4: memref<4096x16xf32, #tpu.memory_space<hbm>>, %arg5: memref<25600xi32, #tpu.memory_space<vmem>>, %arg6: memref<1600x16xf32, #tpu.memory_space<vmem>>, %arg7: memref<1600x16xf32, #tpu.memory_space<vmem>>, %arg8: memref<128x16xf32, #tpu.memory_space<vmem>>, %arg9: memref<!tpu.dma_semaphore, #tpu.memory_space<semaphore_mem>>, %arg10: memref<!tpu.dma_semaphore, #tpu.memory_space<semaphore_mem>>) attributes {dimension_semantics = [#tpu.dimension_semantics<core_parallel>, #tpu.dimension_semantics<subcore_parallel>], iteration_bounds = array<i64: 2, 16>, scalar_prefetch = 0 : i64, scratch_operands = 6 : i64, tpu.core_type = #tpu.core_type<sc_vector_subcore>, window_params = [{transform_indices = #map}, {transform_indices = #map1}, {transform_indices = #map1}]} {
    %mul3A = arith.constant 2 : i32
    %mul3A_0 = arith.muli %arg1, %mul3A : i32
    %add3A = arith.addi %mul3A_0, %arg0 : i32
    %mul3A_1 = arith.constant 128 : i32
    %mul3A_2 = arith.muli %add3A, %mul3A_1 : i32
    %mul3A_3 = arith.constant 200 : i32
    %mul3A_4 = arith.muli %mul3A_2, %mul3A_3 : i32
    "tpu.region"() ({
      %run_scoped3A = tpu.sem_alloc : memref<!tpu.dma_semaphore, #tpu.memory_space<semaphore_mem>>
      %dma_start3A_274 = tpu.memref_slice %arg2[%mul3A_4] : memref<819200xi32, #tpu.memory_space<hbm>> -> memref<25600xi32, #tpu.memory_space<hbm>>
      %dma_start3A_275 = tpu.memref_slice %arg2[%mul3A_4] : memref<819200xi32, #tpu.memory_space<hbm>> -> memref<25600xi32, #tpu.memory_space<hbm>>
      tpu.enqueue_dma source(%dma_start3A_275 : memref<25600xi32, #tpu.memory_space<hbm>>) target(%arg5 : memref<25600xi32, #tpu.memory_space<vmem>>) target_semaphore(%run_scoped3A : memref<!tpu.dma_semaphore, #tpu.memory_space<semaphore_mem>>)
      %dma_wait3A_276 = tpu.memref_slice %arg2[%mul3A_4] : memref<819200xi32, #tpu.memory_space<hbm>> -> memref<25600xi32, #tpu.memory_space<hbm>>
      %dma_wait3A_277 = tpu.memref_slice %arg2[%mul3A_4] : memref<819200xi32, #tpu.memory_space<hbm>> -> memref<25600xi32, #tpu.memory_space<hbm>>
      tpu.wait_dma2 semaphore(%run_scoped3A : memref<!tpu.dma_semaphore, #tpu.memory_space<semaphore_mem>>) src(%dma_wait3A_277 : memref<25600xi32, #tpu.memory_space<hbm>>) dst(%arg5 : memref<25600xi32, #tpu.memory_space<vmem>>)
      tpu.yield
    }) : () -> ()
    %dma_start3A = arith.constant 0 : i32
    %dma_start3A_5 = tpu.memref_slice %arg5[%dma_start3A] : memref<25600xi32, #tpu.memory_space<vmem>> -> memref<1600xi32, #tpu.memory_space<vmem>>
    %dma_start3A_6 = arith.constant 0 : i32
    %dma_start3A_7 = arith.constant 0 : i32
    %dma_start3A_8 = tpu.memref_slice %arg3[%dma_start3A_6, %dma_start3A_7] : memref<100352x16xf32, #tpu.memory_space<hbm>> -> memref<100352x16xf32, #tpu.memory_space<hbm>>
    tpu.enqueue_indirect_dma source(%dma_start3A_8 : memref<100352x16xf32, #tpu.memory_space<hbm>>) target(%arg6 : memref<1600x16xf32, #tpu.memory_space<vmem>>) offsets(%dma_start3A_5 : memref<1600xi32, #tpu.memory_space<vmem>>) semaphore(%arg9 : memref<!tpu.dma_semaphore, #tpu.memory_space<semaphore_mem>>)
    %dma_start3A_9 = arith.constant 1600 : i32
    %dma_start3A_10 = tpu.memref_slice %arg5[%dma_start3A_9] : memref<25600xi32, #tpu.memory_space<vmem>> -> memref<1600xi32, #tpu.memory_space<vmem>>
    %dma_start3A_11 = arith.constant 0 : i32
    %dma_start3A_12 = arith.constant 0 : i32
    %dma_start3A_13 = tpu.memref_slice %arg3[%dma_start3A_11, %dma_start3A_12] : memref<100352x16xf32, #tpu.memory_space<hbm>> -> memref<100352x16xf32, #tpu.memory_space<hbm>>
    tpu.enqueue_indirect_dma source(%dma_start3A_13 : memref<100352x16xf32, #tpu.memory_space<hbm>>) target(%arg7 : memref<1600x16xf32, #tpu.memory_space<vmem>>) offsets(%dma_start3A_10 : memref<1600xi32, #tpu.memory_space<vmem>>) semaphore(%arg10 : memref<!tpu.dma_semaphore, #tpu.memory_space<semaphore_mem>>)
    %dma_wait3A = arith.constant 0 : i32
    %dma_wait3A_14 = tpu.memref_slice %arg5[%dma_wait3A] : memref<25600xi32, #tpu.memory_space<vmem>> -> memref<1600xi32, #tpu.memory_space<vmem>>
    %dma_wait3A_15 = arith.constant 0 : i32
    %dma_wait3A_16 = arith.constant 0 : i32
    %dma_wait3A_17 = tpu.memref_slice %arg3[%dma_wait3A_15, %dma_wait3A_16] : memref<100352x16xf32, #tpu.memory_space<hbm>> -> memref<100352x16xf32, #tpu.memory_space<hbm>>
    tpu.wait_indirect_dma semaphore(%arg9 : memref<!tpu.dma_semaphore, #tpu.memory_space<semaphore_mem>>) src(%dma_wait3A_17 : memref<100352x16xf32, #tpu.memory_space<hbm>>) dst(%arg6 : memref<1600x16xf32, #tpu.memory_space<vmem>>)
    %scan3A = arith.constant 0 : i32
    %scan3A_18 = arith.constant 5.000000e-03 : f32
    %scan3A_19 = arith.constant 0 : i32
    %scan3A_20 = arith.constant 8 : i32
    %scan3A_21 = arith.addi %scan3A_19, %scan3A_20 : i32
    %scan3A_22 = arith.constant 1 : i32
    scf.for %scan3A_274 = %scan3A_19 to %scan3A_21 step %scan3A_22  : i32 {
      %mul3A_275 = arith.constant 200 : i32
      %mul3A_276 = arith.muli %scan3A_274, %mul3A_275 : i32
      %broadcast_in_dim3A = arith.constant 0.000000e+00 : f32
      %broadcast_in_dim3A_277 = vector.broadcast %broadcast_in_dim3A : f32 to vector<16xf32>
      %scan3A_278 = arith.constant 0 : i32
      %scan3A_279 = arith.constant 25 : i32
      %scan3A_280 = arith.addi %scan3A_278, %scan3A_279 : i32
      %scan3A_281 = arith.constant 1 : i32
      %scan3A_282 = scf.for %scan3A_292 = %scan3A_278 to %scan3A_280 step %scan3A_281 iter_args(%scan3A_293 = %broadcast_in_dim3A_277) -> (vector<16xf32>)  : i32 {
        %mul3A_294 = arith.constant 8 : i32
        %mul3A_295 = arith.muli %scan3A_292, %mul3A_294 : i32
        %add3A_296 = arith.addi %mul3A_276, %mul3A_295 : i32
        %get3A = arith.index_cast %add3A_296 : i32 to index
        %get3A_297 = arith.constant 0 : index
        %get3A_298 = tpu.vector_load %arg6[%get3A, %get3A_297] {strides = array<i32>} : memref<1600x16xf32, #tpu.memory_space<vmem>>, vector<1x16xf32>,
        %get3A_299 = vector.shape_cast %get3A_298 : vector<1x16xf32> to vector<16xf32>
        %add3A_300 = arith.constant 1 : i32
        %add3A_301 = arith.addi %add3A_296, %add3A_300 : i32
        %get3A_302 = arith.index_cast %add3A_301 : i32 to index
        %get3A_303 = arith.constant 0 : index
        %get3A_304 = tpu.vector_load %arg6[%get3A_302, %get3A_303] {strides = array<i32>} : memref<1600x16xf32, #tpu.memory_space<vmem>>, vector<1x16xf32>,
        %get3A_305 = vector.shape_cast %get3A_304 : vector<1x16xf32> to vector<16xf32>
        %add3A_306 = arith.addf %get3A_299, %get3A_305 : vector<16xf32>
        %add3A_307 = arith.constant 2 : i32
        %add3A_308 = arith.addi %add3A_296, %add3A_307 : i32
        %get3A_309 = arith.index_cast %add3A_308 : i32 to index
        %get3A_310 = arith.constant 0 : index
        %get3A_311 = tpu.vector_load %arg6[%get3A_309, %get3A_310] {strides = array<i32>} : memref<1600x16xf32, #tpu.memory_space<vmem>>, vector<1x16xf32>,
        %get3A_312 = vector.shape_cast %get3A_311 : vector<1x16xf32> to vector<16xf32>
        %add3A_313 = arith.constant 3 : i32
        %add3A_314 = arith.addi %add3A_296, %add3A_313 : i32
        %get3A_315 = arith.index_cast %add3A_314 : i32 to index
        %get3A_316 = arith.constant 0 : index
        %get3A_317 = tpu.vector_load %arg6[%get3A_315, %get3A_316] {strides = array<i32>} : memref<1600x16xf32, #tpu.memory_space<vmem>>, vector<1x16xf32>,
        %get3A_318 = vector.shape_cast %get3A_317 : vector<1x16xf32> to vector<16xf32>
        %add3A_319 = arith.addf %get3A_312, %get3A_318 : vector<16xf32>
        %add3A_320 = arith.addf %add3A_306, %add3A_319 : vector<16xf32>
        %add3A_321 = arith.constant 4 : i32
        %add3A_322 = arith.addi %add3A_296, %add3A_321 : i32
        %get3A_323 = arith.index_cast %add3A_322 : i32 to index
        %get3A_324 = arith.constant 0 : index
        %get3A_325 = tpu.vector_load %arg6[%get3A_323, %get3A_324] {strides = array<i32>} : memref<1600x16xf32, #tpu.memory_space<vmem>>, vector<1x16xf32>,
        %get3A_326 = vector.shape_cast %get3A_325 : vector<1x16xf32> to vector<16xf32>
        %add3A_327 = arith.constant 5 : i32
        %add3A_328 = arith.addi %add3A_296, %add3A_327 : i32
        %get3A_329 = arith.index_cast %add3A_328 : i32 to index
        %get3A_330 = arith.constant 0 : index
        %get3A_331 = tpu.vector_load %arg6[%get3A_329, %get3A_330] {strides = array<i32>} : memref<1600x16xf32, #tpu.memory_space<vmem>>, vector<1x16xf32>,
        %get3A_332 = vector.shape_cast %get3A_331 : vector<1x16xf32> to vector<16xf32>
        %add3A_333 = arith.addf %get3A_326, %get3A_332 : vector<16xf32>
        %add3A_334 = arith.constant 6 : i32
        %add3A_335 = arith.addi %add3A_296, %add3A_334 : i32
        %get3A_336 = arith.index_cast %add3A_335 : i32 to index
        %get3A_337 = arith.constant 0 : index
        %get3A_338 = tpu.vector_load %arg6[%get3A_336, %get3A_337] {strides = array<i32>} : memref<1600x16xf32, #tpu.memory_space<vmem>>, vector<1x16xf32>,
        %get3A_339 = vector.shape_cast %get3A_338 : vector<1x16xf32> to vector<16xf32>
        %add3A_340 = arith.constant 7 : i32
        %add3A_341 = arith.addi %add3A_296, %add3A_340 : i32
        %get3A_342 = arith.index_cast %add3A_341 : i32 to index
        %get3A_343 = arith.constant 0 : index
        %get3A_344 = tpu.vector_load %arg6[%get3A_342, %get3A_343] {strides = array<i32>} : memref<1600x16xf32, #tpu.memory_space<vmem>>, vector<1x16xf32>,
        %get3A_345 = vector.shape_cast %get3A_344 : vector<1x16xf32> to vector<16xf32>
        %add3A_346 = arith.addf %get3A_339, %get3A_345 : vector<16xf32>
        %add3A_347 = arith.addf %add3A_333, %add3A_346 : vector<16xf32>
        %add3A_348 = arith.addf %add3A_320, %add3A_347 : vector<16xf32>
        %add3A_349 = arith.addf %scan3A_293, %add3A_348 : vector<16xf32>
        scf.yield %add3A_349 : vector<16xf32>
      }
      %scan3A_283 = arith.constant 25 : i32
      %mul3A_284 = vector.broadcast %scan3A_18 : f32 to vector<16xf32>
      %mul3A_285 = arith.mulf %scan3A_282, %mul3A_284 : vector<16xf32>
      %add3A_286 = arith.constant 0 : i32
      %add3A_287 = arith.addi %add3A_286, %scan3A_274 : i32
      %swap3A = arith.index_cast %add3A_287 : i32 to index
      %swap3A_288 = arith.constant 0 : index
      %swap3A_289 = tpu.vector_load %arg8[%swap3A, %swap3A_288] {strides = array<i32>} : memref<128x16xf32, #tpu.memory_space<vmem>>, vector<1x16xf32>,
      %swap3A_290 = vector.shape_cast %swap3A_289 : vector<1x16xf32> to vector<16xf32>
      %swap3A_291 = vector.shape_cast %mul3A_285 : vector<16xf32> to vector<1x16xf32>
      tpu.vector_store %arg8[%swap3A, %swap3A_288], %swap3A_291 {strides = array<i32>} : memref<128x16xf32, #tpu.memory_space<vmem>>, vector<1x16xf32>,
    }
    %scan3A_23 = arith.constant 8 : i32
    %dma_start3A_24 = arith.constant 3200 : i32
    %dma_start3A_25 = tpu.memref_slice %arg5[%dma_start3A_24] : memref<25600xi32, #tpu.memory_space<vmem>> -> memref<1600xi32, #tpu.memory_space<vmem>>
    %dma_start3A_26 = arith.constant 0 : i32
    %dma_start3A_27 = arith.constant 0 : i32
    %dma_start3A_28 = tpu.memref_slice %arg3[%dma_start3A_26, %dma_start3A_27] : memref<100352x16xf32, #tpu.memory_space<hbm>> -> memref<100352x16xf32, #tpu.memory_space<hbm>>
    tpu.enqueue_indirect_dma source(%dma_start3A_28 : memref<100352x16xf32, #tpu.memory_space<hbm>>) target(%arg6 : memref<1600x16xf32, #tpu.memory_space<vmem>>) offsets(%dma_start3A_25 : memref<1600xi32, #tpu.memory_space<vmem>>) semaphore(%arg9 : memref<!tpu.dma_semaphore, #tpu.memory_space<semaphore_mem>>)
    %dma_wait3A_29 = arith.constant 1600 : i32
    %dma_wait3A_30 = tpu.memref_slice %arg5[%dma_wait3A_29] : memref<25600xi32, #tpu.memory_space<vmem>> -> memref<1600xi32, #tpu.memory_space<vmem>>
    %dma_wait3A_31 = arith.constant 0 : i32
    %dma_wait3A_32 = arith.constant 0 : i32
    %dma_wait3A_33 = tpu.memref_slice %arg3[%dma_wait3A_31, %dma_wait3A_32] : memref<100352x16xf32, #tpu.memory_space<hbm>> -> memref<100352x16xf32, #tpu.memory_space<hbm>>
    tpu.wait_indirect_dma semaphore(%arg10 : memref<!tpu.dma_semaphore, #tpu.memory_space<semaphore_mem>>) src(%dma_wait3A_33 : memref<100352x16xf32, #tpu.memory_space<hbm>>) dst(%arg7 : memref<1600x16xf32, #tpu.memory_space<vmem>>)
    %scan3A_34 = arith.constant 0 : i32
    %scan3A_35 = arith.constant 5.000000e-03 : f32
    %scan3A_36 = arith.constant 0 : i32
    %scan3A_37 = arith.constant 8 : i32
    %scan3A_38 = arith.addi %scan3A_36, %scan3A_37 : i32
    %scan3A_39 = arith.constant 1 : i32
    scf.for %scan3A_274 = %scan3A_36 to %scan3A_38 step %scan3A_39  : i32 {
      %mul3A_275 = arith.constant 200 : i32
      %mul3A_276 = arith.muli %scan3A_274, %mul3A_275 : i32
      %broadcast_in_dim3A = arith.constant 0.000000e+00 : f32
      %broadcast_in_dim3A_277 = vector.broadcast %broadcast_in_dim3A : f32 to vector<16xf32>
      %scan3A_278 = arith.constant 0 : i32
      %scan3A_279 = arith.constant 25 : i32
      %scan3A_280 = arith.addi %scan3A_278, %scan3A_279 : i32
      %scan3A_281 = arith.constant 1 : i32
      %scan3A_282 = scf.for %scan3A_292 = %scan3A_278 to %scan3A_280 step %scan3A_281 iter_args(%scan3A_293 = %broadcast_in_dim3A_277) -> (vector<16xf32>)  : i32 {
        %mul3A_294 = arith.constant 8 : i32
        %mul3A_295 = arith.muli %scan3A_292, %mul3A_294 : i32
        %add3A_296 = arith.addi %mul3A_276, %mul3A_295 : i32
        %get3A = arith.index_cast %add3A_296 : i32 to index
        %get3A_297 = arith.constant 0 : index
        %get3A_298 = tpu.vector_load %arg7[%get3A, %get3A_297] {strides = array<i32>} : memref<1600x16xf32, #tpu.memory_space<vmem>>, vector<1x16xf32>,
        %get3A_299 = vector.shape_cast %get3A_298 : vector<1x16xf32> to vector<16xf32>
        %add3A_300 = arith.constant 1 : i32
        %add3A_301 = arith.addi %add3A_296, %add3A_300 : i32
        %get3A_302 = arith.index_cast %add3A_301 : i32 to index
        %get3A_303 = arith.constant 0 : index
        %get3A_304 = tpu.vector_load %arg7[%get3A_302, %get3A_303] {strides = array<i32>} : memref<1600x16xf32, #tpu.memory_space<vmem>>, vector<1x16xf32>,
        %get3A_305 = vector.shape_cast %get3A_304 : vector<1x16xf32> to vector<16xf32>
        %add3A_306 = arith.addf %get3A_299, %get3A_305 : vector<16xf32>
        %add3A_307 = arith.constant 2 : i32
        %add3A_308 = arith.addi %add3A_296, %add3A_307 : i32
        %get3A_309 = arith.index_cast %add3A_308 : i32 to index
        %get3A_310 = arith.constant 0 : index
        %get3A_311 = tpu.vector_load %arg7[%get3A_309, %get3A_310] {strides = array<i32>} : memref<1600x16xf32, #tpu.memory_space<vmem>>, vector<1x16xf32>,
        %get3A_312 = vector.shape_cast %get3A_311 : vector<1x16xf32> to vector<16xf32>
        %add3A_313 = arith.constant 3 : i32
        %add3A_314 = arith.addi %add3A_296, %add3A_313 : i32
        %get3A_315 = arith.index_cast %add3A_314 : i32 to index
        %get3A_316 = arith.constant 0 : index
        %get3A_317 = tpu.vector_load %arg7[%get3A_315, %get3A_316] {strides = array<i32>} : memref<1600x16xf32, #tpu.memory_space<vmem>>, vector<1x16xf32>,
        %get3A_318 = vector.shape_cast %get3A_317 : vector<1x16xf32> to vector<16xf32>
        %add3A_319 = arith.addf %get3A_312, %get3A_318 : vector<16xf32>
        %add3A_320 = arith.addf %add3A_306, %add3A_319 : vector<16xf32>
        %add3A_321 = arith.constant 4 : i32
        %add3A_322 = arith.addi %add3A_296, %add3A_321 : i32
        %get3A_323 = arith.index_cast %add3A_322 : i32 to index
        %get3A_324 = arith.constant 0 : index
        %get3A_325 = tpu.vector_load %arg7[%get3A_323, %get3A_324] {strides = array<i32>} : memref<1600x16xf32, #tpu.memory_space<vmem>>, vector<1x16xf32>,
        %get3A_326 = vector.shape_cast %get3A_325 : vector<1x16xf32> to vector<16xf32>
        %add3A_327 = arith.constant 5 : i32
        %add3A_328 = arith.addi %add3A_296, %add3A_327 : i32
        %get3A_329 = arith.index_cast %add3A_328 : i32 to index
        %get3A_330 = arith.constant 0 : index
        %get3A_331 = tpu.vector_load %arg7[%get3A_329, %get3A_330] {strides = array<i32>} : memref<1600x16xf32, #tpu.memory_space<vmem>>, vector<1x16xf32>,
        %get3A_332 = vector.shape_cast %get3A_331 : vector<1x16xf32> to vector<16xf32>
        %add3A_333 = arith.addf %get3A_326, %get3A_332 : vector<16xf32>
        %add3A_334 = arith.constant 6 : i32
        %add3A_335 = arith.addi %add3A_296, %add3A_334 : i32
        %get3A_336 = arith.index_cast %add3A_335 : i32 to index
        %get3A_337 = arith.constant 0 : index
        %get3A_338 = tpu.vector_load %arg7[%get3A_336, %get3A_337] {strides = array<i32>} : memref<1600x16xf32, #tpu.memory_space<vmem>>, vector<1x16xf32>,
        %get3A_339 = vector.shape_cast %get3A_338 : vector<1x16xf32> to vector<16xf32>
        %add3A_340 = arith.constant 7 : i32
        %add3A_341 = arith.addi %add3A_296, %add3A_340 : i32
        %get3A_342 = arith.index_cast %add3A_341 : i32 to index
        %get3A_343 = arith.constant 0 : index
        %get3A_344 = tpu.vector_load %arg7[%get3A_342, %get3A_343] {strides = array<i32>} : memref<1600x16xf32, #tpu.memory_space<vmem>>, vector<1x16xf32>,
        %get3A_345 = vector.shape_cast %get3A_344 : vector<1x16xf32> to vector<16xf32>
        %add3A_346 = arith.addf %get3A_339, %get3A_345 : vector<16xf32>
        %add3A_347 = arith.addf %add3A_333, %add3A_346 : vector<16xf32>
        %add3A_348 = arith.addf %add3A_320, %add3A_347 : vector<16xf32>
        %add3A_349 = arith.addf %scan3A_293, %add3A_348 : vector<16xf32>
        scf.yield %add3A_349 : vector<16xf32>
      }
      %scan3A_283 = arith.constant 25 : i32
      %mul3A_284 = vector.broadcast %scan3A_35 : f32 to vector<16xf32>
      %mul3A_285 = arith.mulf %scan3A_282, %mul3A_284 : vector<16xf32>
      %add3A_286 = arith.constant 8 : i32
      %add3A_287 = arith.addi %add3A_286, %scan3A_274 : i32
      %swap3A = arith.index_cast %add3A_287 : i32 to index
      %swap3A_288 = arith.constant 0 : index
      %swap3A_289 = tpu.vector_load %arg8[%swap3A, %swap3A_288] {strides = array<i32>} : memref<128x16xf32, #tpu.memory_space<vmem>>, vector<1x16xf32>,
      %swap3A_290 = vector.shape_cast %swap3A_289 : vector<1x16xf32> to vector<16xf32>
      %swap3A_291 = vector.shape_cast %mul3A_285 : vector<16xf32> to vector<1x16xf32>
      tpu.vector_store %arg8[%swap3A, %swap3A_288], %swap3A_291 {strides = array<i32>} : memref<128x16xf32, #tpu.memory_space<vmem>>, vector<1x16xf32>,
    }
    %scan3A_40 = arith.constant 8 : i32
    %dma_start3A_41 = arith.constant 4800 : i32
    %dma_start3A_42 = tpu.memref_slice %arg5[%dma_start3A_41] : memref<25600xi32, #tpu.memory_space<vmem>> -> memref<1600xi32, #tpu.memory_space<vmem>>
    %dma_start3A_43 = arith.constant 0 : i32
    %dma_start3A_44 = arith.constant 0 : i32
    %dma_start3A_45 = tpu.memref_slice %arg3[%dma_start3A_43, %dma_start3A_44] : memref<100352x16xf32, #tpu.memory_space<hbm>> -> memref<100352x16xf32, #tpu.memory_space<hbm>>
    tpu.enqueue_indirect_dma source(%dma_start3A_45 : memref<100352x16xf32, #tpu.memory_space<hbm>>) target(%arg7 : memref<1600x16xf32, #tpu.memory_space<vmem>>) offsets(%dma_start3A_42 : memref<1600xi32, #tpu.memory_space<vmem>>) semaphore(%arg10 : memref<!tpu.dma_semaphore, #tpu.memory_space<semaphore_mem>>)
    %dma_wait3A_46 = arith.constant 3200 : i32
    %dma_wait3A_47 = tpu.memref_slice %arg5[%dma_wait3A_46] : memref<25600xi32, #tpu.memory_space<vmem>> -> memref<1600xi32, #tpu.memory_space<vmem>>
    %dma_wait3A_48 = arith.constant 0 : i32
    %dma_wait3A_49 = arith.constant 0 : i32
    %dma_wait3A_50 = tpu.memref_slice %arg3[%dma_wait3A_48, %dma_wait3A_49] : memref<100352x16xf32, #tpu.memory_space<hbm>> -> memref<100352x16xf32, #tpu.memory_space<hbm>>
    tpu.wait_indirect_dma semaphore(%arg9 : memref<!tpu.dma_semaphore, #tpu.memory_space<semaphore_mem>>) src(%dma_wait3A_50 : memref<100352x16xf32, #tpu.memory_space<hbm>>) dst(%arg6 : memref<1600x16xf32, #tpu.memory_space<vmem>>)
    %scan3A_51 = arith.constant 0 : i32
    %scan3A_52 = arith.constant 5.000000e-03 : f32
    %scan3A_53 = arith.constant 0 : i32
    %scan3A_54 = arith.constant 8 : i32
    %scan3A_55 = arith.addi %scan3A_53, %scan3A_54 : i32
    %scan3A_56 = arith.constant 1 : i32
    scf.for %scan3A_274 = %scan3A_53 to %scan3A_55 step %scan3A_56  : i32 {
      %mul3A_275 = arith.constant 200 : i32
      %mul3A_276 = arith.muli %scan3A_274, %mul3A_275 : i32
      %broadcast_in_dim3A = arith.constant 0.000000e+00 : f32
      %broadcast_in_dim3A_277 = vector.broadcast %broadcast_in_dim3A : f32 to vector<16xf32>
      %scan3A_278 = arith.constant 0 : i32
      %scan3A_279 = arith.constant 25 : i32
      %scan3A_280 = arith.addi %scan3A_278, %scan3A_279 : i32
      %scan3A_281 = arith.constant 1 : i32
      %scan3A_282 = scf.for %scan3A_292 = %scan3A_278 to %scan3A_280 step %scan3A_281 iter_args(%scan3A_293 = %broadcast_in_dim3A_277) -> (vector<16xf32>)  : i32 {
        %mul3A_294 = arith.constant 8 : i32
        %mul3A_295 = arith.muli %scan3A_292, %mul3A_294 : i32
        %add3A_296 = arith.addi %mul3A_276, %mul3A_295 : i32
        %get3A = arith.index_cast %add3A_296 : i32 to index
        %get3A_297 = arith.constant 0 : index
        %get3A_298 = tpu.vector_load %arg6[%get3A, %get3A_297] {strides = array<i32>} : memref<1600x16xf32, #tpu.memory_space<vmem>>, vector<1x16xf32>,
        %get3A_299 = vector.shape_cast %get3A_298 : vector<1x16xf32> to vector<16xf32>
        %add3A_300 = arith.constant 1 : i32
        %add3A_301 = arith.addi %add3A_296, %add3A_300 : i32
        %get3A_302 = arith.index_cast %add3A_301 : i32 to index
        %get3A_303 = arith.constant 0 : index
        %get3A_304 = tpu.vector_load %arg6[%get3A_302, %get3A_303] {strides = array<i32>} : memref<1600x16xf32, #tpu.memory_space<vmem>>, vector<1x16xf32>,
        %get3A_305 = vector.shape_cast %get3A_304 : vector<1x16xf32> to vector<16xf32>
        %add3A_306 = arith.addf %get3A_299, %get3A_305 : vector<16xf32>
        %add3A_307 = arith.constant 2 : i32
        %add3A_308 = arith.addi %add3A_296, %add3A_307 : i32
        %get3A_309 = arith.index_cast %add3A_308 : i32 to index
        %get3A_310 = arith.constant 0 : index
        %get3A_311 = tpu.vector_load %arg6[%get3A_309, %get3A_310] {strides = array<i32>} : memref<1600x16xf32, #tpu.memory_space<vmem>>, vector<1x16xf32>,
        %get3A_312 = vector.shape_cast %get3A_311 : vector<1x16xf32> to vector<16xf32>
        %add3A_313 = arith.constant 3 : i32
        %add3A_314 = arith.addi %add3A_296, %add3A_313 : i32
        %get3A_315 = arith.index_cast %add3A_314 : i32 to index
        %get3A_316 = arith.constant 0 : index
        %get3A_317 = tpu.vector_load %arg6[%get3A_315, %get3A_316] {strides = array<i32>} : memref<1600x16xf32, #tpu.memory_space<vmem>>, vector<1x16xf32>,
        %get3A_318 = vector.shape_cast %get3A_317 : vector<1x16xf32> to vector<16xf32>
        %add3A_319 = arith.addf %get3A_312, %get3A_318 : vector<16xf32>
        %add3A_320 = arith.addf %add3A_306, %add3A_319 : vector<16xf32>
        %add3A_321 = arith.constant 4 : i32
        %add3A_322 = arith.addi %add3A_296, %add3A_321 : i32
        %get3A_323 = arith.index_cast %add3A_322 : i32 to index
        %get3A_324 = arith.constant 0 : index
        %get3A_325 = tpu.vector_load %arg6[%get3A_323, %get3A_324] {strides = array<i32>} : memref<1600x16xf32, #tpu.memory_space<vmem>>, vector<1x16xf32>,
        %get3A_326 = vector.shape_cast %get3A_325 : vector<1x16xf32> to vector<16xf32>
        %add3A_327 = arith.constant 5 : i32
        %add3A_328 = arith.addi %add3A_296, %add3A_327 : i32
        %get3A_329 = arith.index_cast %add3A_328 : i32 to index
        %get3A_330 = arith.constant 0 : index
        %get3A_331 = tpu.vector_load %arg6[%get3A_329, %get3A_330] {strides = array<i32>} : memref<1600x16xf32, #tpu.memory_space<vmem>>, vector<1x16xf32>,
        %get3A_332 = vector.shape_cast %get3A_331 : vector<1x16xf32> to vector<16xf32>
        %add3A_333 = arith.addf %get3A_326, %get3A_332 : vector<16xf32>
        %add3A_334 = arith.constant 6 : i32
        %add3A_335 = arith.addi %add3A_296, %add3A_334 : i32
        %get3A_336 = arith.index_cast %add3A_335 : i32 to index
        %get3A_337 = arith.constant 0 : index
        %get3A_338 = tpu.vector_load %arg6[%get3A_336, %get3A_337] {strides = array<i32>} : memref<1600x16xf32, #tpu.memory_space<vmem>>, vector<1x16xf32>,
        %get3A_339 = vector.shape_cast %get3A_338 : vector<1x16xf32> to vector<16xf32>
        %add3A_340 = arith.constant 7 : i32
        %add3A_341 = arith.addi %add3A_296, %add3A_340 : i32
        %get3A_342 = arith.index_cast %add3A_341 : i32 to index
        %get3A_343 = arith.constant 0 : index
        %get3A_344 = tpu.vector_load %arg6[%get3A_342, %get3A_343] {strides = array<i32>} : memref<1600x16xf32, #tpu.memory_space<vmem>>, vector<1x16xf32>,
        %get3A_345 = vector.shape_cast %get3A_344 : vector<1x16xf32> to vector<16xf32>
        %add3A_346 = arith.addf %get3A_339, %get3A_345 : vector<16xf32>
        %add3A_347 = arith.addf %add3A_333, %add3A_346 : vector<16xf32>
        %add3A_348 = arith.addf %add3A_320, %add3A_347 : vector<16xf32>
        %add3A_349 = arith.addf %scan3A_293, %add3A_348 : vector<16xf32>
        scf.yield %add3A_349 : vector<16xf32>
      }
      %scan3A_283 = arith.constant 25 : i32
      %mul3A_284 = vector.broadcast %scan3A_52 : f32 to vector<16xf32>
      %mul3A_285 = arith.mulf %scan3A_282, %mul3A_284 : vector<16xf32>
      %add3A_286 = arith.constant 16 : i32
      %add3A_287 = arith.addi %add3A_286, %scan3A_274 : i32
      %swap3A = arith.index_cast %add3A_287 : i32 to index
      %swap3A_288 = arith.constant 0 : index
      %swap3A_289 = tpu.vector_load %arg8[%swap3A, %swap3A_288] {strides = array<i32>} : memref<128x16xf32, #tpu.memory_space<vmem>>, vector<1x16xf32>,
      %swap3A_290 = vector.shape_cast %swap3A_289 : vector<1x16xf32> to vector<16xf32>
      %swap3A_291 = vector.shape_cast %mul3A_285 : vector<16xf32> to vector<1x16xf32>
      tpu.vector_store %arg8[%swap3A, %swap3A_288], %swap3A_291 {strides = array<i32>} : memref<128x16xf32, #tpu.memory_space<vmem>>, vector<1x16xf32>,
    }
    %scan3A_57 = arith.constant 8 : i32
    %dma_start3A_58 = arith.constant 6400 : i32
    %dma_start3A_59 = tpu.memref_slice %arg5[%dma_start3A_58] : memref<25600xi32, #tpu.memory_space<vmem>> -> memref<1600xi32, #tpu.memory_space<vmem>>
    %dma_start3A_60 = arith.constant 0 : i32
    %dma_start3A_61 = arith.constant 0 : i32
    %dma_start3A_62 = tpu.memref_slice %arg3[%dma_start3A_60, %dma_start3A_61] : memref<100352x16xf32, #tpu.memory_space<hbm>> -> memref<100352x16xf32, #tpu.memory_space<hbm>>
    tpu.enqueue_indirect_dma source(%dma_start3A_62 : memref<100352x16xf32, #tpu.memory_space<hbm>>) target(%arg6 : memref<1600x16xf32, #tpu.memory_space<vmem>>) offsets(%dma_start3A_59 : memref<1600xi32, #tpu.memory_space<vmem>>) semaphore(%arg9 : memref<!tpu.dma_semaphore, #tpu.memory_space<semaphore_mem>>)
    %dma_wait3A_63 = arith.constant 4800 : i32
    %dma_wait3A_64 = tpu.memref_slice %arg5[%dma_wait3A_63] : memref<25600xi32, #tpu.memory_space<vmem>> -> memref<1600xi32, #tpu.memory_space<vmem>>
    %dma_wait3A_65 = arith.constant 0 : i32
    %dma_wait3A_66 = arith.constant 0 : i32
    %dma_wait3A_67 = tpu.memref_slice %arg3[%dma_wait3A_65, %dma_wait3A_66] : memref<100352x16xf32, #tpu.memory_space<hbm>> -> memref<100352x16xf32, #tpu.memory_space<hbm>>
    tpu.wait_indirect_dma semaphore(%arg10 : memref<!tpu.dma_semaphore, #tpu.memory_space<semaphore_mem>>) src(%dma_wait3A_67 : memref<100352x16xf32, #tpu.memory_space<hbm>>) dst(%arg7 : memref<1600x16xf32, #tpu.memory_space<vmem>>)
    %scan3A_68 = arith.constant 0 : i32
    %scan3A_69 = arith.constant 5.000000e-03 : f32
    %scan3A_70 = arith.constant 0 : i32
    %scan3A_71 = arith.constant 8 : i32
    %scan3A_72 = arith.addi %scan3A_70, %scan3A_71 : i32
    %scan3A_73 = arith.constant 1 : i32
    scf.for %scan3A_274 = %scan3A_70 to %scan3A_72 step %scan3A_73  : i32 {
      %mul3A_275 = arith.constant 200 : i32
      %mul3A_276 = arith.muli %scan3A_274, %mul3A_275 : i32
      %broadcast_in_dim3A = arith.constant 0.000000e+00 : f32
      %broadcast_in_dim3A_277 = vector.broadcast %broadcast_in_dim3A : f32 to vector<16xf32>
      %scan3A_278 = arith.constant 0 : i32
      %scan3A_279 = arith.constant 25 : i32
      %scan3A_280 = arith.addi %scan3A_278, %scan3A_279 : i32
      %scan3A_281 = arith.constant 1 : i32
      %scan3A_282 = scf.for %scan3A_292 = %scan3A_278 to %scan3A_280 step %scan3A_281 iter_args(%scan3A_293 = %broadcast_in_dim3A_277) -> (vector<16xf32>)  : i32 {
        %mul3A_294 = arith.constant 8 : i32
        %mul3A_295 = arith.muli %scan3A_292, %mul3A_294 : i32
        %add3A_296 = arith.addi %mul3A_276, %mul3A_295 : i32
        %get3A = arith.index_cast %add3A_296 : i32 to index
        %get3A_297 = arith.constant 0 : index
        %get3A_298 = tpu.vector_load %arg7[%get3A, %get3A_297] {strides = array<i32>} : memref<1600x16xf32, #tpu.memory_space<vmem>>, vector<1x16xf32>,
        %get3A_299 = vector.shape_cast %get3A_298 : vector<1x16xf32> to vector<16xf32>
        %add3A_300 = arith.constant 1 : i32
        %add3A_301 = arith.addi %add3A_296, %add3A_300 : i32
        %get3A_302 = arith.index_cast %add3A_301 : i32 to index
        %get3A_303 = arith.constant 0 : index
        %get3A_304 = tpu.vector_load %arg7[%get3A_302, %get3A_303] {strides = array<i32>} : memref<1600x16xf32, #tpu.memory_space<vmem>>, vector<1x16xf32>,
        %get3A_305 = vector.shape_cast %get3A_304 : vector<1x16xf32> to vector<16xf32>
        %add3A_306 = arith.addf %get3A_299, %get3A_305 : vector<16xf32>
        %add3A_307 = arith.constant 2 : i32
        %add3A_308 = arith.addi %add3A_296, %add3A_307 : i32
        %get3A_309 = arith.index_cast %add3A_308 : i32 to index
        %get3A_310 = arith.constant 0 : index
        %get3A_311 = tpu.vector_load %arg7[%get3A_309, %get3A_310] {strides = array<i32>} : memref<1600x16xf32, #tpu.memory_space<vmem>>, vector<1x16xf32>,
        %get3A_312 = vector.shape_cast %get3A_311 : vector<1x16xf32> to vector<16xf32>
        %add3A_313 = arith.constant 3 : i32
        %add3A_314 = arith.addi %add3A_296, %add3A_313 : i32
        %get3A_315 = arith.index_cast %add3A_314 : i32 to index
        %get3A_316 = arith.constant 0 : index
        %get3A_317 = tpu.vector_load %arg7[%get3A_315, %get3A_316] {strides = array<i32>} : memref<1600x16xf32, #tpu.memory_space<vmem>>, vector<1x16xf32>,
        %get3A_318 = vector.shape_cast %get3A_317 : vector<1x16xf32> to vector<16xf32>
        %add3A_319 = arith.addf %get3A_312, %get3A_318 : vector<16xf32>
        %add3A_320 = arith.addf %add3A_306, %add3A_319 : vector<16xf32>
        %add3A_321 = arith.constant 4 : i32
        %add3A_322 = arith.addi %add3A_296, %add3A_321 : i32
        %get3A_323 = arith.index_cast %add3A_322 : i32 to index
        %get3A_324 = arith.constant 0 : index
        %get3A_325 = tpu.vector_load %arg7[%get3A_323, %get3A_324] {strides = array<i32>} : memref<1600x16xf32, #tpu.memory_space<vmem>>, vector<1x16xf32>,
        %get3A_326 = vector.shape_cast %get3A_325 : vector<1x16xf32> to vector<16xf32>
        %add3A_327 = arith.constant 5 : i32
        %add3A_328 = arith.addi %add3A_296, %add3A_327 : i32
        %get3A_329 = arith.index_cast %add3A_328 : i32 to index
        %get3A_330 = arith.constant 0 : index
        %get3A_331 = tpu.vector_load %arg7[%get3A_329, %get3A_330] {strides = array<i32>} : memref<1600x16xf32, #tpu.memory_space<vmem>>, vector<1x16xf32>,
        %get3A_332 = vector.shape_cast %get3A_331 : vector<1x16xf32> to vector<16xf32>
        %add3A_333 = arith.addf %get3A_326, %get3A_332 : vector<16xf32>
        %add3A_334 = arith.constant 6 : i32
        %add3A_335 = arith.addi %add3A_296, %add3A_334 : i32
        %get3A_336 = arith.index_cast %add3A_335 : i32 to index
        %get3A_337 = arith.constant 0 : index
        %get3A_338 = tpu.vector_load %arg7[%get3A_336, %get3A_337] {strides = array<i32>} : memref<1600x16xf32, #tpu.memory_space<vmem>>, vector<1x16xf32>,
        %get3A_339 = vector.shape_cast %get3A_338 : vector<1x16xf32> to vector<16xf32>
        %add3A_340 = arith.constant 7 : i32
        %add3A_341 = arith.addi %add3A_296, %add3A_340 : i32
        %get3A_342 = arith.index_cast %add3A_341 : i32 to index
        %get3A_343 = arith.constant 0 : index
        %get3A_344 = tpu.vector_load %arg7[%get3A_342, %get3A_343] {strides = array<i32>} : memref<1600x16xf32, #tpu.memory_space<vmem>>, vector<1x16xf32>,
        %get3A_345 = vector.shape_cast %get3A_344 : vector<1x16xf32> to vector<16xf32>
        %add3A_346 = arith.addf %get3A_339, %get3A_345 : vector<16xf32>
        %add3A_347 = arith.addf %add3A_333, %add3A_346 : vector<16xf32>
        %add3A_348 = arith.addf %add3A_320, %add3A_347 : vector<16xf32>
        %add3A_349 = arith.addf %scan3A_293, %add3A_348 : vector<16xf32>
        scf.yield %add3A_349 : vector<16xf32>
      }
      %scan3A_283 = arith.constant 25 : i32
      %mul3A_284 = vector.broadcast %scan3A_69 : f32 to vector<16xf32>
      %mul3A_285 = arith.mulf %scan3A_282, %mul3A_284 : vector<16xf32>
      %add3A_286 = arith.constant 24 : i32
      %add3A_287 = arith.addi %add3A_286, %scan3A_274 : i32
      %swap3A = arith.index_cast %add3A_287 : i32 to index
      %swap3A_288 = arith.constant 0 : index
      %swap3A_289 = tpu.vector_load %arg8[%swap3A, %swap3A_288] {strides = array<i32>} : memref<128x16xf32, #tpu.memory_space<vmem>>, vector<1x16xf32>,
      %swap3A_290 = vector.shape_cast %swap3A_289 : vector<1x16xf32> to vector<16xf32>
      %swap3A_291 = vector.shape_cast %mul3A_285 : vector<16xf32> to vector<1x16xf32>
      tpu.vector_store %arg8[%swap3A, %swap3A_288], %swap3A_291 {strides = array<i32>} : memref<128x16xf32, #tpu.memory_space<vmem>>, vector<1x16xf32>,
    }
    %scan3A_74 = arith.constant 8 : i32
    %dma_start3A_75 = arith.constant 8000 : i32
    %dma_start3A_76 = tpu.memref_slice %arg5[%dma_start3A_75] : memref<25600xi32, #tpu.memory_space<vmem>> -> memref<1600xi32, #tpu.memory_space<vmem>>
    %dma_start3A_77 = arith.constant 0 : i32
    %dma_start3A_78 = arith.constant 0 : i32
    %dma_start3A_79 = tpu.memref_slice %arg3[%dma_start3A_77, %dma_start3A_78] : memref<100352x16xf32, #tpu.memory_space<hbm>> -> memref<100352x16xf32, #tpu.memory_space<hbm>>
    tpu.enqueue_indirect_dma source(%dma_start3A_79 : memref<100352x16xf32, #tpu.memory_space<hbm>>) target(%arg7 : memref<1600x16xf32, #tpu.memory_space<vmem>>) offsets(%dma_start3A_76 : memref<1600xi32, #tpu.memory_space<vmem>>) semaphore(%arg10 : memref<!tpu.dma_semaphore, #tpu.memory_space<semaphore_mem>>)
    %dma_wait3A_80 = arith.constant 6400 : i32
    %dma_wait3A_81 = tpu.memref_slice %arg5[%dma_wait3A_80] : memref<25600xi32, #tpu.memory_space<vmem>> -> memref<1600xi32, #tpu.memory_space<vmem>>
    %dma_wait3A_82 = arith.constant 0 : i32
    %dma_wait3A_83 = arith.constant 0 : i32
    %dma_wait3A_84 = tpu.memref_slice %arg3[%dma_wait3A_82, %dma_wait3A_83] : memref<100352x16xf32, #tpu.memory_space<hbm>> -> memref<100352x16xf32, #tpu.memory_space<hbm>>
    tpu.wait_indirect_dma semaphore(%arg9 : memref<!tpu.dma_semaphore, #tpu.memory_space<semaphore_mem>>) src(%dma_wait3A_84 : memref<100352x16xf32, #tpu.memory_space<hbm>>) dst(%arg6 : memref<1600x16xf32, #tpu.memory_space<vmem>>)
    %scan3A_85 = arith.constant 0 : i32
    %scan3A_86 = arith.constant 5.000000e-03 : f32
    %scan3A_87 = arith.constant 0 : i32
    %scan3A_88 = arith.constant 8 : i32
    %scan3A_89 = arith.addi %scan3A_87, %scan3A_88 : i32
    %scan3A_90 = arith.constant 1 : i32
    scf.for %scan3A_274 = %scan3A_87 to %scan3A_89 step %scan3A_90  : i32 {
      %mul3A_275 = arith.constant 200 : i32
      %mul3A_276 = arith.muli %scan3A_274, %mul3A_275 : i32
      %broadcast_in_dim3A = arith.constant 0.000000e+00 : f32
      %broadcast_in_dim3A_277 = vector.broadcast %broadcast_in_dim3A : f32 to vector<16xf32>
      %scan3A_278 = arith.constant 0 : i32
      %scan3A_279 = arith.constant 25 : i32
      %scan3A_280 = arith.addi %scan3A_278, %scan3A_279 : i32
      %scan3A_281 = arith.constant 1 : i32
      %scan3A_282 = scf.for %scan3A_292 = %scan3A_278 to %scan3A_280 step %scan3A_281 iter_args(%scan3A_293 = %broadcast_in_dim3A_277) -> (vector<16xf32>)  : i32 {
        %mul3A_294 = arith.constant 8 : i32
        %mul3A_295 = arith.muli %scan3A_292, %mul3A_294 : i32
        %add3A_296 = arith.addi %mul3A_276, %mul3A_295 : i32
        %get3A = arith.index_cast %add3A_296 : i32 to index
        %get3A_297 = arith.constant 0 : index
        %get3A_298 = tpu.vector_load %arg6[%get3A, %get3A_297] {strides = array<i32>} : memref<1600x16xf32, #tpu.memory_space<vmem>>, vector<1x16xf32>,
        %get3A_299 = vector.shape_cast %get3A_298 : vector<1x16xf32> to vector<16xf32>
        %add3A_300 = arith.constant 1 : i32
        %add3A_301 = arith.addi %add3A_296, %add3A_300 : i32
        %get3A_302 = arith.index_cast %add3A_301 : i32 to index
        %get3A_303 = arith.constant 0 : index
        %get3A_304 = tpu.vector_load %arg6[%get3A_302, %get3A_303] {strides = array<i32>} : memref<1600x16xf32, #tpu.memory_space<vmem>>, vector<1x16xf32>,
        %get3A_305 = vector.shape_cast %get3A_304 : vector<1x16xf32> to vector<16xf32>
        %add3A_306 = arith.addf %get3A_299, %get3A_305 : vector<16xf32>
        %add3A_307 = arith.constant 2 : i32
        %add3A_308 = arith.addi %add3A_296, %add3A_307 : i32
        %get3A_309 = arith.index_cast %add3A_308 : i32 to index
        %get3A_310 = arith.constant 0 : index
        %get3A_311 = tpu.vector_load %arg6[%get3A_309, %get3A_310] {strides = array<i32>} : memref<1600x16xf32, #tpu.memory_space<vmem>>, vector<1x16xf32>,
        %get3A_312 = vector.shape_cast %get3A_311 : vector<1x16xf32> to vector<16xf32>
        %add3A_313 = arith.constant 3 : i32
        %add3A_314 = arith.addi %add3A_296, %add3A_313 : i32
        %get3A_315 = arith.index_cast %add3A_314 : i32 to index
        %get3A_316 = arith.constant 0 : index
        %get3A_317 = tpu.vector_load %arg6[%get3A_315, %get3A_316] {strides = array<i32>} : memref<1600x16xf32, #tpu.memory_space<vmem>>, vector<1x16xf32>,
        %get3A_318 = vector.shape_cast %get3A_317 : vector<1x16xf32> to vector<16xf32>
        %add3A_319 = arith.addf %get3A_312, %get3A_318 : vector<16xf32>
        %add3A_320 = arith.addf %add3A_306, %add3A_319 : vector<16xf32>
        %add3A_321 = arith.constant 4 : i32
        %add3A_322 = arith.addi %add3A_296, %add3A_321 : i32
        %get3A_323 = arith.index_cast %add3A_322 : i32 to index
        %get3A_324 = arith.constant 0 : index
        %get3A_325 = tpu.vector_load %arg6[%get3A_323, %get3A_324] {strides = array<i32>} : memref<1600x16xf32, #tpu.memory_space<vmem>>, vector<1x16xf32>,
        %get3A_326 = vector.shape_cast %get3A_325 : vector<1x16xf32> to vector<16xf32>
        %add3A_327 = arith.constant 5 : i32
        %add3A_328 = arith.addi %add3A_296, %add3A_327 : i32
        %get3A_329 = arith.index_cast %add3A_328 : i32 to index
        %get3A_330 = arith.constant 0 : index
        %get3A_331 = tpu.vector_load %arg6[%get3A_329, %get3A_330] {strides = array<i32>} : memref<1600x16xf32, #tpu.memory_space<vmem>>, vector<1x16xf32>,
        %get3A_332 = vector.shape_cast %get3A_331 : vector<1x16xf32> to vector<16xf32>
        %add3A_333 = arith.addf %get3A_326, %get3A_332 : vector<16xf32>
        %add3A_334 = arith.constant 6 : i32
        %add3A_335 = arith.addi %add3A_296, %add3A_334 : i32
        %get3A_336 = arith.index_cast %add3A_335 : i32 to index
        %get3A_337 = arith.constant 0 : index
        %get3A_338 = tpu.vector_load %arg6[%get3A_336, %get3A_337] {strides = array<i32>} : memref<1600x16xf32, #tpu.memory_space<vmem>>, vector<1x16xf32>,
        %get3A_339 = vector.shape_cast %get3A_338 : vector<1x16xf32> to vector<16xf32>
        %add3A_340 = arith.constant 7 : i32
        %add3A_341 = arith.addi %add3A_296, %add3A_340 : i32
        %get3A_342 = arith.index_cast %add3A_341 : i32 to index
        %get3A_343 = arith.constant 0 : index
        %get3A_344 = tpu.vector_load %arg6[%get3A_342, %get3A_343] {strides = array<i32>} : memref<1600x16xf32, #tpu.memory_space<vmem>>, vector<1x16xf32>,
        %get3A_345 = vector.shape_cast %get3A_344 : vector<1x16xf32> to vector<16xf32>
        %add3A_346 = arith.addf %get3A_339, %get3A_345 : vector<16xf32>
        %add3A_347 = arith.addf %add3A_333, %add3A_346 : vector<16xf32>
        %add3A_348 = arith.addf %add3A_320, %add3A_347 : vector<16xf32>
        %add3A_349 = arith.addf %scan3A_293, %add3A_348 : vector<16xf32>
        scf.yield %add3A_349 : vector<16xf32>
      }
      %scan3A_283 = arith.constant 25 : i32
      %mul3A_284 = vector.broadcast %scan3A_86 : f32 to vector<16xf32>
      %mul3A_285 = arith.mulf %scan3A_282, %mul3A_284 : vector<16xf32>
      %add3A_286 = arith.constant 32 : i32
      %add3A_287 = arith.addi %add3A_286, %scan3A_274 : i32
      %swap3A = arith.index_cast %add3A_287 : i32 to index
      %swap3A_288 = arith.constant 0 : index
      %swap3A_289 = tpu.vector_load %arg8[%swap3A, %swap3A_288] {strides = array<i32>} : memref<128x16xf32, #tpu.memory_space<vmem>>, vector<1x16xf32>,
      %swap3A_290 = vector.shape_cast %swap3A_289 : vector<1x16xf32> to vector<16xf32>
      %swap3A_291 = vector.shape_cast %mul3A_285 : vector<16xf32> to vector<1x16xf32>
      tpu.vector_store %arg8[%swap3A, %swap3A_288], %swap3A_291 {strides = array<i32>} : memref<128x16xf32, #tpu.memory_space<vmem>>, vector<1x16xf32>,
    }
    %scan3A_91 = arith.constant 8 : i32
    %dma_start3A_92 = arith.constant 9600 : i32
    %dma_start3A_93 = tpu.memref_slice %arg5[%dma_start3A_92] : memref<25600xi32, #tpu.memory_space<vmem>> -> memref<1600xi32, #tpu.memory_space<vmem>>
    %dma_start3A_94 = arith.constant 0 : i32
    %dma_start3A_95 = arith.constant 0 : i32
    %dma_start3A_96 = tpu.memref_slice %arg3[%dma_start3A_94, %dma_start3A_95] : memref<100352x16xf32, #tpu.memory_space<hbm>> -> memref<100352x16xf32, #tpu.memory_space<hbm>>
    tpu.enqueue_indirect_dma source(%dma_start3A_96 : memref<100352x16xf32, #tpu.memory_space<hbm>>) target(%arg6 : memref<1600x16xf32, #tpu.memory_space<vmem>>) offsets(%dma_start3A_93 : memref<1600xi32, #tpu.memory_space<vmem>>) semaphore(%arg9 : memref<!tpu.dma_semaphore, #tpu.memory_space<semaphore_mem>>)
    %dma_wait3A_97 = arith.constant 8000 : i32
    %dma_wait3A_98 = tpu.memref_slice %arg5[%dma_wait3A_97] : memref<25600xi32, #tpu.memory_space<vmem>> -> memref<1600xi32, #tpu.memory_space<vmem>>
    %dma_wait3A_99 = arith.constant 0 : i32
    %dma_wait3A_100 = arith.constant 0 : i32
    %dma_wait3A_101 = tpu.memref_slice %arg3[%dma_wait3A_99, %dma_wait3A_100] : memref<100352x16xf32, #tpu.memory_space<hbm>> -> memref<100352x16xf32, #tpu.memory_space<hbm>>
    tpu.wait_indirect_dma semaphore(%arg10 : memref<!tpu.dma_semaphore, #tpu.memory_space<semaphore_mem>>) src(%dma_wait3A_101 : memref<100352x16xf32, #tpu.memory_space<hbm>>) dst(%arg7 : memref<1600x16xf32, #tpu.memory_space<vmem>>)
    %scan3A_102 = arith.constant 0 : i32
    %scan3A_103 = arith.constant 5.000000e-03 : f32
    %scan3A_104 = arith.constant 0 : i32
    %scan3A_105 = arith.constant 8 : i32
    %scan3A_106 = arith.addi %scan3A_104, %scan3A_105 : i32
    %scan3A_107 = arith.constant 1 : i32
    scf.for %scan3A_274 = %scan3A_104 to %scan3A_106 step %scan3A_107  : i32 {
      %mul3A_275 = arith.constant 200 : i32
      %mul3A_276 = arith.muli %scan3A_274, %mul3A_275 : i32
      %broadcast_in_dim3A = arith.constant 0.000000e+00 : f32
      %broadcast_in_dim3A_277 = vector.broadcast %broadcast_in_dim3A : f32 to vector<16xf32>
      %scan3A_278 = arith.constant 0 : i32
      %scan3A_279 = arith.constant 25 : i32
      %scan3A_280 = arith.addi %scan3A_278, %scan3A_279 : i32
      %scan3A_281 = arith.constant 1 : i32
      %scan3A_282 = scf.for %scan3A_292 = %scan3A_278 to %scan3A_280 step %scan3A_281 iter_args(%scan3A_293 = %broadcast_in_dim3A_277) -> (vector<16xf32>)  : i32 {
        %mul3A_294 = arith.constant 8 : i32
        %mul3A_295 = arith.muli %scan3A_292, %mul3A_294 : i32
        %add3A_296 = arith.addi %mul3A_276, %mul3A_295 : i32
        %get3A = arith.index_cast %add3A_296 : i32 to index
        %get3A_297 = arith.constant 0 : index
        %get3A_298 = tpu.vector_load %arg7[%get3A, %get3A_297] {strides = array<i32>} : memref<1600x16xf32, #tpu.memory_space<vmem>>, vector<1x16xf32>,
        %get3A_299 = vector.shape_cast %get3A_298 : vector<1x16xf32> to vector<16xf32>
        %add3A_300 = arith.constant 1 : i32
        %add3A_301 = arith.addi %add3A_296, %add3A_300 : i32
        %get3A_302 = arith.index_cast %add3A_301 : i32 to index
        %get3A_303 = arith.constant 0 : index
        %get3A_304 = tpu.vector_load %arg7[%get3A_302, %get3A_303] {strides = array<i32>} : memref<1600x16xf32, #tpu.memory_space<vmem>>, vector<1x16xf32>,
        %get3A_305 = vector.shape_cast %get3A_304 : vector<1x16xf32> to vector<16xf32>
        %add3A_306 = arith.addf %get3A_299, %get3A_305 : vector<16xf32>
        %add3A_307 = arith.constant 2 : i32
        %add3A_308 = arith.addi %add3A_296, %add3A_307 : i32
        %get3A_309 = arith.index_cast %add3A_308 : i32 to index
        %get3A_310 = arith.constant 0 : index
        %get3A_311 = tpu.vector_load %arg7[%get3A_309, %get3A_310] {strides = array<i32>} : memref<1600x16xf32, #tpu.memory_space<vmem>>, vector<1x16xf32>,
        %get3A_312 = vector.shape_cast %get3A_311 : vector<1x16xf32> to vector<16xf32>
        %add3A_313 = arith.constant 3 : i32
        %add3A_314 = arith.addi %add3A_296, %add3A_313 : i32
        %get3A_315 = arith.index_cast %add3A_314 : i32 to index
        %get3A_316 = arith.constant 0 : index
        %get3A_317 = tpu.vector_load %arg7[%get3A_315, %get3A_316] {strides = array<i32>} : memref<1600x16xf32, #tpu.memory_space<vmem>>, vector<1x16xf32>,
        %get3A_318 = vector.shape_cast %get3A_317 : vector<1x16xf32> to vector<16xf32>
        %add3A_319 = arith.addf %get3A_312, %get3A_318 : vector<16xf32>
        %add3A_320 = arith.addf %add3A_306, %add3A_319 : vector<16xf32>
        %add3A_321 = arith.constant 4 : i32
        %add3A_322 = arith.addi %add3A_296, %add3A_321 : i32
        %get3A_323 = arith.index_cast %add3A_322 : i32 to index
        %get3A_324 = arith.constant 0 : index
        %get3A_325 = tpu.vector_load %arg7[%get3A_323, %get3A_324] {strides = array<i32>} : memref<1600x16xf32, #tpu.memory_space<vmem>>, vector<1x16xf32>,
        %get3A_326 = vector.shape_cast %get3A_325 : vector<1x16xf32> to vector<16xf32>
        %add3A_327 = arith.constant 5 : i32
        %add3A_328 = arith.addi %add3A_296, %add3A_327 : i32
        %get3A_329 = arith.index_cast %add3A_328 : i32 to index
        %get3A_330 = arith.constant 0 : index
        %get3A_331 = tpu.vector_load %arg7[%get3A_329, %get3A_330] {strides = array<i32>} : memref<1600x16xf32, #tpu.memory_space<vmem>>, vector<1x16xf32>,
        %get3A_332 = vector.shape_cast %get3A_331 : vector<1x16xf32> to vector<16xf32>
        %add3A_333 = arith.addf %get3A_326, %get3A_332 : vector<16xf32>
        %add3A_334 = arith.constant 6 : i32
        %add3A_335 = arith.addi %add3A_296, %add3A_334 : i32
        %get3A_336 = arith.index_cast %add3A_335 : i32 to index
        %get3A_337 = arith.constant 0 : index
        %get3A_338 = tpu.vector_load %arg7[%get3A_336, %get3A_337] {strides = array<i32>} : memref<1600x16xf32, #tpu.memory_space<vmem>>, vector<1x16xf32>,
        %get3A_339 = vector.shape_cast %get3A_338 : vector<1x16xf32> to vector<16xf32>
        %add3A_340 = arith.constant 7 : i32
        %add3A_341 = arith.addi %add3A_296, %add3A_340 : i32
        %get3A_342 = arith.index_cast %add3A_341 : i32 to index
        %get3A_343 = arith.constant 0 : index
        %get3A_344 = tpu.vector_load %arg7[%get3A_342, %get3A_343] {strides = array<i32>} : memref<1600x16xf32, #tpu.memory_space<vmem>>, vector<1x16xf32>,
        %get3A_345 = vector.shape_cast %get3A_344 : vector<1x16xf32> to vector<16xf32>
        %add3A_346 = arith.addf %get3A_339, %get3A_345 : vector<16xf32>
        %add3A_347 = arith.addf %add3A_333, %add3A_346 : vector<16xf32>
        %add3A_348 = arith.addf %add3A_320, %add3A_347 : vector<16xf32>
        %add3A_349 = arith.addf %scan3A_293, %add3A_348 : vector<16xf32>
        scf.yield %add3A_349 : vector<16xf32>
      }
      %scan3A_283 = arith.constant 25 : i32
      %mul3A_284 = vector.broadcast %scan3A_103 : f32 to vector<16xf32>
      %mul3A_285 = arith.mulf %scan3A_282, %mul3A_284 : vector<16xf32>
      %add3A_286 = arith.constant 40 : i32
      %add3A_287 = arith.addi %add3A_286, %scan3A_274 : i32
      %swap3A = arith.index_cast %add3A_287 : i32 to index
      %swap3A_288 = arith.constant 0 : index
      %swap3A_289 = tpu.vector_load %arg8[%swap3A, %swap3A_288] {strides = array<i32>} : memref<128x16xf32, #tpu.memory_space<vmem>>, vector<1x16xf32>,
      %swap3A_290 = vector.shape_cast %swap3A_289 : vector<1x16xf32> to vector<16xf32>
      %swap3A_291 = vector.shape_cast %mul3A_285 : vector<16xf32> to vector<1x16xf32>
      tpu.vector_store %arg8[%swap3A, %swap3A_288], %swap3A_291 {strides = array<i32>} : memref<128x16xf32, #tpu.memory_space<vmem>>, vector<1x16xf32>,
    }
    %scan3A_108 = arith.constant 8 : i32
    %dma_start3A_109 = arith.constant 11200 : i32
    %dma_start3A_110 = tpu.memref_slice %arg5[%dma_start3A_109] : memref<25600xi32, #tpu.memory_space<vmem>> -> memref<1600xi32, #tpu.memory_space<vmem>>
    %dma_start3A_111 = arith.constant 0 : i32
    %dma_start3A_112 = arith.constant 0 : i32
    %dma_start3A_113 = tpu.memref_slice %arg3[%dma_start3A_111, %dma_start3A_112] : memref<100352x16xf32, #tpu.memory_space<hbm>> -> memref<100352x16xf32, #tpu.memory_space<hbm>>
    tpu.enqueue_indirect_dma source(%dma_start3A_113 : memref<100352x16xf32, #tpu.memory_space<hbm>>) target(%arg7 : memref<1600x16xf32, #tpu.memory_space<vmem>>) offsets(%dma_start3A_110 : memref<1600xi32, #tpu.memory_space<vmem>>) semaphore(%arg10 : memref<!tpu.dma_semaphore, #tpu.memory_space<semaphore_mem>>)
    %dma_wait3A_114 = arith.constant 9600 : i32
    %dma_wait3A_115 = tpu.memref_slice %arg5[%dma_wait3A_114] : memref<25600xi32, #tpu.memory_space<vmem>> -> memref<1600xi32, #tpu.memory_space<vmem>>
    %dma_wait3A_116 = arith.constant 0 : i32
    %dma_wait3A_117 = arith.constant 0 : i32
    %dma_wait3A_118 = tpu.memref_slice %arg3[%dma_wait3A_116, %dma_wait3A_117] : memref<100352x16xf32, #tpu.memory_space<hbm>> -> memref<100352x16xf32, #tpu.memory_space<hbm>>
    tpu.wait_indirect_dma semaphore(%arg9 : memref<!tpu.dma_semaphore, #tpu.memory_space<semaphore_mem>>) src(%dma_wait3A_118 : memref<100352x16xf32, #tpu.memory_space<hbm>>) dst(%arg6 : memref<1600x16xf32, #tpu.memory_space<vmem>>)
    %scan3A_119 = arith.constant 0 : i32
    %scan3A_120 = arith.constant 5.000000e-03 : f32
    %scan3A_121 = arith.constant 0 : i32
    %scan3A_122 = arith.constant 8 : i32
    %scan3A_123 = arith.addi %scan3A_121, %scan3A_122 : i32
    %scan3A_124 = arith.constant 1 : i32
    scf.for %scan3A_274 = %scan3A_121 to %scan3A_123 step %scan3A_124  : i32 {
      %mul3A_275 = arith.constant 200 : i32
      %mul3A_276 = arith.muli %scan3A_274, %mul3A_275 : i32
      %broadcast_in_dim3A = arith.constant 0.000000e+00 : f32
      %broadcast_in_dim3A_277 = vector.broadcast %broadcast_in_dim3A : f32 to vector<16xf32>
      %scan3A_278 = arith.constant 0 : i32
      %scan3A_279 = arith.constant 25 : i32
      %scan3A_280 = arith.addi %scan3A_278, %scan3A_279 : i32
      %scan3A_281 = arith.constant 1 : i32
      %scan3A_282 = scf.for %scan3A_292 = %scan3A_278 to %scan3A_280 step %scan3A_281 iter_args(%scan3A_293 = %broadcast_in_dim3A_277) -> (vector<16xf32>)  : i32 {
        %mul3A_294 = arith.constant 8 : i32
        %mul3A_295 = arith.muli %scan3A_292, %mul3A_294 : i32
        %add3A_296 = arith.addi %mul3A_276, %mul3A_295 : i32
        %get3A = arith.index_cast %add3A_296 : i32 to index
        %get3A_297 = arith.constant 0 : index
        %get3A_298 = tpu.vector_load %arg6[%get3A, %get3A_297] {strides = array<i32>} : memref<1600x16xf32, #tpu.memory_space<vmem>>, vector<1x16xf32>,
        %get3A_299 = vector.shape_cast %get3A_298 : vector<1x16xf32> to vector<16xf32>
        %add3A_300 = arith.constant 1 : i32
        %add3A_301 = arith.addi %add3A_296, %add3A_300 : i32
        %get3A_302 = arith.index_cast %add3A_301 : i32 to index
        %get3A_303 = arith.constant 0 : index
        %get3A_304 = tpu.vector_load %arg6[%get3A_302, %get3A_303] {strides = array<i32>} : memref<1600x16xf32, #tpu.memory_space<vmem>>, vector<1x16xf32>,
        %get3A_305 = vector.shape_cast %get3A_304 : vector<1x16xf32> to vector<16xf32>
        %add3A_306 = arith.addf %get3A_299, %get3A_305 : vector<16xf32>
        %add3A_307 = arith.constant 2 : i32
        %add3A_308 = arith.addi %add3A_296, %add3A_307 : i32
        %get3A_309 = arith.index_cast %add3A_308 : i32 to index
        %get3A_310 = arith.constant 0 : index
        %get3A_311 = tpu.vector_load %arg6[%get3A_309, %get3A_310] {strides = array<i32>} : memref<1600x16xf32, #tpu.memory_space<vmem>>, vector<1x16xf32>,
        %get3A_312 = vector.shape_cast %get3A_311 : vector<1x16xf32> to vector<16xf32>
        %add3A_313 = arith.constant 3 : i32
        %add3A_314 = arith.addi %add3A_296, %add3A_313 : i32
        %get3A_315 = arith.index_cast %add3A_314 : i32 to index
        %get3A_316 = arith.constant 0 : index
        %get3A_317 = tpu.vector_load %arg6[%get3A_315, %get3A_316] {strides = array<i32>} : memref<1600x16xf32, #tpu.memory_space<vmem>>, vector<1x16xf32>,
        %get3A_318 = vector.shape_cast %get3A_317 : vector<1x16xf32> to vector<16xf32>
        %add3A_319 = arith.addf %get3A_312, %get3A_318 : vector<16xf32>
        %add3A_320 = arith.addf %add3A_306, %add3A_319 : vector<16xf32>
        %add3A_321 = arith.constant 4 : i32
        %add3A_322 = arith.addi %add3A_296, %add3A_321 : i32
        %get3A_323 = arith.index_cast %add3A_322 : i32 to index
        %get3A_324 = arith.constant 0 : index
        %get3A_325 = tpu.vector_load %arg6[%get3A_323, %get3A_324] {strides = array<i32>} : memref<1600x16xf32, #tpu.memory_space<vmem>>, vector<1x16xf32>,
        %get3A_326 = vector.shape_cast %get3A_325 : vector<1x16xf32> to vector<16xf32>
        %add3A_327 = arith.constant 5 : i32
        %add3A_328 = arith.addi %add3A_296, %add3A_327 : i32
        %get3A_329 = arith.index_cast %add3A_328 : i32 to index
        %get3A_330 = arith.constant 0 : index
        %get3A_331 = tpu.vector_load %arg6[%get3A_329, %get3A_330] {strides = array<i32>} : memref<1600x16xf32, #tpu.memory_space<vmem>>, vector<1x16xf32>,
        %get3A_332 = vector.shape_cast %get3A_331 : vector<1x16xf32> to vector<16xf32>
        %add3A_333 = arith.addf %get3A_326, %get3A_332 : vector<16xf32>
        %add3A_334 = arith.constant 6 : i32
        %add3A_335 = arith.addi %add3A_296, %add3A_334 : i32
        %get3A_336 = arith.index_cast %add3A_335 : i32 to index
        %get3A_337 = arith.constant 0 : index
        %get3A_338 = tpu.vector_load %arg6[%get3A_336, %get3A_337] {strides = array<i32>} : memref<1600x16xf32, #tpu.memory_space<vmem>>, vector<1x16xf32>,
        %get3A_339 = vector.shape_cast %get3A_338 : vector<1x16xf32> to vector<16xf32>
        %add3A_340 = arith.constant 7 : i32
        %add3A_341 = arith.addi %add3A_296, %add3A_340 : i32
        %get3A_342 = arith.index_cast %add3A_341 : i32 to index
        %get3A_343 = arith.constant 0 : index
        %get3A_344 = tpu.vector_load %arg6[%get3A_342, %get3A_343] {strides = array<i32>} : memref<1600x16xf32, #tpu.memory_space<vmem>>, vector<1x16xf32>,
        %get3A_345 = vector.shape_cast %get3A_344 : vector<1x16xf32> to vector<16xf32>
        %add3A_346 = arith.addf %get3A_339, %get3A_345 : vector<16xf32>
        %add3A_347 = arith.addf %add3A_333, %add3A_346 : vector<16xf32>
        %add3A_348 = arith.addf %add3A_320, %add3A_347 : vector<16xf32>
        %add3A_349 = arith.addf %scan3A_293, %add3A_348 : vector<16xf32>
        scf.yield %add3A_349 : vector<16xf32>
      }
      %scan3A_283 = arith.constant 25 : i32
      %mul3A_284 = vector.broadcast %scan3A_120 : f32 to vector<16xf32>
      %mul3A_285 = arith.mulf %scan3A_282, %mul3A_284 : vector<16xf32>
      %add3A_286 = arith.constant 48 : i32
      %add3A_287 = arith.addi %add3A_286, %scan3A_274 : i32
      %swap3A = arith.index_cast %add3A_287 : i32 to index
      %swap3A_288 = arith.constant 0 : index
      %swap3A_289 = tpu.vector_load %arg8[%swap3A, %swap3A_288] {strides = array<i32>} : memref<128x16xf32, #tpu.memory_space<vmem>>, vector<1x16xf32>,
      %swap3A_290 = vector.shape_cast %swap3A_289 : vector<1x16xf32> to vector<16xf32>
      %swap3A_291 = vector.shape_cast %mul3A_285 : vector<16xf32> to vector<1x16xf32>
      tpu.vector_store %arg8[%swap3A, %swap3A_288], %swap3A_291 {strides = array<i32>} : memref<128x16xf32, #tpu.memory_space<vmem>>, vector<1x16xf32>,
    }
    %scan3A_125 = arith.constant 8 : i32
    %dma_start3A_126 = arith.constant 12800 : i32
    %dma_start3A_127 = tpu.memref_slice %arg5[%dma_start3A_126] : memref<25600xi32, #tpu.memory_space<vmem>> -> memref<1600xi32, #tpu.memory_space<vmem>>
    %dma_start3A_128 = arith.constant 0 : i32
    %dma_start3A_129 = arith.constant 0 : i32
    %dma_start3A_130 = tpu.memref_slice %arg3[%dma_start3A_128, %dma_start3A_129] : memref<100352x16xf32, #tpu.memory_space<hbm>> -> memref<100352x16xf32, #tpu.memory_space<hbm>>
    tpu.enqueue_indirect_dma source(%dma_start3A_130 : memref<100352x16xf32, #tpu.memory_space<hbm>>) target(%arg6 : memref<1600x16xf32, #tpu.memory_space<vmem>>) offsets(%dma_start3A_127 : memref<1600xi32, #tpu.memory_space<vmem>>) semaphore(%arg9 : memref<!tpu.dma_semaphore, #tpu.memory_space<semaphore_mem>>)
    %dma_wait3A_131 = arith.constant 11200 : i32
    %dma_wait3A_132 = tpu.memref_slice %arg5[%dma_wait3A_131] : memref<25600xi32, #tpu.memory_space<vmem>> -> memref<1600xi32, #tpu.memory_space<vmem>>
    %dma_wait3A_133 = arith.constant 0 : i32
    %dma_wait3A_134 = arith.constant 0 : i32
    %dma_wait3A_135 = tpu.memref_slice %arg3[%dma_wait3A_133, %dma_wait3A_134] : memref<100352x16xf32, #tpu.memory_space<hbm>> -> memref<100352x16xf32, #tpu.memory_space<hbm>>
    tpu.wait_indirect_dma semaphore(%arg10 : memref<!tpu.dma_semaphore, #tpu.memory_space<semaphore_mem>>) src(%dma_wait3A_135 : memref<100352x16xf32, #tpu.memory_space<hbm>>) dst(%arg7 : memref<1600x16xf32, #tpu.memory_space<vmem>>)
    %scan3A_136 = arith.constant 0 : i32
    %scan3A_137 = arith.constant 5.000000e-03 : f32
    %scan3A_138 = arith.constant 0 : i32
    %scan3A_139 = arith.constant 8 : i32
    %scan3A_140 = arith.addi %scan3A_138, %scan3A_139 : i32
    %scan3A_141 = arith.constant 1 : i32
    scf.for %scan3A_274 = %scan3A_138 to %scan3A_140 step %scan3A_141  : i32 {
      %mul3A_275 = arith.constant 200 : i32
      %mul3A_276 = arith.muli %scan3A_274, %mul3A_275 : i32
      %broadcast_in_dim3A = arith.constant 0.000000e+00 : f32
      %broadcast_in_dim3A_277 = vector.broadcast %broadcast_in_dim3A : f32 to vector<16xf32>
      %scan3A_278 = arith.constant 0 : i32
      %scan3A_279 = arith.constant 25 : i32
      %scan3A_280 = arith.addi %scan3A_278, %scan3A_279 : i32
      %scan3A_281 = arith.constant 1 : i32
      %scan3A_282 = scf.for %scan3A_292 = %scan3A_278 to %scan3A_280 step %scan3A_281 iter_args(%scan3A_293 = %broadcast_in_dim3A_277) -> (vector<16xf32>)  : i32 {
        %mul3A_294 = arith.constant 8 : i32
        %mul3A_295 = arith.muli %scan3A_292, %mul3A_294 : i32
        %add3A_296 = arith.addi %mul3A_276, %mul3A_295 : i32
        %get3A = arith.index_cast %add3A_296 : i32 to index
        %get3A_297 = arith.constant 0 : index
        %get3A_298 = tpu.vector_load %arg7[%get3A, %get3A_297] {strides = array<i32>} : memref<1600x16xf32, #tpu.memory_space<vmem>>, vector<1x16xf32>,
        %get3A_299 = vector.shape_cast %get3A_298 : vector<1x16xf32> to vector<16xf32>
        %add3A_300 = arith.constant 1 : i32
        %add3A_301 = arith.addi %add3A_296, %add3A_300 : i32
        %get3A_302 = arith.index_cast %add3A_301 : i32 to index
        %get3A_303 = arith.constant 0 : index
        %get3A_304 = tpu.vector_load %arg7[%get3A_302, %get3A_303] {strides = array<i32>} : memref<1600x16xf32, #tpu.memory_space<vmem>>, vector<1x16xf32>,
        %get3A_305 = vector.shape_cast %get3A_304 : vector<1x16xf32> to vector<16xf32>
        %add3A_306 = arith.addf %get3A_299, %get3A_305 : vector<16xf32>
        %add3A_307 = arith.constant 2 : i32
        %add3A_308 = arith.addi %add3A_296, %add3A_307 : i32
        %get3A_309 = arith.index_cast %add3A_308 : i32 to index
        %get3A_310 = arith.constant 0 : index
        %get3A_311 = tpu.vector_load %arg7[%get3A_309, %get3A_310] {strides = array<i32>} : memref<1600x16xf32, #tpu.memory_space<vmem>>, vector<1x16xf32>,
        %get3A_312 = vector.shape_cast %get3A_311 : vector<1x16xf32> to vector<16xf32>
        %add3A_313 = arith.constant 3 : i32
        %add3A_314 = arith.addi %add3A_296, %add3A_313 : i32
        %get3A_315 = arith.index_cast %add3A_314 : i32 to index
        %get3A_316 = arith.constant 0 : index
        %get3A_317 = tpu.vector_load %arg7[%get3A_315, %get3A_316] {strides = array<i32>} : memref<1600x16xf32, #tpu.memory_space<vmem>>, vector<1x16xf32>,
        %get3A_318 = vector.shape_cast %get3A_317 : vector<1x16xf32> to vector<16xf32>
        %add3A_319 = arith.addf %get3A_312, %get3A_318 : vector<16xf32>
        %add3A_320 = arith.addf %add3A_306, %add3A_319 : vector<16xf32>
        %add3A_321 = arith.constant 4 : i32
        %add3A_322 = arith.addi %add3A_296, %add3A_321 : i32
        %get3A_323 = arith.index_cast %add3A_322 : i32 to index
        %get3A_324 = arith.constant 0 : index
        %get3A_325 = tpu.vector_load %arg7[%get3A_323, %get3A_324] {strides = array<i32>} : memref<1600x16xf32, #tpu.memory_space<vmem>>, vector<1x16xf32>,
        %get3A_326 = vector.shape_cast %get3A_325 : vector<1x16xf32> to vector<16xf32>
        %add3A_327 = arith.constant 5 : i32
        %add3A_328 = arith.addi %add3A_296, %add3A_327 : i32
        %get3A_329 = arith.index_cast %add3A_328 : i32 to index
        %get3A_330 = arith.constant 0 : index
        %get3A_331 = tpu.vector_load %arg7[%get3A_329, %get3A_330] {strides = array<i32>} : memref<1600x16xf32, #tpu.memory_space<vmem>>, vector<1x16xf32>,
        %get3A_332 = vector.shape_cast %get3A_331 : vector<1x16xf32> to vector<16xf32>
        %add3A_333 = arith.addf %get3A_326, %get3A_332 : vector<16xf32>
        %add3A_334 = arith.constant 6 : i32
        %add3A_335 = arith.addi %add3A_296, %add3A_334 : i32
        %get3A_336 = arith.index_cast %add3A_335 : i32 to index
        %get3A_337 = arith.constant 0 : index
        %get3A_338 = tpu.vector_load %arg7[%get3A_336, %get3A_337] {strides = array<i32>} : memref<1600x16xf32, #tpu.memory_space<vmem>>, vector<1x16xf32>,
        %get3A_339 = vector.shape_cast %get3A_338 : vector<1x16xf32> to vector<16xf32>
        %add3A_340 = arith.constant 7 : i32
        %add3A_341 = arith.addi %add3A_296, %add3A_340 : i32
        %get3A_342 = arith.index_cast %add3A_341 : i32 to index
        %get3A_343 = arith.constant 0 : index
        %get3A_344 = tpu.vector_load %arg7[%get3A_342, %get3A_343] {strides = array<i32>} : memref<1600x16xf32, #tpu.memory_space<vmem>>, vector<1x16xf32>,
        %get3A_345 = vector.shape_cast %get3A_344 : vector<1x16xf32> to vector<16xf32>
        %add3A_346 = arith.addf %get3A_339, %get3A_345 : vector<16xf32>
        %add3A_347 = arith.addf %add3A_333, %add3A_346 : vector<16xf32>
        %add3A_348 = arith.addf %add3A_320, %add3A_347 : vector<16xf32>
        %add3A_349 = arith.addf %scan3A_293, %add3A_348 : vector<16xf32>
        scf.yield %add3A_349 : vector<16xf32>
      }
      %scan3A_283 = arith.constant 25 : i32
      %mul3A_284 = vector.broadcast %scan3A_137 : f32 to vector<16xf32>
      %mul3A_285 = arith.mulf %scan3A_282, %mul3A_284 : vector<16xf32>
      %add3A_286 = arith.constant 56 : i32
      %add3A_287 = arith.addi %add3A_286, %scan3A_274 : i32
      %swap3A = arith.index_cast %add3A_287 : i32 to index
      %swap3A_288 = arith.constant 0 : index
      %swap3A_289 = tpu.vector_load %arg8[%swap3A, %swap3A_288] {strides = array<i32>} : memref<128x16xf32, #tpu.memory_space<vmem>>, vector<1x16xf32>,
      %swap3A_290 = vector.shape_cast %swap3A_289 : vector<1x16xf32> to vector<16xf32>
      %swap3A_291 = vector.shape_cast %mul3A_285 : vector<16xf32> to vector<1x16xf32>
      tpu.vector_store %arg8[%swap3A, %swap3A_288], %swap3A_291 {strides = array<i32>} : memref<128x16xf32, #tpu.memory_space<vmem>>, vector<1x16xf32>,
    }
    %scan3A_142 = arith.constant 8 : i32
    %dma_start3A_143 = arith.constant 14400 : i32
    %dma_start3A_144 = tpu.memref_slice %arg5[%dma_start3A_143] : memref<25600xi32, #tpu.memory_space<vmem>> -> memref<1600xi32, #tpu.memory_space<vmem>>
    %dma_start3A_145 = arith.constant 0 : i32
    %dma_start3A_146 = arith.constant 0 : i32
    %dma_start3A_147 = tpu.memref_slice %arg3[%dma_start3A_145, %dma_start3A_146] : memref<100352x16xf32, #tpu.memory_space<hbm>> -> memref<100352x16xf32, #tpu.memory_space<hbm>>
    tpu.enqueue_indirect_dma source(%dma_start3A_147 : memref<100352x16xf32, #tpu.memory_space<hbm>>) target(%arg7 : memref<1600x16xf32, #tpu.memory_space<vmem>>) offsets(%dma_start3A_144 : memref<1600xi32, #tpu.memory_space<vmem>>) semaphore(%arg10 : memref<!tpu.dma_semaphore, #tpu.memory_space<semaphore_mem>>)
    %dma_wait3A_148 = arith.constant 12800 : i32
    %dma_wait3A_149 = tpu.memref_slice %arg5[%dma_wait3A_148] : memref<25600xi32, #tpu.memory_space<vmem>> -> memref<1600xi32, #tpu.memory_space<vmem>>
    %dma_wait3A_150 = arith.constant 0 : i32
    %dma_wait3A_151 = arith.constant 0 : i32
    %dma_wait3A_152 = tpu.memref_slice %arg3[%dma_wait3A_150, %dma_wait3A_151] : memref<100352x16xf32, #tpu.memory_space<hbm>> -> memref<100352x16xf32, #tpu.memory_space<hbm>>
    tpu.wait_indirect_dma semaphore(%arg9 : memref<!tpu.dma_semaphore, #tpu.memory_space<semaphore_mem>>) src(%dma_wait3A_152 : memref<100352x16xf32, #tpu.memory_space<hbm>>) dst(%arg6 : memref<1600x16xf32, #tpu.memory_space<vmem>>)
    %scan3A_153 = arith.constant 0 : i32
    %scan3A_154 = arith.constant 5.000000e-03 : f32
    %scan3A_155 = arith.constant 0 : i32
    %scan3A_156 = arith.constant 8 : i32
    %scan3A_157 = arith.addi %scan3A_155, %scan3A_156 : i32
    %scan3A_158 = arith.constant 1 : i32
    scf.for %scan3A_274 = %scan3A_155 to %scan3A_157 step %scan3A_158  : i32 {
      %mul3A_275 = arith.constant 200 : i32
      %mul3A_276 = arith.muli %scan3A_274, %mul3A_275 : i32
      %broadcast_in_dim3A = arith.constant 0.000000e+00 : f32
      %broadcast_in_dim3A_277 = vector.broadcast %broadcast_in_dim3A : f32 to vector<16xf32>
      %scan3A_278 = arith.constant 0 : i32
      %scan3A_279 = arith.constant 25 : i32
      %scan3A_280 = arith.addi %scan3A_278, %scan3A_279 : i32
      %scan3A_281 = arith.constant 1 : i32
      %scan3A_282 = scf.for %scan3A_292 = %scan3A_278 to %scan3A_280 step %scan3A_281 iter_args(%scan3A_293 = %broadcast_in_dim3A_277) -> (vector<16xf32>)  : i32 {
        %mul3A_294 = arith.constant 8 : i32
        %mul3A_295 = arith.muli %scan3A_292, %mul3A_294 : i32
        %add3A_296 = arith.addi %mul3A_276, %mul3A_295 : i32
        %get3A = arith.index_cast %add3A_296 : i32 to index
        %get3A_297 = arith.constant 0 : index
        %get3A_298 = tpu.vector_load %arg6[%get3A, %get3A_297] {strides = array<i32>} : memref<1600x16xf32, #tpu.memory_space<vmem>>, vector<1x16xf32>,
        %get3A_299 = vector.shape_cast %get3A_298 : vector<1x16xf32> to vector<16xf32>
        %add3A_300 = arith.constant 1 : i32
        %add3A_301 = arith.addi %add3A_296, %add3A_300 : i32
        %get3A_302 = arith.index_cast %add3A_301 : i32 to index
        %get3A_303 = arith.constant 0 : index
        %get3A_304 = tpu.vector_load %arg6[%get3A_302, %get3A_303] {strides = array<i32>} : memref<1600x16xf32, #tpu.memory_space<vmem>>, vector<1x16xf32>,
        %get3A_305 = vector.shape_cast %get3A_304 : vector<1x16xf32> to vector<16xf32>
        %add3A_306 = arith.addf %get3A_299, %get3A_305 : vector<16xf32>
        %add3A_307 = arith.constant 2 : i32
        %add3A_308 = arith.addi %add3A_296, %add3A_307 : i32
        %get3A_309 = arith.index_cast %add3A_308 : i32 to index
        %get3A_310 = arith.constant 0 : index
        %get3A_311 = tpu.vector_load %arg6[%get3A_309, %get3A_310] {strides = array<i32>} : memref<1600x16xf32, #tpu.memory_space<vmem>>, vector<1x16xf32>,
        %get3A_312 = vector.shape_cast %get3A_311 : vector<1x16xf32> to vector<16xf32>
        %add3A_313 = arith.constant 3 : i32
        %add3A_314 = arith.addi %add3A_296, %add3A_313 : i32
        %get3A_315 = arith.index_cast %add3A_314 : i32 to index
        %get3A_316 = arith.constant 0 : index
        %get3A_317 = tpu.vector_load %arg6[%get3A_315, %get3A_316] {strides = array<i32>} : memref<1600x16xf32, #tpu.memory_space<vmem>>, vector<1x16xf32>,
        %get3A_318 = vector.shape_cast %get3A_317 : vector<1x16xf32> to vector<16xf32>
        %add3A_319 = arith.addf %get3A_312, %get3A_318 : vector<16xf32>
        %add3A_320 = arith.addf %add3A_306, %add3A_319 : vector<16xf32>
        %add3A_321 = arith.constant 4 : i32
        %add3A_322 = arith.addi %add3A_296, %add3A_321 : i32
        %get3A_323 = arith.index_cast %add3A_322 : i32 to index
        %get3A_324 = arith.constant 0 : index
        %get3A_325 = tpu.vector_load %arg6[%get3A_323, %get3A_324] {strides = array<i32>} : memref<1600x16xf32, #tpu.memory_space<vmem>>, vector<1x16xf32>,
        %get3A_326 = vector.shape_cast %get3A_325 : vector<1x16xf32> to vector<16xf32>
        %add3A_327 = arith.constant 5 : i32
        %add3A_328 = arith.addi %add3A_296, %add3A_327 : i32
        %get3A_329 = arith.index_cast %add3A_328 : i32 to index
        %get3A_330 = arith.constant 0 : index
        %get3A_331 = tpu.vector_load %arg6[%get3A_329, %get3A_330] {strides = array<i32>} : memref<1600x16xf32, #tpu.memory_space<vmem>>, vector<1x16xf32>,
        %get3A_332 = vector.shape_cast %get3A_331 : vector<1x16xf32> to vector<16xf32>
        %add3A_333 = arith.addf %get3A_326, %get3A_332 : vector<16xf32>
        %add3A_334 = arith.constant 6 : i32
        %add3A_335 = arith.addi %add3A_296, %add3A_334 : i32
        %get3A_336 = arith.index_cast %add3A_335 : i32 to index
        %get3A_337 = arith.constant 0 : index
        %get3A_338 = tpu.vector_load %arg6[%get3A_336, %get3A_337] {strides = array<i32>} : memref<1600x16xf32, #tpu.memory_space<vmem>>, vector<1x16xf32>,
        %get3A_339 = vector.shape_cast %get3A_338 : vector<1x16xf32> to vector<16xf32>
        %add3A_340 = arith.constant 7 : i32
        %add3A_341 = arith.addi %add3A_296, %add3A_340 : i32
        %get3A_342 = arith.index_cast %add3A_341 : i32 to index
        %get3A_343 = arith.constant 0 : index
        %get3A_344 = tpu.vector_load %arg6[%get3A_342, %get3A_343] {strides = array<i32>} : memref<1600x16xf32, #tpu.memory_space<vmem>>, vector<1x16xf32>,
        %get3A_345 = vector.shape_cast %get3A_344 : vector<1x16xf32> to vector<16xf32>
        %add3A_346 = arith.addf %get3A_339, %get3A_345 : vector<16xf32>
        %add3A_347 = arith.addf %add3A_333, %add3A_346 : vector<16xf32>
        %add3A_348 = arith.addf %add3A_320, %add3A_347 : vector<16xf32>
        %add3A_349 = arith.addf %scan3A_293, %add3A_348 : vector<16xf32>
        scf.yield %add3A_349 : vector<16xf32>
      }
      %scan3A_283 = arith.constant 25 : i32
      %mul3A_284 = vector.broadcast %scan3A_154 : f32 to vector<16xf32>
      %mul3A_285 = arith.mulf %scan3A_282, %mul3A_284 : vector<16xf32>
      %add3A_286 = arith.constant 64 : i32
      %add3A_287 = arith.addi %add3A_286, %scan3A_274 : i32
      %swap3A = arith.index_cast %add3A_287 : i32 to index
      %swap3A_288 = arith.constant 0 : index
      %swap3A_289 = tpu.vector_load %arg8[%swap3A, %swap3A_288] {strides = array<i32>} : memref<128x16xf32, #tpu.memory_space<vmem>>, vector<1x16xf32>,
      %swap3A_290 = vector.shape_cast %swap3A_289 : vector<1x16xf32> to vector<16xf32>
      %swap3A_291 = vector.shape_cast %mul3A_285 : vector<16xf32> to vector<1x16xf32>
      tpu.vector_store %arg8[%swap3A, %swap3A_288], %swap3A_291 {strides = array<i32>} : memref<128x16xf32, #tpu.memory_space<vmem>>, vector<1x16xf32>,
    }
    %scan3A_159 = arith.constant 8 : i32
    %dma_start3A_160 = arith.constant 16000 : i32
    %dma_start3A_161 = tpu.memref_slice %arg5[%dma_start3A_160] : memref<25600xi32, #tpu.memory_space<vmem>> -> memref<1600xi32, #tpu.memory_space<vmem>>
    %dma_start3A_162 = arith.constant 0 : i32
    %dma_start3A_163 = arith.constant 0 : i32
    %dma_start3A_164 = tpu.memref_slice %arg3[%dma_start3A_162, %dma_start3A_163] : memref<100352x16xf32, #tpu.memory_space<hbm>> -> memref<100352x16xf32, #tpu.memory_space<hbm>>
    tpu.enqueue_indirect_dma source(%dma_start3A_164 : memref<100352x16xf32, #tpu.memory_space<hbm>>) target(%arg6 : memref<1600x16xf32, #tpu.memory_space<vmem>>) offsets(%dma_start3A_161 : memref<1600xi32, #tpu.memory_space<vmem>>) semaphore(%arg9 : memref<!tpu.dma_semaphore, #tpu.memory_space<semaphore_mem>>)
    %dma_wait3A_165 = arith.constant 14400 : i32
    %dma_wait3A_166 = tpu.memref_slice %arg5[%dma_wait3A_165] : memref<25600xi32, #tpu.memory_space<vmem>> -> memref<1600xi32, #tpu.memory_space<vmem>>
    %dma_wait3A_167 = arith.constant 0 : i32
    %dma_wait3A_168 = arith.constant 0 : i32
    %dma_wait3A_169 = tpu.memref_slice %arg3[%dma_wait3A_167, %dma_wait3A_168] : memref<100352x16xf32, #tpu.memory_space<hbm>> -> memref<100352x16xf32, #tpu.memory_space<hbm>>
    tpu.wait_indirect_dma semaphore(%arg10 : memref<!tpu.dma_semaphore, #tpu.memory_space<semaphore_mem>>) src(%dma_wait3A_169 : memref<100352x16xf32, #tpu.memory_space<hbm>>) dst(%arg7 : memref<1600x16xf32, #tpu.memory_space<vmem>>)
    %scan3A_170 = arith.constant 0 : i32
    %scan3A_171 = arith.constant 5.000000e-03 : f32
    %scan3A_172 = arith.constant 0 : i32
    %scan3A_173 = arith.constant 8 : i32
    %scan3A_174 = arith.addi %scan3A_172, %scan3A_173 : i32
    %scan3A_175 = arith.constant 1 : i32
    scf.for %scan3A_274 = %scan3A_172 to %scan3A_174 step %scan3A_175  : i32 {
      %mul3A_275 = arith.constant 200 : i32
      %mul3A_276 = arith.muli %scan3A_274, %mul3A_275 : i32
      %broadcast_in_dim3A = arith.constant 0.000000e+00 : f32
      %broadcast_in_dim3A_277 = vector.broadcast %broadcast_in_dim3A : f32 to vector<16xf32>
      %scan3A_278 = arith.constant 0 : i32
      %scan3A_279 = arith.constant 25 : i32
      %scan3A_280 = arith.addi %scan3A_278, %scan3A_279 : i32
      %scan3A_281 = arith.constant 1 : i32
      %scan3A_282 = scf.for %scan3A_292 = %scan3A_278 to %scan3A_280 step %scan3A_281 iter_args(%scan3A_293 = %broadcast_in_dim3A_277) -> (vector<16xf32>)  : i32 {
        %mul3A_294 = arith.constant 8 : i32
        %mul3A_295 = arith.muli %scan3A_292, %mul3A_294 : i32
        %add3A_296 = arith.addi %mul3A_276, %mul3A_295 : i32
        %get3A = arith.index_cast %add3A_296 : i32 to index
        %get3A_297 = arith.constant 0 : index
        %get3A_298 = tpu.vector_load %arg7[%get3A, %get3A_297] {strides = array<i32>} : memref<1600x16xf32, #tpu.memory_space<vmem>>, vector<1x16xf32>,
        %get3A_299 = vector.shape_cast %get3A_298 : vector<1x16xf32> to vector<16xf32>
        %add3A_300 = arith.constant 1 : i32
        %add3A_301 = arith.addi %add3A_296, %add3A_300 : i32
        %get3A_302 = arith.index_cast %add3A_301 : i32 to index
        %get3A_303 = arith.constant 0 : index
        %get3A_304 = tpu.vector_load %arg7[%get3A_302, %get3A_303] {strides = array<i32>} : memref<1600x16xf32, #tpu.memory_space<vmem>>, vector<1x16xf32>,
        %get3A_305 = vector.shape_cast %get3A_304 : vector<1x16xf32> to vector<16xf32>
        %add3A_306 = arith.addf %get3A_299, %get3A_305 : vector<16xf32>
        %add3A_307 = arith.constant 2 : i32
        %add3A_308 = arith.addi %add3A_296, %add3A_307 : i32
        %get3A_309 = arith.index_cast %add3A_308 : i32 to index
        %get3A_310 = arith.constant 0 : index
        %get3A_311 = tpu.vector_load %arg7[%get3A_309, %get3A_310] {strides = array<i32>} : memref<1600x16xf32, #tpu.memory_space<vmem>>, vector<1x16xf32>,
        %get3A_312 = vector.shape_cast %get3A_311 : vector<1x16xf32> to vector<16xf32>
        %add3A_313 = arith.constant 3 : i32
        %add3A_314 = arith.addi %add3A_296, %add3A_313 : i32
        %get3A_315 = arith.index_cast %add3A_314 : i32 to index
        %get3A_316 = arith.constant 0 : index
        %get3A_317 = tpu.vector_load %arg7[%get3A_315, %get3A_316] {strides = array<i32>} : memref<1600x16xf32, #tpu.memory_space<vmem>>, vector<1x16xf32>,
        %get3A_318 = vector.shape_cast %get3A_317 : vector<1x16xf32> to vector<16xf32>
        %add3A_319 = arith.addf %get3A_312, %get3A_318 : vector<16xf32>
        %add3A_320 = arith.addf %add3A_306, %add3A_319 : vector<16xf32>
        %add3A_321 = arith.constant 4 : i32
        %add3A_322 = arith.addi %add3A_296, %add3A_321 : i32
        %get3A_323 = arith.index_cast %add3A_322 : i32 to index
        %get3A_324 = arith.constant 0 : index
        %get3A_325 = tpu.vector_load %arg7[%get3A_323, %get3A_324] {strides = array<i32>} : memref<1600x16xf32, #tpu.memory_space<vmem>>, vector<1x16xf32>,
        %get3A_326 = vector.shape_cast %get3A_325 : vector<1x16xf32> to vector<16xf32>
        %add3A_327 = arith.constant 5 : i32
        %add3A_328 = arith.addi %add3A_296, %add3A_327 : i32
        %get3A_329 = arith.index_cast %add3A_328 : i32 to index
        %get3A_330 = arith.constant 0 : index
        %get3A_331 = tpu.vector_load %arg7[%get3A_329, %get3A_330] {strides = array<i32>} : memref<1600x16xf32, #tpu.memory_space<vmem>>, vector<1x16xf32>,
        %get3A_332 = vector.shape_cast %get3A_331 : vector<1x16xf32> to vector<16xf32>
        %add3A_333 = arith.addf %get3A_326, %get3A_332 : vector<16xf32>
        %add3A_334 = arith.constant 6 : i32
        %add3A_335 = arith.addi %add3A_296, %add3A_334 : i32
        %get3A_336 = arith.index_cast %add3A_335 : i32 to index
        %get3A_337 = arith.constant 0 : index
        %get3A_338 = tpu.vector_load %arg7[%get3A_336, %get3A_337] {strides = array<i32>} : memref<1600x16xf32, #tpu.memory_space<vmem>>, vector<1x16xf32>,
        %get3A_339 = vector.shape_cast %get3A_338 : vector<1x16xf32> to vector<16xf32>
        %add3A_340 = arith.constant 7 : i32
        %add3A_341 = arith.addi %add3A_296, %add3A_340 : i32
        %get3A_342 = arith.index_cast %add3A_341 : i32 to index
        %get3A_343 = arith.constant 0 : index
        %get3A_344 = tpu.vector_load %arg7[%get3A_342, %get3A_343] {strides = array<i32>} : memref<1600x16xf32, #tpu.memory_space<vmem>>, vector<1x16xf32>,
        %get3A_345 = vector.shape_cast %get3A_344 : vector<1x16xf32> to vector<16xf32>
        %add3A_346 = arith.addf %get3A_339, %get3A_345 : vector<16xf32>
        %add3A_347 = arith.addf %add3A_333, %add3A_346 : vector<16xf32>
        %add3A_348 = arith.addf %add3A_320, %add3A_347 : vector<16xf32>
        %add3A_349 = arith.addf %scan3A_293, %add3A_348 : vector<16xf32>
        scf.yield %add3A_349 : vector<16xf32>
      }
      %scan3A_283 = arith.constant 25 : i32
      %mul3A_284 = vector.broadcast %scan3A_171 : f32 to vector<16xf32>
      %mul3A_285 = arith.mulf %scan3A_282, %mul3A_284 : vector<16xf32>
      %add3A_286 = arith.constant 72 : i32
      %add3A_287 = arith.addi %add3A_286, %scan3A_274 : i32
      %swap3A = arith.index_cast %add3A_287 : i32 to index
      %swap3A_288 = arith.constant 0 : index
      %swap3A_289 = tpu.vector_load %arg8[%swap3A, %swap3A_288] {strides = array<i32>} : memref<128x16xf32, #tpu.memory_space<vmem>>, vector<1x16xf32>,
      %swap3A_290 = vector.shape_cast %swap3A_289 : vector<1x16xf32> to vector<16xf32>
      %swap3A_291 = vector.shape_cast %mul3A_285 : vector<16xf32> to vector<1x16xf32>
      tpu.vector_store %arg8[%swap3A, %swap3A_288], %swap3A_291 {strides = array<i32>} : memref<128x16xf32, #tpu.memory_space<vmem>>, vector<1x16xf32>,
    }
    %scan3A_176 = arith.constant 8 : i32
    %dma_start3A_177 = arith.constant 17600 : i32
    %dma_start3A_178 = tpu.memref_slice %arg5[%dma_start3A_177] : memref<25600xi32, #tpu.memory_space<vmem>> -> memref<1600xi32, #tpu.memory_space<vmem>>
    %dma_start3A_179 = arith.constant 0 : i32
    %dma_start3A_180 = arith.constant 0 : i32
    %dma_start3A_181 = tpu.memref_slice %arg3[%dma_start3A_179, %dma_start3A_180] : memref<100352x16xf32, #tpu.memory_space<hbm>> -> memref<100352x16xf32, #tpu.memory_space<hbm>>
    tpu.enqueue_indirect_dma source(%dma_start3A_181 : memref<100352x16xf32, #tpu.memory_space<hbm>>) target(%arg7 : memref<1600x16xf32, #tpu.memory_space<vmem>>) offsets(%dma_start3A_178 : memref<1600xi32, #tpu.memory_space<vmem>>) semaphore(%arg10 : memref<!tpu.dma_semaphore, #tpu.memory_space<semaphore_mem>>)
    %dma_wait3A_182 = arith.constant 16000 : i32
    %dma_wait3A_183 = tpu.memref_slice %arg5[%dma_wait3A_182] : memref<25600xi32, #tpu.memory_space<vmem>> -> memref<1600xi32, #tpu.memory_space<vmem>>
    %dma_wait3A_184 = arith.constant 0 : i32
    %dma_wait3A_185 = arith.constant 0 : i32
    %dma_wait3A_186 = tpu.memref_slice %arg3[%dma_wait3A_184, %dma_wait3A_185] : memref<100352x16xf32, #tpu.memory_space<hbm>> -> memref<100352x16xf32, #tpu.memory_space<hbm>>
    tpu.wait_indirect_dma semaphore(%arg9 : memref<!tpu.dma_semaphore, #tpu.memory_space<semaphore_mem>>) src(%dma_wait3A_186 : memref<100352x16xf32, #tpu.memory_space<hbm>>) dst(%arg6 : memref<1600x16xf32, #tpu.memory_space<vmem>>)
    %scan3A_187 = arith.constant 0 : i32
    %scan3A_188 = arith.constant 5.000000e-03 : f32
    %scan3A_189 = arith.constant 0 : i32
    %scan3A_190 = arith.constant 8 : i32
    %scan3A_191 = arith.addi %scan3A_189, %scan3A_190 : i32
    %scan3A_192 = arith.constant 1 : i32
    scf.for %scan3A_274 = %scan3A_189 to %scan3A_191 step %scan3A_192  : i32 {
      %mul3A_275 = arith.constant 200 : i32
      %mul3A_276 = arith.muli %scan3A_274, %mul3A_275 : i32
      %broadcast_in_dim3A = arith.constant 0.000000e+00 : f32
      %broadcast_in_dim3A_277 = vector.broadcast %broadcast_in_dim3A : f32 to vector<16xf32>
      %scan3A_278 = arith.constant 0 : i32
      %scan3A_279 = arith.constant 25 : i32
      %scan3A_280 = arith.addi %scan3A_278, %scan3A_279 : i32
      %scan3A_281 = arith.constant 1 : i32
      %scan3A_282 = scf.for %scan3A_292 = %scan3A_278 to %scan3A_280 step %scan3A_281 iter_args(%scan3A_293 = %broadcast_in_dim3A_277) -> (vector<16xf32>)  : i32 {
        %mul3A_294 = arith.constant 8 : i32
        %mul3A_295 = arith.muli %scan3A_292, %mul3A_294 : i32
        %add3A_296 = arith.addi %mul3A_276, %mul3A_295 : i32
        %get3A = arith.index_cast %add3A_296 : i32 to index
        %get3A_297 = arith.constant 0 : index
        %get3A_298 = tpu.vector_load %arg6[%get3A, %get3A_297] {strides = array<i32>} : memref<1600x16xf32, #tpu.memory_space<vmem>>, vector<1x16xf32>,
        %get3A_299 = vector.shape_cast %get3A_298 : vector<1x16xf32> to vector<16xf32>
        %add3A_300 = arith.constant 1 : i32
        %add3A_301 = arith.addi %add3A_296, %add3A_300 : i32
        %get3A_302 = arith.index_cast %add3A_301 : i32 to index
        %get3A_303 = arith.constant 0 : index
        %get3A_304 = tpu.vector_load %arg6[%get3A_302, %get3A_303] {strides = array<i32>} : memref<1600x16xf32, #tpu.memory_space<vmem>>, vector<1x16xf32>,
        %get3A_305 = vector.shape_cast %get3A_304 : vector<1x16xf32> to vector<16xf32>
        %add3A_306 = arith.addf %get3A_299, %get3A_305 : vector<16xf32>
        %add3A_307 = arith.constant 2 : i32
        %add3A_308 = arith.addi %add3A_296, %add3A_307 : i32
        %get3A_309 = arith.index_cast %add3A_308 : i32 to index
        %get3A_310 = arith.constant 0 : index
        %get3A_311 = tpu.vector_load %arg6[%get3A_309, %get3A_310] {strides = array<i32>} : memref<1600x16xf32, #tpu.memory_space<vmem>>, vector<1x16xf32>,
        %get3A_312 = vector.shape_cast %get3A_311 : vector<1x16xf32> to vector<16xf32>
        %add3A_313 = arith.constant 3 : i32
        %add3A_314 = arith.addi %add3A_296, %add3A_313 : i32
        %get3A_315 = arith.index_cast %add3A_314 : i32 to index
        %get3A_316 = arith.constant 0 : index
        %get3A_317 = tpu.vector_load %arg6[%get3A_315, %get3A_316] {strides = array<i32>} : memref<1600x16xf32, #tpu.memory_space<vmem>>, vector<1x16xf32>,
        %get3A_318 = vector.shape_cast %get3A_317 : vector<1x16xf32> to vector<16xf32>
        %add3A_319 = arith.addf %get3A_312, %get3A_318 : vector<16xf32>
        %add3A_320 = arith.addf %add3A_306, %add3A_319 : vector<16xf32>
        %add3A_321 = arith.constant 4 : i32
        %add3A_322 = arith.addi %add3A_296, %add3A_321 : i32
        %get3A_323 = arith.index_cast %add3A_322 : i32 to index
        %get3A_324 = arith.constant 0 : index
        %get3A_325 = tpu.vector_load %arg6[%get3A_323, %get3A_324] {strides = array<i32>} : memref<1600x16xf32, #tpu.memory_space<vmem>>, vector<1x16xf32>,
        %get3A_326 = vector.shape_cast %get3A_325 : vector<1x16xf32> to vector<16xf32>
        %add3A_327 = arith.constant 5 : i32
        %add3A_328 = arith.addi %add3A_296, %add3A_327 : i32
        %get3A_329 = arith.index_cast %add3A_328 : i32 to index
        %get3A_330 = arith.constant 0 : index
        %get3A_331 = tpu.vector_load %arg6[%get3A_329, %get3A_330] {strides = array<i32>} : memref<1600x16xf32, #tpu.memory_space<vmem>>, vector<1x16xf32>,
        %get3A_332 = vector.shape_cast %get3A_331 : vector<1x16xf32> to vector<16xf32>
        %add3A_333 = arith.addf %get3A_326, %get3A_332 : vector<16xf32>
        %add3A_334 = arith.constant 6 : i32
        %add3A_335 = arith.addi %add3A_296, %add3A_334 : i32
        %get3A_336 = arith.index_cast %add3A_335 : i32 to index
        %get3A_337 = arith.constant 0 : index
        %get3A_338 = tpu.vector_load %arg6[%get3A_336, %get3A_337] {strides = array<i32>} : memref<1600x16xf32, #tpu.memory_space<vmem>>, vector<1x16xf32>,
        %get3A_339 = vector.shape_cast %get3A_338 : vector<1x16xf32> to vector<16xf32>
        %add3A_340 = arith.constant 7 : i32
        %add3A_341 = arith.addi %add3A_296, %add3A_340 : i32
        %get3A_342 = arith.index_cast %add3A_341 : i32 to index
        %get3A_343 = arith.constant 0 : index
        %get3A_344 = tpu.vector_load %arg6[%get3A_342, %get3A_343] {strides = array<i32>} : memref<1600x16xf32, #tpu.memory_space<vmem>>, vector<1x16xf32>,
        %get3A_345 = vector.shape_cast %get3A_344 : vector<1x16xf32> to vector<16xf32>
        %add3A_346 = arith.addf %get3A_339, %get3A_345 : vector<16xf32>
        %add3A_347 = arith.addf %add3A_333, %add3A_346 : vector<16xf32>
        %add3A_348 = arith.addf %add3A_320, %add3A_347 : vector<16xf32>
        %add3A_349 = arith.addf %scan3A_293, %add3A_348 : vector<16xf32>
        scf.yield %add3A_349 : vector<16xf32>
      }
      %scan3A_283 = arith.constant 25 : i32
      %mul3A_284 = vector.broadcast %scan3A_188 : f32 to vector<16xf32>
      %mul3A_285 = arith.mulf %scan3A_282, %mul3A_284 : vector<16xf32>
      %add3A_286 = arith.constant 80 : i32
      %add3A_287 = arith.addi %add3A_286, %scan3A_274 : i32
      %swap3A = arith.index_cast %add3A_287 : i32 to index
      %swap3A_288 = arith.constant 0 : index
      %swap3A_289 = tpu.vector_load %arg8[%swap3A, %swap3A_288] {strides = array<i32>} : memref<128x16xf32, #tpu.memory_space<vmem>>, vector<1x16xf32>,
      %swap3A_290 = vector.shape_cast %swap3A_289 : vector<1x16xf32> to vector<16xf32>
      %swap3A_291 = vector.shape_cast %mul3A_285 : vector<16xf32> to vector<1x16xf32>
      tpu.vector_store %arg8[%swap3A, %swap3A_288], %swap3A_291 {strides = array<i32>} : memref<128x16xf32, #tpu.memory_space<vmem>>, vector<1x16xf32>,
    }
    %scan3A_193 = arith.constant 8 : i32
    %dma_start3A_194 = arith.constant 19200 : i32
    %dma_start3A_195 = tpu.memref_slice %arg5[%dma_start3A_194] : memref<25600xi32, #tpu.memory_space<vmem>> -> memref<1600xi32, #tpu.memory_space<vmem>>
    %dma_start3A_196 = arith.constant 0 : i32
    %dma_start3A_197 = arith.constant 0 : i32
    %dma_start3A_198 = tpu.memref_slice %arg3[%dma_start3A_196, %dma_start3A_197] : memref<100352x16xf32, #tpu.memory_space<hbm>> -> memref<100352x16xf32, #tpu.memory_space<hbm>>
    tpu.enqueue_indirect_dma source(%dma_start3A_198 : memref<100352x16xf32, #tpu.memory_space<hbm>>) target(%arg6 : memref<1600x16xf32, #tpu.memory_space<vmem>>) offsets(%dma_start3A_195 : memref<1600xi32, #tpu.memory_space<vmem>>) semaphore(%arg9 : memref<!tpu.dma_semaphore, #tpu.memory_space<semaphore_mem>>)
    %dma_wait3A_199 = arith.constant 17600 : i32
    %dma_wait3A_200 = tpu.memref_slice %arg5[%dma_wait3A_199] : memref<25600xi32, #tpu.memory_space<vmem>> -> memref<1600xi32, #tpu.memory_space<vmem>>
    %dma_wait3A_201 = arith.constant 0 : i32
    %dma_wait3A_202 = arith.constant 0 : i32
    %dma_wait3A_203 = tpu.memref_slice %arg3[%dma_wait3A_201, %dma_wait3A_202] : memref<100352x16xf32, #tpu.memory_space<hbm>> -> memref<100352x16xf32, #tpu.memory_space<hbm>>
    tpu.wait_indirect_dma semaphore(%arg10 : memref<!tpu.dma_semaphore, #tpu.memory_space<semaphore_mem>>) src(%dma_wait3A_203 : memref<100352x16xf32, #tpu.memory_space<hbm>>) dst(%arg7 : memref<1600x16xf32, #tpu.memory_space<vmem>>)
    %scan3A_204 = arith.constant 0 : i32
    %scan3A_205 = arith.constant 5.000000e-03 : f32
    %scan3A_206 = arith.constant 0 : i32
    %scan3A_207 = arith.constant 8 : i32
    %scan3A_208 = arith.addi %scan3A_206, %scan3A_207 : i32
    %scan3A_209 = arith.constant 1 : i32
    scf.for %scan3A_274 = %scan3A_206 to %scan3A_208 step %scan3A_209  : i32 {
      %mul3A_275 = arith.constant 200 : i32
      %mul3A_276 = arith.muli %scan3A_274, %mul3A_275 : i32
      %broadcast_in_dim3A = arith.constant 0.000000e+00 : f32
      %broadcast_in_dim3A_277 = vector.broadcast %broadcast_in_dim3A : f32 to vector<16xf32>
      %scan3A_278 = arith.constant 0 : i32
      %scan3A_279 = arith.constant 25 : i32
      %scan3A_280 = arith.addi %scan3A_278, %scan3A_279 : i32
      %scan3A_281 = arith.constant 1 : i32
      %scan3A_282 = scf.for %scan3A_292 = %scan3A_278 to %scan3A_280 step %scan3A_281 iter_args(%scan3A_293 = %broadcast_in_dim3A_277) -> (vector<16xf32>)  : i32 {
        %mul3A_294 = arith.constant 8 : i32
        %mul3A_295 = arith.muli %scan3A_292, %mul3A_294 : i32
        %add3A_296 = arith.addi %mul3A_276, %mul3A_295 : i32
        %get3A = arith.index_cast %add3A_296 : i32 to index
        %get3A_297 = arith.constant 0 : index
        %get3A_298 = tpu.vector_load %arg7[%get3A, %get3A_297] {strides = array<i32>} : memref<1600x16xf32, #tpu.memory_space<vmem>>, vector<1x16xf32>,
        %get3A_299 = vector.shape_cast %get3A_298 : vector<1x16xf32> to vector<16xf32>
        %add3A_300 = arith.constant 1 : i32
        %add3A_301 = arith.addi %add3A_296, %add3A_300 : i32
        %get3A_302 = arith.index_cast %add3A_301 : i32 to index
        %get3A_303 = arith.constant 0 : index
        %get3A_304 = tpu.vector_load %arg7[%get3A_302, %get3A_303] {strides = array<i32>} : memref<1600x16xf32, #tpu.memory_space<vmem>>, vector<1x16xf32>,
        %get3A_305 = vector.shape_cast %get3A_304 : vector<1x16xf32> to vector<16xf32>
        %add3A_306 = arith.addf %get3A_299, %get3A_305 : vector<16xf32>
        %add3A_307 = arith.constant 2 : i32
        %add3A_308 = arith.addi %add3A_296, %add3A_307 : i32
        %get3A_309 = arith.index_cast %add3A_308 : i32 to index
        %get3A_310 = arith.constant 0 : index
        %get3A_311 = tpu.vector_load %arg7[%get3A_309, %get3A_310] {strides = array<i32>} : memref<1600x16xf32, #tpu.memory_space<vmem>>, vector<1x16xf32>,
        %get3A_312 = vector.shape_cast %get3A_311 : vector<1x16xf32> to vector<16xf32>
        %add3A_313 = arith.constant 3 : i32
        %add3A_314 = arith.addi %add3A_296, %add3A_313 : i32
        %get3A_315 = arith.index_cast %add3A_314 : i32 to index
        %get3A_316 = arith.constant 0 : index
        %get3A_317 = tpu.vector_load %arg7[%get3A_315, %get3A_316] {strides = array<i32>} : memref<1600x16xf32, #tpu.memory_space<vmem>>, vector<1x16xf32>,
        %get3A_318 = vector.shape_cast %get3A_317 : vector<1x16xf32> to vector<16xf32>
        %add3A_319 = arith.addf %get3A_312, %get3A_318 : vector<16xf32>
        %add3A_320 = arith.addf %add3A_306, %add3A_319 : vector<16xf32>
        %add3A_321 = arith.constant 4 : i32
        %add3A_322 = arith.addi %add3A_296, %add3A_321 : i32
        %get3A_323 = arith.index_cast %add3A_322 : i32 to index
        %get3A_324 = arith.constant 0 : index
        %get3A_325 = tpu.vector_load %arg7[%get3A_323, %get3A_324] {strides = array<i32>} : memref<1600x16xf32, #tpu.memory_space<vmem>>, vector<1x16xf32>,
        %get3A_326 = vector.shape_cast %get3A_325 : vector<1x16xf32> to vector<16xf32>
        %add3A_327 = arith.constant 5 : i32
        %add3A_328 = arith.addi %add3A_296, %add3A_327 : i32
        %get3A_329 = arith.index_cast %add3A_328 : i32 to index
        %get3A_330 = arith.constant 0 : index
        %get3A_331 = tpu.vector_load %arg7[%get3A_329, %get3A_330] {strides = array<i32>} : memref<1600x16xf32, #tpu.memory_space<vmem>>, vector<1x16xf32>,
        %get3A_332 = vector.shape_cast %get3A_331 : vector<1x16xf32> to vector<16xf32>
        %add3A_333 = arith.addf %get3A_326, %get3A_332 : vector<16xf32>
        %add3A_334 = arith.constant 6 : i32
        %add3A_335 = arith.addi %add3A_296, %add3A_334 : i32
        %get3A_336 = arith.index_cast %add3A_335 : i32 to index
        %get3A_337 = arith.constant 0 : index
        %get3A_338 = tpu.vector_load %arg7[%get3A_336, %get3A_337] {strides = array<i32>} : memref<1600x16xf32, #tpu.memory_space<vmem>>, vector<1x16xf32>,
        %get3A_339 = vector.shape_cast %get3A_338 : vector<1x16xf32> to vector<16xf32>
        %add3A_340 = arith.constant 7 : i32
        %add3A_341 = arith.addi %add3A_296, %add3A_340 : i32
        %get3A_342 = arith.index_cast %add3A_341 : i32 to index
        %get3A_343 = arith.constant 0 : index
        %get3A_344 = tpu.vector_load %arg7[%get3A_342, %get3A_343] {strides = array<i32>} : memref<1600x16xf32, #tpu.memory_space<vmem>>, vector<1x16xf32>,
        %get3A_345 = vector.shape_cast %get3A_344 : vector<1x16xf32> to vector<16xf32>
        %add3A_346 = arith.addf %get3A_339, %get3A_345 : vector<16xf32>
        %add3A_347 = arith.addf %add3A_333, %add3A_346 : vector<16xf32>
        %add3A_348 = arith.addf %add3A_320, %add3A_347 : vector<16xf32>
        %add3A_349 = arith.addf %scan3A_293, %add3A_348 : vector<16xf32>
        scf.yield %add3A_349 : vector<16xf32>
      }
      %scan3A_283 = arith.constant 25 : i32
      %mul3A_284 = vector.broadcast %scan3A_205 : f32 to vector<16xf32>
      %mul3A_285 = arith.mulf %scan3A_282, %mul3A_284 : vector<16xf32>
      %add3A_286 = arith.constant 88 : i32
      %add3A_287 = arith.addi %add3A_286, %scan3A_274 : i32
      %swap3A = arith.index_cast %add3A_287 : i32 to index
      %swap3A_288 = arith.constant 0 : index
      %swap3A_289 = tpu.vector_load %arg8[%swap3A, %swap3A_288] {strides = array<i32>} : memref<128x16xf32, #tpu.memory_space<vmem>>, vector<1x16xf32>,
      %swap3A_290 = vector.shape_cast %swap3A_289 : vector<1x16xf32> to vector<16xf32>
      %swap3A_291 = vector.shape_cast %mul3A_285 : vector<16xf32> to vector<1x16xf32>
      tpu.vector_store %arg8[%swap3A, %swap3A_288], %swap3A_291 {strides = array<i32>} : memref<128x16xf32, #tpu.memory_space<vmem>>, vector<1x16xf32>,
    }
    %scan3A_210 = arith.constant 8 : i32
    %dma_start3A_211 = arith.constant 20800 : i32
    %dma_start3A_212 = tpu.memref_slice %arg5[%dma_start3A_211] : memref<25600xi32, #tpu.memory_space<vmem>> -> memref<1600xi32, #tpu.memory_space<vmem>>
    %dma_start3A_213 = arith.constant 0 : i32
    %dma_start3A_214 = arith.constant 0 : i32
    %dma_start3A_215 = tpu.memref_slice %arg3[%dma_start3A_213, %dma_start3A_214] : memref<100352x16xf32, #tpu.memory_space<hbm>> -> memref<100352x16xf32, #tpu.memory_space<hbm>>
    tpu.enqueue_indirect_dma source(%dma_start3A_215 : memref<100352x16xf32, #tpu.memory_space<hbm>>) target(%arg7 : memref<1600x16xf32, #tpu.memory_space<vmem>>) offsets(%dma_start3A_212 : memref<1600xi32, #tpu.memory_space<vmem>>) semaphore(%arg10 : memref<!tpu.dma_semaphore, #tpu.memory_space<semaphore_mem>>)
    %dma_wait3A_216 = arith.constant 19200 : i32
    %dma_wait3A_217 = tpu.memref_slice %arg5[%dma_wait3A_216] : memref<25600xi32, #tpu.memory_space<vmem>> -> memref<1600xi32, #tpu.memory_space<vmem>>
    %dma_wait3A_218 = arith.constant 0 : i32
    %dma_wait3A_219 = arith.constant 0 : i32
    %dma_wait3A_220 = tpu.memref_slice %arg3[%dma_wait3A_218, %dma_wait3A_219] : memref<100352x16xf32, #tpu.memory_space<hbm>> -> memref<100352x16xf32, #tpu.memory_space<hbm>>
    tpu.wait_indirect_dma semaphore(%arg9 : memref<!tpu.dma_semaphore, #tpu.memory_space<semaphore_mem>>) src(%dma_wait3A_220 : memref<100352x16xf32, #tpu.memory_space<hbm>>) dst(%arg6 : memref<1600x16xf32, #tpu.memory_space<vmem>>)
    %scan3A_221 = arith.constant 0 : i32
    %scan3A_222 = arith.constant 5.000000e-03 : f32
    %scan3A_223 = arith.constant 0 : i32
    %scan3A_224 = arith.constant 8 : i32
    %scan3A_225 = arith.addi %scan3A_223, %scan3A_224 : i32
    %scan3A_226 = arith.constant 1 : i32
    scf.for %scan3A_274 = %scan3A_223 to %scan3A_225 step %scan3A_226  : i32 {
      %mul3A_275 = arith.constant 200 : i32
      %mul3A_276 = arith.muli %scan3A_274, %mul3A_275 : i32
      %broadcast_in_dim3A = arith.constant 0.000000e+00 : f32
      %broadcast_in_dim3A_277 = vector.broadcast %broadcast_in_dim3A : f32 to vector<16xf32>
      %scan3A_278 = arith.constant 0 : i32
      %scan3A_279 = arith.constant 25 : i32
      %scan3A_280 = arith.addi %scan3A_278, %scan3A_279 : i32
      %scan3A_281 = arith.constant 1 : i32
      %scan3A_282 = scf.for %scan3A_292 = %scan3A_278 to %scan3A_280 step %scan3A_281 iter_args(%scan3A_293 = %broadcast_in_dim3A_277) -> (vector<16xf32>)  : i32 {
        %mul3A_294 = arith.constant 8 : i32
        %mul3A_295 = arith.muli %scan3A_292, %mul3A_294 : i32
        %add3A_296 = arith.addi %mul3A_276, %mul3A_295 : i32
        %get3A = arith.index_cast %add3A_296 : i32 to index
        %get3A_297 = arith.constant 0 : index
        %get3A_298 = tpu.vector_load %arg6[%get3A, %get3A_297] {strides = array<i32>} : memref<1600x16xf32, #tpu.memory_space<vmem>>, vector<1x16xf32>,
        %get3A_299 = vector.shape_cast %get3A_298 : vector<1x16xf32> to vector<16xf32>
        %add3A_300 = arith.constant 1 : i32
        %add3A_301 = arith.addi %add3A_296, %add3A_300 : i32
        %get3A_302 = arith.index_cast %add3A_301 : i32 to index
        %get3A_303 = arith.constant 0 : index
        %get3A_304 = tpu.vector_load %arg6[%get3A_302, %get3A_303] {strides = array<i32>} : memref<1600x16xf32, #tpu.memory_space<vmem>>, vector<1x16xf32>,
        %get3A_305 = vector.shape_cast %get3A_304 : vector<1x16xf32> to vector<16xf32>
        %add3A_306 = arith.addf %get3A_299, %get3A_305 : vector<16xf32>
        %add3A_307 = arith.constant 2 : i32
        %add3A_308 = arith.addi %add3A_296, %add3A_307 : i32
        %get3A_309 = arith.index_cast %add3A_308 : i32 to index
        %get3A_310 = arith.constant 0 : index
        %get3A_311 = tpu.vector_load %arg6[%get3A_309, %get3A_310] {strides = array<i32>} : memref<1600x16xf32, #tpu.memory_space<vmem>>, vector<1x16xf32>,
        %get3A_312 = vector.shape_cast %get3A_311 : vector<1x16xf32> to vector<16xf32>
        %add3A_313 = arith.constant 3 : i32
        %add3A_314 = arith.addi %add3A_296, %add3A_313 : i32
        %get3A_315 = arith.index_cast %add3A_314 : i32 to index
        %get3A_316 = arith.constant 0 : index
        %get3A_317 = tpu.vector_load %arg6[%get3A_315, %get3A_316] {strides = array<i32>} : memref<1600x16xf32, #tpu.memory_space<vmem>>, vector<1x16xf32>,
        %get3A_318 = vector.shape_cast %get3A_317 : vector<1x16xf32> to vector<16xf32>
        %add3A_319 = arith.addf %get3A_312, %get3A_318 : vector<16xf32>
        %add3A_320 = arith.addf %add3A_306, %add3A_319 : vector<16xf32>
        %add3A_321 = arith.constant 4 : i32
        %add3A_322 = arith.addi %add3A_296, %add3A_321 : i32
        %get3A_323 = arith.index_cast %add3A_322 : i32 to index
        %get3A_324 = arith.constant 0 : index
        %get3A_325 = tpu.vector_load %arg6[%get3A_323, %get3A_324] {strides = array<i32>} : memref<1600x16xf32, #tpu.memory_space<vmem>>, vector<1x16xf32>,
        %get3A_326 = vector.shape_cast %get3A_325 : vector<1x16xf32> to vector<16xf32>
        %add3A_327 = arith.constant 5 : i32
        %add3A_328 = arith.addi %add3A_296, %add3A_327 : i32
        %get3A_329 = arith.index_cast %add3A_328 : i32 to index
        %get3A_330 = arith.constant 0 : index
        %get3A_331 = tpu.vector_load %arg6[%get3A_329, %get3A_330] {strides = array<i32>} : memref<1600x16xf32, #tpu.memory_space<vmem>>, vector<1x16xf32>,
        %get3A_332 = vector.shape_cast %get3A_331 : vector<1x16xf32> to vector<16xf32>
        %add3A_333 = arith.addf %get3A_326, %get3A_332 : vector<16xf32>
        %add3A_334 = arith.constant 6 : i32
        %add3A_335 = arith.addi %add3A_296, %add3A_334 : i32
        %get3A_336 = arith.index_cast %add3A_335 : i32 to index
        %get3A_337 = arith.constant 0 : index
        %get3A_338 = tpu.vector_load %arg6[%get3A_336, %get3A_337] {strides = array<i32>} : memref<1600x16xf32, #tpu.memory_space<vmem>>, vector<1x16xf32>,
        %get3A_339 = vector.shape_cast %get3A_338 : vector<1x16xf32> to vector<16xf32>
        %add3A_340 = arith.constant 7 : i32
        %add3A_341 = arith.addi %add3A_296, %add3A_340 : i32
        %get3A_342 = arith.index_cast %add3A_341 : i32 to index
        %get3A_343 = arith.constant 0 : index
        %get3A_344 = tpu.vector_load %arg6[%get3A_342, %get3A_343] {strides = array<i32>} : memref<1600x16xf32, #tpu.memory_space<vmem>>, vector<1x16xf32>,
        %get3A_345 = vector.shape_cast %get3A_344 : vector<1x16xf32> to vector<16xf32>
        %add3A_346 = arith.addf %get3A_339, %get3A_345 : vector<16xf32>
        %add3A_347 = arith.addf %add3A_333, %add3A_346 : vector<16xf32>
        %add3A_348 = arith.addf %add3A_320, %add3A_347 : vector<16xf32>
        %add3A_349 = arith.addf %scan3A_293, %add3A_348 : vector<16xf32>
        scf.yield %add3A_349 : vector<16xf32>
      }
      %scan3A_283 = arith.constant 25 : i32
      %mul3A_284 = vector.broadcast %scan3A_222 : f32 to vector<16xf32>
      %mul3A_285 = arith.mulf %scan3A_282, %mul3A_284 : vector<16xf32>
      %add3A_286 = arith.constant 96 : i32
      %add3A_287 = arith.addi %add3A_286, %scan3A_274 : i32
      %swap3A = arith.index_cast %add3A_287 : i32 to index
      %swap3A_288 = arith.constant 0 : index
      %swap3A_289 = tpu.vector_load %arg8[%swap3A, %swap3A_288] {strides = array<i32>} : memref<128x16xf32, #tpu.memory_space<vmem>>, vector<1x16xf32>,
      %swap3A_290 = vector.shape_cast %swap3A_289 : vector<1x16xf32> to vector<16xf32>
      %swap3A_291 = vector.shape_cast %mul3A_285 : vector<16xf32> to vector<1x16xf32>
      tpu.vector_store %arg8[%swap3A, %swap3A_288], %swap3A_291 {strides = array<i32>} : memref<128x16xf32, #tpu.memory_space<vmem>>, vector<1x16xf32>,
    }
    %scan3A_227 = arith.constant 8 : i32
    %dma_start3A_228 = arith.constant 22400 : i32
    %dma_start3A_229 = tpu.memref_slice %arg5[%dma_start3A_228] : memref<25600xi32, #tpu.memory_space<vmem>> -> memref<1600xi32, #tpu.memory_space<vmem>>
    %dma_start3A_230 = arith.constant 0 : i32
    %dma_start3A_231 = arith.constant 0 : i32
    %dma_start3A_232 = tpu.memref_slice %arg3[%dma_start3A_230, %dma_start3A_231] : memref<100352x16xf32, #tpu.memory_space<hbm>> -> memref<100352x16xf32, #tpu.memory_space<hbm>>
    tpu.enqueue_indirect_dma source(%dma_start3A_232 : memref<100352x16xf32, #tpu.memory_space<hbm>>) target(%arg6 : memref<1600x16xf32, #tpu.memory_space<vmem>>) offsets(%dma_start3A_229 : memref<1600xi32, #tpu.memory_space<vmem>>) semaphore(%arg9 : memref<!tpu.dma_semaphore, #tpu.memory_space<semaphore_mem>>)
    %dma_wait3A_233 = arith.constant 20800 : i32
    %dma_wait3A_234 = tpu.memref_slice %arg5[%dma_wait3A_233] : memref<25600xi32, #tpu.memory_space<vmem>> -> memref<1600xi32, #tpu.memory_space<vmem>>
    %dma_wait3A_235 = arith.constant 0 : i32
    %dma_wait3A_236 = arith.constant 0 : i32
    %dma_wait3A_237 = tpu.memref_slice %arg3[%dma_wait3A_235, %dma_wait3A_236] : memref<100352x16xf32, #tpu.memory_space<hbm>> -> memref<100352x16xf32, #tpu.memory_space<hbm>>
    tpu.wait_indirect_dma semaphore(%arg10 : memref<!tpu.dma_semaphore, #tpu.memory_space<semaphore_mem>>) src(%dma_wait3A_237 : memref<100352x16xf32, #tpu.memory_space<hbm>>) dst(%arg7 : memref<1600x16xf32, #tpu.memory_space<vmem>>)
    %scan3A_238 = arith.constant 0 : i32
    %scan3A_239 = arith.constant 5.000000e-03 : f32
    %scan3A_240 = arith.constant 0 : i32
    %scan3A_241 = arith.constant 8 : i32
    %scan3A_242 = arith.addi %scan3A_240, %scan3A_241 : i32
    %scan3A_243 = arith.constant 1 : i32
    scf.for %scan3A_274 = %scan3A_240 to %scan3A_242 step %scan3A_243  : i32 {
      %mul3A_275 = arith.constant 200 : i32
      %mul3A_276 = arith.muli %scan3A_274, %mul3A_275 : i32
      %broadcast_in_dim3A = arith.constant 0.000000e+00 : f32
      %broadcast_in_dim3A_277 = vector.broadcast %broadcast_in_dim3A : f32 to vector<16xf32>
      %scan3A_278 = arith.constant 0 : i32
      %scan3A_279 = arith.constant 25 : i32
      %scan3A_280 = arith.addi %scan3A_278, %scan3A_279 : i32
      %scan3A_281 = arith.constant 1 : i32
      %scan3A_282 = scf.for %scan3A_292 = %scan3A_278 to %scan3A_280 step %scan3A_281 iter_args(%scan3A_293 = %broadcast_in_dim3A_277) -> (vector<16xf32>)  : i32 {
        %mul3A_294 = arith.constant 8 : i32
        %mul3A_295 = arith.muli %scan3A_292, %mul3A_294 : i32
        %add3A_296 = arith.addi %mul3A_276, %mul3A_295 : i32
        %get3A = arith.index_cast %add3A_296 : i32 to index
        %get3A_297 = arith.constant 0 : index
        %get3A_298 = tpu.vector_load %arg7[%get3A, %get3A_297] {strides = array<i32>} : memref<1600x16xf32, #tpu.memory_space<vmem>>, vector<1x16xf32>,
        %get3A_299 = vector.shape_cast %get3A_298 : vector<1x16xf32> to vector<16xf32>
        %add3A_300 = arith.constant 1 : i32
        %add3A_301 = arith.addi %add3A_296, %add3A_300 : i32
        %get3A_302 = arith.index_cast %add3A_301 : i32 to index
        %get3A_303 = arith.constant 0 : index
        %get3A_304 = tpu.vector_load %arg7[%get3A_302, %get3A_303] {strides = array<i32>} : memref<1600x16xf32, #tpu.memory_space<vmem>>, vector<1x16xf32>,
        %get3A_305 = vector.shape_cast %get3A_304 : vector<1x16xf32> to vector<16xf32>
        %add3A_306 = arith.addf %get3A_299, %get3A_305 : vector<16xf32>
        %add3A_307 = arith.constant 2 : i32
        %add3A_308 = arith.addi %add3A_296, %add3A_307 : i32
        %get3A_309 = arith.index_cast %add3A_308 : i32 to index
        %get3A_310 = arith.constant 0 : index
        %get3A_311 = tpu.vector_load %arg7[%get3A_309, %get3A_310] {strides = array<i32>} : memref<1600x16xf32, #tpu.memory_space<vmem>>, vector<1x16xf32>,
        %get3A_312 = vector.shape_cast %get3A_311 : vector<1x16xf32> to vector<16xf32>
        %add3A_313 = arith.constant 3 : i32
        %add3A_314 = arith.addi %add3A_296, %add3A_313 : i32
        %get3A_315 = arith.index_cast %add3A_314 : i32 to index
        %get3A_316 = arith.constant 0 : index
        %get3A_317 = tpu.vector_load %arg7[%get3A_315, %get3A_316] {strides = array<i32>} : memref<1600x16xf32, #tpu.memory_space<vmem>>, vector<1x16xf32>,
        %get3A_318 = vector.shape_cast %get3A_317 : vector<1x16xf32> to vector<16xf32>
        %add3A_319 = arith.addf %get3A_312, %get3A_318 : vector<16xf32>
        %add3A_320 = arith.addf %add3A_306, %add3A_319 : vector<16xf32>
        %add3A_321 = arith.constant 4 : i32
        %add3A_322 = arith.addi %add3A_296, %add3A_321 : i32
        %get3A_323 = arith.index_cast %add3A_322 : i32 to index
        %get3A_324 = arith.constant 0 : index
        %get3A_325 = tpu.vector_load %arg7[%get3A_323, %get3A_324] {strides = array<i32>} : memref<1600x16xf32, #tpu.memory_space<vmem>>, vector<1x16xf32>,
        %get3A_326 = vector.shape_cast %get3A_325 : vector<1x16xf32> to vector<16xf32>
        %add3A_327 = arith.constant 5 : i32
        %add3A_328 = arith.addi %add3A_296, %add3A_327 : i32
        %get3A_329 = arith.index_cast %add3A_328 : i32 to index
        %get3A_330 = arith.constant 0 : index
        %get3A_331 = tpu.vector_load %arg7[%get3A_329, %get3A_330] {strides = array<i32>} : memref<1600x16xf32, #tpu.memory_space<vmem>>, vector<1x16xf32>,
        %get3A_332 = vector.shape_cast %get3A_331 : vector<1x16xf32> to vector<16xf32>
        %add3A_333 = arith.addf %get3A_326, %get3A_332 : vector<16xf32>
        %add3A_334 = arith.constant 6 : i32
        %add3A_335 = arith.addi %add3A_296, %add3A_334 : i32
        %get3A_336 = arith.index_cast %add3A_335 : i32 to index
        %get3A_337 = arith.constant 0 : index
        %get3A_338 = tpu.vector_load %arg7[%get3A_336, %get3A_337] {strides = array<i32>} : memref<1600x16xf32, #tpu.memory_space<vmem>>, vector<1x16xf32>,
        %get3A_339 = vector.shape_cast %get3A_338 : vector<1x16xf32> to vector<16xf32>
        %add3A_340 = arith.constant 7 : i32
        %add3A_341 = arith.addi %add3A_296, %add3A_340 : i32
        %get3A_342 = arith.index_cast %add3A_341 : i32 to index
        %get3A_343 = arith.constant 0 : index
        %get3A_344 = tpu.vector_load %arg7[%get3A_342, %get3A_343] {strides = array<i32>} : memref<1600x16xf32, #tpu.memory_space<vmem>>, vector<1x16xf32>,
        %get3A_345 = vector.shape_cast %get3A_344 : vector<1x16xf32> to vector<16xf32>
        %add3A_346 = arith.addf %get3A_339, %get3A_345 : vector<16xf32>
        %add3A_347 = arith.addf %add3A_333, %add3A_346 : vector<16xf32>
        %add3A_348 = arith.addf %add3A_320, %add3A_347 : vector<16xf32>
        %add3A_349 = arith.addf %scan3A_293, %add3A_348 : vector<16xf32>
        scf.yield %add3A_349 : vector<16xf32>
      }
      %scan3A_283 = arith.constant 25 : i32
      %mul3A_284 = vector.broadcast %scan3A_239 : f32 to vector<16xf32>
      %mul3A_285 = arith.mulf %scan3A_282, %mul3A_284 : vector<16xf32>
      %add3A_286 = arith.constant 104 : i32
      %add3A_287 = arith.addi %add3A_286, %scan3A_274 : i32
      %swap3A = arith.index_cast %add3A_287 : i32 to index
      %swap3A_288 = arith.constant 0 : index
      %swap3A_289 = tpu.vector_load %arg8[%swap3A, %swap3A_288] {strides = array<i32>} : memref<128x16xf32, #tpu.memory_space<vmem>>, vector<1x16xf32>,
      %swap3A_290 = vector.shape_cast %swap3A_289 : vector<1x16xf32> to vector<16xf32>
      %swap3A_291 = vector.shape_cast %mul3A_285 : vector<16xf32> to vector<1x16xf32>
      tpu.vector_store %arg8[%swap3A, %swap3A_288], %swap3A_291 {strides = array<i32>} : memref<128x16xf32, #tpu.memory_space<vmem>>, vector<1x16xf32>,
    }
    %scan3A_244 = arith.constant 8 : i32
    %dma_start3A_245 = arith.constant 24000 : i32
    %dma_start3A_246 = tpu.memref_slice %arg5[%dma_start3A_245] : memref<25600xi32, #tpu.memory_space<vmem>> -> memref<1600xi32, #tpu.memory_space<vmem>>
    %dma_start3A_247 = arith.constant 0 : i32
    %dma_start3A_248 = arith.constant 0 : i32
    %dma_start3A_249 = tpu.memref_slice %arg3[%dma_start3A_247, %dma_start3A_248] : memref<100352x16xf32, #tpu.memory_space<hbm>> -> memref<100352x16xf32, #tpu.memory_space<hbm>>
    tpu.enqueue_indirect_dma source(%dma_start3A_249 : memref<100352x16xf32, #tpu.memory_space<hbm>>) target(%arg7 : memref<1600x16xf32, #tpu.memory_space<vmem>>) offsets(%dma_start3A_246 : memref<1600xi32, #tpu.memory_space<vmem>>) semaphore(%arg10 : memref<!tpu.dma_semaphore, #tpu.memory_space<semaphore_mem>>)
    %dma_wait3A_250 = arith.constant 22400 : i32
    %dma_wait3A_251 = tpu.memref_slice %arg5[%dma_wait3A_250] : memref<25600xi32, #tpu.memory_space<vmem>> -> memref<1600xi32, #tpu.memory_space<vmem>>
    %dma_wait3A_252 = arith.constant 0 : i32
    %dma_wait3A_253 = arith.constant 0 : i32
    %dma_wait3A_254 = tpu.memref_slice %arg3[%dma_wait3A_252, %dma_wait3A_253] : memref<100352x16xf32, #tpu.memory_space<hbm>> -> memref<100352x16xf32, #tpu.memory_space<hbm>>
    tpu.wait_indirect_dma semaphore(%arg9 : memref<!tpu.dma_semaphore, #tpu.memory_space<semaphore_mem>>) src(%dma_wait3A_254 : memref<100352x16xf32, #tpu.memory_space<hbm>>) dst(%arg6 : memref<1600x16xf32, #tpu.memory_space<vmem>>)
    %scan3A_255 = arith.constant 0 : i32
    %scan3A_256 = arith.constant 5.000000e-03 : f32
    %scan3A_257 = arith.constant 0 : i32
    %scan3A_258 = arith.constant 8 : i32
    %scan3A_259 = arith.addi %scan3A_257, %scan3A_258 : i32
    %scan3A_260 = arith.constant 1 : i32
    scf.for %scan3A_274 = %scan3A_257 to %scan3A_259 step %scan3A_260  : i32 {
      %mul3A_275 = arith.constant 200 : i32
      %mul3A_276 = arith.muli %scan3A_274, %mul3A_275 : i32
      %broadcast_in_dim3A = arith.constant 0.000000e+00 : f32
      %broadcast_in_dim3A_277 = vector.broadcast %broadcast_in_dim3A : f32 to vector<16xf32>
      %scan3A_278 = arith.constant 0 : i32
      %scan3A_279 = arith.constant 25 : i32
      %scan3A_280 = arith.addi %scan3A_278, %scan3A_279 : i32
      %scan3A_281 = arith.constant 1 : i32
      %scan3A_282 = scf.for %scan3A_292 = %scan3A_278 to %scan3A_280 step %scan3A_281 iter_args(%scan3A_293 = %broadcast_in_dim3A_277) -> (vector<16xf32>)  : i32 {
        %mul3A_294 = arith.constant 8 : i32
        %mul3A_295 = arith.muli %scan3A_292, %mul3A_294 : i32
        %add3A_296 = arith.addi %mul3A_276, %mul3A_295 : i32
        %get3A = arith.index_cast %add3A_296 : i32 to index
        %get3A_297 = arith.constant 0 : index
        %get3A_298 = tpu.vector_load %arg6[%get3A, %get3A_297] {strides = array<i32>} : memref<1600x16xf32, #tpu.memory_space<vmem>>, vector<1x16xf32>,
        %get3A_299 = vector.shape_cast %get3A_298 : vector<1x16xf32> to vector<16xf32>
        %add3A_300 = arith.constant 1 : i32
        %add3A_301 = arith.addi %add3A_296, %add3A_300 : i32
        %get3A_302 = arith.index_cast %add3A_301 : i32 to index
        %get3A_303 = arith.constant 0 : index
        %get3A_304 = tpu.vector_load %arg6[%get3A_302, %get3A_303] {strides = array<i32>} : memref<1600x16xf32, #tpu.memory_space<vmem>>, vector<1x16xf32>,
        %get3A_305 = vector.shape_cast %get3A_304 : vector<1x16xf32> to vector<16xf32>
        %add3A_306 = arith.addf %get3A_299, %get3A_305 : vector<16xf32>
        %add3A_307 = arith.constant 2 : i32
        %add3A_308 = arith.addi %add3A_296, %add3A_307 : i32
        %get3A_309 = arith.index_cast %add3A_308 : i32 to index
        %get3A_310 = arith.constant 0 : index
        %get3A_311 = tpu.vector_load %arg6[%get3A_309, %get3A_310] {strides = array<i32>} : memref<1600x16xf32, #tpu.memory_space<vmem>>, vector<1x16xf32>,
        %get3A_312 = vector.shape_cast %get3A_311 : vector<1x16xf32> to vector<16xf32>
        %add3A_313 = arith.constant 3 : i32
        %add3A_314 = arith.addi %add3A_296, %add3A_313 : i32
        %get3A_315 = arith.index_cast %add3A_314 : i32 to index
        %get3A_316 = arith.constant 0 : index
        %get3A_317 = tpu.vector_load %arg6[%get3A_315, %get3A_316] {strides = array<i32>} : memref<1600x16xf32, #tpu.memory_space<vmem>>, vector<1x16xf32>,
        %get3A_318 = vector.shape_cast %get3A_317 : vector<1x16xf32> to vector<16xf32>
        %add3A_319 = arith.addf %get3A_312, %get3A_318 : vector<16xf32>
        %add3A_320 = arith.addf %add3A_306, %add3A_319 : vector<16xf32>
        %add3A_321 = arith.constant 4 : i32
        %add3A_322 = arith.addi %add3A_296, %add3A_321 : i32
        %get3A_323 = arith.index_cast %add3A_322 : i32 to index
        %get3A_324 = arith.constant 0 : index
        %get3A_325 = tpu.vector_load %arg6[%get3A_323, %get3A_324] {strides = array<i32>} : memref<1600x16xf32, #tpu.memory_space<vmem>>, vector<1x16xf32>,
        %get3A_326 = vector.shape_cast %get3A_325 : vector<1x16xf32> to vector<16xf32>
        %add3A_327 = arith.constant 5 : i32
        %add3A_328 = arith.addi %add3A_296, %add3A_327 : i32
        %get3A_329 = arith.index_cast %add3A_328 : i32 to index
        %get3A_330 = arith.constant 0 : index
        %get3A_331 = tpu.vector_load %arg6[%get3A_329, %get3A_330] {strides = array<i32>} : memref<1600x16xf32, #tpu.memory_space<vmem>>, vector<1x16xf32>,
        %get3A_332 = vector.shape_cast %get3A_331 : vector<1x16xf32> to vector<16xf32>
        %add3A_333 = arith.addf %get3A_326, %get3A_332 : vector<16xf32>
        %add3A_334 = arith.constant 6 : i32
        %add3A_335 = arith.addi %add3A_296, %add3A_334 : i32
        %get3A_336 = arith.index_cast %add3A_335 : i32 to index
        %get3A_337 = arith.constant 0 : index
        %get3A_338 = tpu.vector_load %arg6[%get3A_336, %get3A_337] {strides = array<i32>} : memref<1600x16xf32, #tpu.memory_space<vmem>>, vector<1x16xf32>,
        %get3A_339 = vector.shape_cast %get3A_338 : vector<1x16xf32> to vector<16xf32>
        %add3A_340 = arith.constant 7 : i32
        %add3A_341 = arith.addi %add3A_296, %add3A_340 : i32
        %get3A_342 = arith.index_cast %add3A_341 : i32 to index
        %get3A_343 = arith.constant 0 : index
        %get3A_344 = tpu.vector_load %arg6[%get3A_342, %get3A_343] {strides = array<i32>} : memref<1600x16xf32, #tpu.memory_space<vmem>>, vector<1x16xf32>,
        %get3A_345 = vector.shape_cast %get3A_344 : vector<1x16xf32> to vector<16xf32>
        %add3A_346 = arith.addf %get3A_339, %get3A_345 : vector<16xf32>
        %add3A_347 = arith.addf %add3A_333, %add3A_346 : vector<16xf32>
        %add3A_348 = arith.addf %add3A_320, %add3A_347 : vector<16xf32>
        %add3A_349 = arith.addf %scan3A_293, %add3A_348 : vector<16xf32>
        scf.yield %add3A_349 : vector<16xf32>
      }
      %scan3A_283 = arith.constant 25 : i32
      %mul3A_284 = vector.broadcast %scan3A_256 : f32 to vector<16xf32>
      %mul3A_285 = arith.mulf %scan3A_282, %mul3A_284 : vector<16xf32>
      %add3A_286 = arith.constant 112 : i32
      %add3A_287 = arith.addi %add3A_286, %scan3A_274 : i32
      %swap3A = arith.index_cast %add3A_287 : i32 to index
      %swap3A_288 = arith.constant 0 : index
      %swap3A_289 = tpu.vector_load %arg8[%swap3A, %swap3A_288] {strides = array<i32>} : memref<128x16xf32, #tpu.memory_space<vmem>>, vector<1x16xf32>,
      %swap3A_290 = vector.shape_cast %swap3A_289 : vector<1x16xf32> to vector<16xf32>
      %swap3A_291 = vector.shape_cast %mul3A_285 : vector<16xf32> to vector<1x16xf32>
      tpu.vector_store %arg8[%swap3A, %swap3A_288], %swap3A_291 {strides = array<i32>} : memref<128x16xf32, #tpu.memory_space<vmem>>, vector<1x16xf32>,
    }
    %scan3A_261 = arith.constant 8 : i32
    %dma_wait3A_262 = arith.constant 24000 : i32
    %dma_wait3A_263 = tpu.memref_slice %arg5[%dma_wait3A_262] : memref<25600xi32, #tpu.memory_space<vmem>> -> memref<1600xi32, #tpu.memory_space<vmem>>
    %dma_wait3A_264 = arith.constant 0 : i32
    %dma_wait3A_265 = arith.constant 0 : i32
    %dma_wait3A_266 = tpu.memref_slice %arg3[%dma_wait3A_264, %dma_wait3A_265] : memref<100352x16xf32, #tpu.memory_space<hbm>> -> memref<100352x16xf32, #tpu.memory_space<hbm>>
    tpu.wait_indirect_dma semaphore(%arg10 : memref<!tpu.dma_semaphore, #tpu.memory_space<semaphore_mem>>) src(%dma_wait3A_266 : memref<100352x16xf32, #tpu.memory_space<hbm>>) dst(%arg7 : memref<1600x16xf32, #tpu.memory_space<vmem>>)
    %scan3A_267 = arith.constant 0 : i32
    %scan3A_268 = arith.constant 5.000000e-03 : f32
    %scan3A_269 = arith.constant 0 : i32
    %scan3A_270 = arith.constant 8 : i32
    %scan3A_271 = arith.addi %scan3A_269, %scan3A_270 : i32
    %scan3A_272 = arith.constant 1 : i32
    scf.for %scan3A_274 = %scan3A_269 to %scan3A_271 step %scan3A_272  : i32 {
      %mul3A_275 = arith.constant 200 : i32
      %mul3A_276 = arith.muli %scan3A_274, %mul3A_275 : i32
      %broadcast_in_dim3A = arith.constant 0.000000e+00 : f32
      %broadcast_in_dim3A_277 = vector.broadcast %broadcast_in_dim3A : f32 to vector<16xf32>
      %scan3A_278 = arith.constant 0 : i32
      %scan3A_279 = arith.constant 25 : i32
      %scan3A_280 = arith.addi %scan3A_278, %scan3A_279 : i32
      %scan3A_281 = arith.constant 1 : i32
      %scan3A_282 = scf.for %scan3A_292 = %scan3A_278 to %scan3A_280 step %scan3A_281 iter_args(%scan3A_293 = %broadcast_in_dim3A_277) -> (vector<16xf32>)  : i32 {
        %mul3A_294 = arith.constant 8 : i32
        %mul3A_295 = arith.muli %scan3A_292, %mul3A_294 : i32
        %add3A_296 = arith.addi %mul3A_276, %mul3A_295 : i32
        %get3A = arith.index_cast %add3A_296 : i32 to index
        %get3A_297 = arith.constant 0 : index
        %get3A_298 = tpu.vector_load %arg7[%get3A, %get3A_297] {strides = array<i32>} : memref<1600x16xf32, #tpu.memory_space<vmem>>, vector<1x16xf32>,
        %get3A_299 = vector.shape_cast %get3A_298 : vector<1x16xf32> to vector<16xf32>
        %add3A_300 = arith.constant 1 : i32
        %add3A_301 = arith.addi %add3A_296, %add3A_300 : i32
        %get3A_302 = arith.index_cast %add3A_301 : i32 to index
        %get3A_303 = arith.constant 0 : index
        %get3A_304 = tpu.vector_load %arg7[%get3A_302, %get3A_303] {strides = array<i32>} : memref<1600x16xf32, #tpu.memory_space<vmem>>, vector<1x16xf32>,
        %get3A_305 = vector.shape_cast %get3A_304 : vector<1x16xf32> to vector<16xf32>
        %add3A_306 = arith.addf %get3A_299, %get3A_305 : vector<16xf32>
        %add3A_307 = arith.constant 2 : i32
        %add3A_308 = arith.addi %add3A_296, %add3A_307 : i32
        %get3A_309 = arith.index_cast %add3A_308 : i32 to index
        %get3A_310 = arith.constant 0 : index
        %get3A_311 = tpu.vector_load %arg7[%get3A_309, %get3A_310] {strides = array<i32>} : memref<1600x16xf32, #tpu.memory_space<vmem>>, vector<1x16xf32>,
        %get3A_312 = vector.shape_cast %get3A_311 : vector<1x16xf32> to vector<16xf32>
        %add3A_313 = arith.constant 3 : i32
        %add3A_314 = arith.addi %add3A_296, %add3A_313 : i32
        %get3A_315 = arith.index_cast %add3A_314 : i32 to index
        %get3A_316 = arith.constant 0 : index
        %get3A_317 = tpu.vector_load %arg7[%get3A_315, %get3A_316] {strides = array<i32>} : memref<1600x16xf32, #tpu.memory_space<vmem>>, vector<1x16xf32>,
        %get3A_318 = vector.shape_cast %get3A_317 : vector<1x16xf32> to vector<16xf32>
        %add3A_319 = arith.addf %get3A_312, %get3A_318 : vector<16xf32>
        %add3A_320 = arith.addf %add3A_306, %add3A_319 : vector<16xf32>
        %add3A_321 = arith.constant 4 : i32
        %add3A_322 = arith.addi %add3A_296, %add3A_321 : i32
        %get3A_323 = arith.index_cast %add3A_322 : i32 to index
        %get3A_324 = arith.constant 0 : index
        %get3A_325 = tpu.vector_load %arg7[%get3A_323, %get3A_324] {strides = array<i32>} : memref<1600x16xf32, #tpu.memory_space<vmem>>, vector<1x16xf32>,
        %get3A_326 = vector.shape_cast %get3A_325 : vector<1x16xf32> to vector<16xf32>
        %add3A_327 = arith.constant 5 : i32
        %add3A_328 = arith.addi %add3A_296, %add3A_327 : i32
        %get3A_329 = arith.index_cast %add3A_328 : i32 to index
        %get3A_330 = arith.constant 0 : index
        %get3A_331 = tpu.vector_load %arg7[%get3A_329, %get3A_330] {strides = array<i32>} : memref<1600x16xf32, #tpu.memory_space<vmem>>, vector<1x16xf32>,
        %get3A_332 = vector.shape_cast %get3A_331 : vector<1x16xf32> to vector<16xf32>
        %add3A_333 = arith.addf %get3A_326, %get3A_332 : vector<16xf32>
        %add3A_334 = arith.constant 6 : i32
        %add3A_335 = arith.addi %add3A_296, %add3A_334 : i32
        %get3A_336 = arith.index_cast %add3A_335 : i32 to index
        %get3A_337 = arith.constant 0 : index
        %get3A_338 = tpu.vector_load %arg7[%get3A_336, %get3A_337] {strides = array<i32>} : memref<1600x16xf32, #tpu.memory_space<vmem>>, vector<1x16xf32>,
        %get3A_339 = vector.shape_cast %get3A_338 : vector<1x16xf32> to vector<16xf32>
        %add3A_340 = arith.constant 7 : i32
        %add3A_341 = arith.addi %add3A_296, %add3A_340 : i32
        %get3A_342 = arith.index_cast %add3A_341 : i32 to index
        %get3A_343 = arith.constant 0 : index
        %get3A_344 = tpu.vector_load %arg7[%get3A_342, %get3A_343] {strides = array<i32>} : memref<1600x16xf32, #tpu.memory_space<vmem>>, vector<1x16xf32>,
        %get3A_345 = vector.shape_cast %get3A_344 : vector<1x16xf32> to vector<16xf32>
        %add3A_346 = arith.addf %get3A_339, %get3A_345 : vector<16xf32>
        %add3A_347 = arith.addf %add3A_333, %add3A_346 : vector<16xf32>
        %add3A_348 = arith.addf %add3A_320, %add3A_347 : vector<16xf32>
        %add3A_349 = arith.addf %scan3A_293, %add3A_348 : vector<16xf32>
        scf.yield %add3A_349 : vector<16xf32>
      }
      %scan3A_283 = arith.constant 25 : i32
      %mul3A_284 = vector.broadcast %scan3A_268 : f32 to vector<16xf32>
      %mul3A_285 = arith.mulf %scan3A_282, %mul3A_284 : vector<16xf32>
      %add3A_286 = arith.constant 120 : i32
      %add3A_287 = arith.addi %add3A_286, %scan3A_274 : i32
      %swap3A = arith.index_cast %add3A_287 : i32 to index
      %swap3A_288 = arith.constant 0 : index
      %swap3A_289 = tpu.vector_load %arg8[%swap3A, %swap3A_288] {strides = array<i32>} : memref<128x16xf32, #tpu.memory_space<vmem>>, vector<1x16xf32>,
      %swap3A_290 = vector.shape_cast %swap3A_289 : vector<1x16xf32> to vector<16xf32>
      %swap3A_291 = vector.shape_cast %mul3A_285 : vector<16xf32> to vector<1x16xf32>
      tpu.vector_store %arg8[%swap3A, %swap3A_288], %swap3A_291 {strides = array<i32>} : memref<128x16xf32, #tpu.memory_space<vmem>>, vector<1x16xf32>,
    }
    %scan3A_273 = arith.constant 8 : i32
    "tpu.region"() ({
      %run_scoped3A = tpu.sem_alloc : memref<!tpu.dma_semaphore, #tpu.memory_space<semaphore_mem>>
      %dma_start3A_274 = arith.constant 0 : i32
      %dma_start3A_275 = tpu.memref_slice %arg4[%mul3A_2, %dma_start3A_274] : memref<4096x16xf32, #tpu.memory_space<hbm>> -> memref<128x16xf32, #tpu.memory_space<hbm>>
      %dma_start3A_276 = arith.constant 0 : i32
      %dma_start3A_277 = tpu.memref_slice %arg4[%mul3A_2, %dma_start3A_276] : memref<4096x16xf32, #tpu.memory_space<hbm>> -> memref<128x16xf32, #tpu.memory_space<hbm>>
      tpu.enqueue_dma source(%arg8 : memref<128x16xf32, #tpu.memory_space<vmem>>) target(%dma_start3A_277 : memref<128x16xf32, #tpu.memory_space<hbm>>) target_semaphore(%run_scoped3A : memref<!tpu.dma_semaphore, #tpu.memory_space<semaphore_mem>>)
      %dma_wait3A_278 = arith.constant 0 : i32
      %dma_wait3A_279 = tpu.memref_slice %arg4[%mul3A_2, %dma_wait3A_278] : memref<4096x16xf32, #tpu.memory_space<hbm>> -> memref<128x16xf32, #tpu.memory_space<hbm>>
      %dma_wait3A_280 = arith.constant 0 : i32
      %dma_wait3A_281 = tpu.memref_slice %arg4[%mul3A_2, %dma_wait3A_280] : memref<4096x16xf32, #tpu.memory_space<hbm>> -> memref<128x16xf32, #tpu.memory_space<hbm>>
      tpu.wait_dma2 semaphore(%run_scoped3A : memref<!tpu.dma_semaphore, #tpu.memory_space<semaphore_mem>>) src(%arg8 : memref<128x16xf32, #tpu.memory_space<vmem>>) dst(%dma_wait3A_281 : memref<128x16xf32, #tpu.memory_space<hbm>>)
      tpu.yield
    }) : () -> ()
    return
  }
}

module attributes {stable_mosaic.version = 14 : i64} {
  func.func @_proj_body(%arg0: i32, %arg1: memref<3x64xf32, #tpu.memory_space<vmem>>, %arg2: memref<3x1xf32, #tpu.memory_space<vmem>>, %arg3: memref<64x25088xf32, #tpu.memory_space<vmem>>, %arg4: memref<16x25088xf32, #tpu.memory_space<vmem>>) attributes {dimension_semantics = [#tpu.dimension_semantics<arbitrary>], iteration_bounds = array<i64: 4>, scalar_prefetch = 0 : i64, scratch_operands = 0 : i64, tpu.core_type = #tpu.core_type<tc>, window_params = [{pipeline_mode = #tpu.pipeline_mode<synchronous>, transform_indices = @transform_0, window_bounds = array<i64: 3, 64>}, {pipeline_mode = #tpu.pipeline_mode<synchronous>, transform_indices = @transform_1, window_bounds = array<i64: 3, 1>}, {transform_indices = @transform_2, window_bounds = array<i64: 64, 25088>}, {transform_indices = @transform_3, window_bounds = array<i64: 16, 25088>}]} {
    %get3A = arith.constant 0 : index
    %get3A_0 = arith.constant 0 : index
    %get3A_1 = vector.load %arg1[%get3A, %get3A_0] : memref<3x64xf32, #tpu.memory_space<vmem>>, vector<3x64xf32>
    %get3A_2 = arith.constant 0 : index
    %get3A_3 = arith.constant 0 : index
    %get3A_4 = vector.load %arg3[%get3A_2, %get3A_3] : memref<64x25088xf32, #tpu.memory_space<vmem>>, vector<64x25088xf32>
    %dot_general3A = arith.constant dense<0.000000e+00> : vector<3x25088xf32>
    %dot_general3A_5 = tpu.matmul %get3A_1, %get3A_4, %dot_general3A {dimension_numbers = #tpu.dot_dimension_numbers<[1], [0], [0], [1], [0, 0, 1, 1], [], []>, transpose_lhs_hint = false} : vector<3x64xf32>, vector<64x25088xf32>, vector<3x25088xf32> -> vector<3x25088xf32>
    %get3A_6 = arith.constant 0 : index
    %get3A_7 = arith.constant 0 : index
    %get3A_8 = vector.load %arg2[%get3A_6, %get3A_7] : memref<3x1xf32, #tpu.memory_space<vmem>>, vector<3x1xf32>
    %add3A = vector.broadcast %get3A_8 : vector<3x1xf32> to vector<3x25088xf32>
    %add3A_9 = arith.addf %dot_general3A_5, %add3A : vector<3x25088xf32>
    %pad3A = arith.constant 0.000000e+00 : f32
    %pad3A_10 = vector.broadcast %pad3A : f32 to vector<13x25088xf32>
    %pad3A_11 = tpu.concatenate %add3A_9, %pad3A_10 in 0 : vector<3x25088xf32>, vector<13x25088xf32> -> vector<16x25088xf32>
    %swap3A = arith.constant 0 : index
    %swap3A_12 = arith.constant 0 : index
    %swap3A_13 = vector.load %arg4[%swap3A, %swap3A_12] : memref<16x25088xf32, #tpu.memory_space<vmem>>, vector<16x25088xf32>
    tpu.vector_store %arg4[%swap3A, %swap3A_12], %pad3A_11 {strides = array<i32>} : memref<16x25088xf32, #tpu.memory_space<vmem>>, vector<16x25088xf32>,
    return
  }
  func.func @transform_0(%arg0: i32) -> (i32, i32) {
    %c0_i32 = arith.constant 0 : i32
    %c0_i32_0 = arith.constant 0 : i32
    %c0_i32_1 = arith.constant 0 : i32
    return %c0_i32, %c0_i32_0 : i32, i32
  }
  func.func @transform_1(%arg0: i32) -> (i32, i32) {
    %c0_i32 = arith.constant 0 : i32
    %c0_i32_0 = arith.constant 0 : i32
    %c0_i32_1 = arith.constant 0 : i32
    return %c0_i32, %c0_i32_0 : i32, i32
  }
  func.func @transform_2(%arg0: i32) -> (i32, i32) {
    %c0_i32 = arith.constant 0 : i32
    %c0_i32_0 = arith.constant 0 : i32
    return %c0_i32, %arg0 : i32, i32
  }
  func.func @transform_3(%arg0: i32) -> (i32, i32) {
    %c0_i32 = arith.constant 0 : i32
    %c0_i32_0 = arith.constant 0 : i32
    return %c0_i32, %arg0 : i32, i32
  }
}

</mosaic_0001>

<sc_bundles>
// kernel: kernel.5.cloned.1.call-start
scs
__scs_entry_jumppad:
0x0: {  	(pc) =	sbr.rel $0x88, $3  }
0x1: {  	(tag) =	ssettag $0x0;
	lr =	simm.s32 $0x1  }
0x2: {  	[smem:$0x3F9D] =	sst lr;
	_ =	strace $0xD0000000  }
0x3: {  	_ = 	snop  }
0x4: {  	_ = 	snop  }
0x5: {  	_ = 	snop  }
0x6: {  	_ = 	snop  }
0x7: {  	_ = 	snop  }
__scs_overlays_trampoline_lowered:
0x8: {  	[smem:$0x3FAC] =	sst s0  }
0x9: {  	[smem:$0x3FAD] =	sst s1  }
0xa: {  	[smem:$0x3FAE] =	sst s2  }
0xb: {  	[smem:$0x3FAF] =	sst s3  }
0xc: {  	[smem:$0x3FB0] =	sst s4  }
0xd: {  	[smem:$0x3FB1] =	sst s5  }
0xe: {  	[smem:$0x3FB2] =	sst s6  }
0xf: {  	[smem:$0x3FB3] =	sst s7  }
0x10: {  	[smem:$0x3FB4] =	sst s8  }
0x11: {  	[smem:$0x3FB5] =	sst s9;
	s0 =	simm.s32 @!p0 $0x0  }
0x12: {  	s1 =	sld [smem:$0x3F9B];
	s0 =	simm.s32 @p0 $0x1  }
0x13: {  	[smem:$0x3FB6] =	sst s0;
	s0 =	simm.s32 @!p1 $0x0  }
0x14: {  	s2 =	sld [smem:$0x3F9A];
	s0 =	simm.s32 @p1 $0x1  }
0x15: {  	[smem:$0x3FB7] =	sst s0;
	s0 =	simm.s32 @!p2 $0x0  }
0x16: {  	s3 =	sld [smem:$0x3FDB];
	s0 =	simm.s32 @p2 $0x1  }
0x17: {  	s4 =	simm.s32 $0x1BF5;
	[smem:$0x3FB9] =	sst s0  }
0x18: {  	s0 =	sld [smem:$0x3F9C];
	_ =	swait.ge [sflag:s4], $0x0  }
0x19: {  	s7 =	sld [smem:$0x3F9D]  }
0x1a: {  	s8 =	sadd.s32 $0xFFFFE003, lr  }
0x1b: {  	s9 =	sadd.s32 $0xFFFFFEF7, lr;
	s5 =	simm.s32 $0xFFFFFFFF;
	p2 =	slt.u32 s8, $0xFFFFF086  }
0x1c: {  	p1 =	slt.u32 s9, $0xF7A;
	s5 =	simm.s32 @!p2 $0x0  }
0x1d: {  	s5 =	simm.s32 @p1 $0x1;
	p0 =	seq.s32 s7, s2  }
0x1e: {  	s7 =	smul.u32 @!p0 $0xF7A, s2;
	p2 =	seq.s32 @!p0 s5, $0x0  }
0x1f: {  	s9 =	smul.u32 $0xF7A, s1;
	s8 =	simm.s32 @!p0 $0x1BF5;
	p2 =	por !p2, p0  }
0x20: {  	[sflag:s8] =	ssyncset.s32 @!p0 $0xFFFFF086;
	s6 =	sadd.s32 @!p0 s3, s7;
	s7 =	simm.s32 @!p0 $0x108  }
0x21: {  	s3 =	sadd.s32 s3, s9;
	s6 =	sadd.s32 @!p0 $0x88, s6;
	s7 =	simm.s32 @p2 $0x1082  }
0x22: {  	[simem:s7], [sflag:s8] =	dma.local @!p0 [hbm:s6], $0xF7A  }
0x23: {  	s9 =	sor.u32 $0xD0000000, s2;
	s6 =	simm.s32 $0x108;
	_ =	swait.ge @!p0 [sflag:s8], $0x0  }
0x24: {  	s3 =	sadd.s32 $0x88, s3;
	s6 =	simm.s32 @!p1 $0x1082;
	[sflag:s4] =	ssyncset.s32 $0xFFFFF086  }
0x25: {  	[simem:s6], [sflag:s4] =	dma.local [hbm:s3], $0xF7A  }
0x26: {  	[smem:$0x3F9D] =	sst s1;
	(tag) =	ssettag s2;
	_ =	strace s9  }
0x27: {  	s1 =	sld [smem:$0x3FAD]  }
0x28: {  	s2 =	sld [smem:$0x3FAE]  }
0x29: {  	s4 =	sld [smem:$0x3FB0]  }
0x2a: {  	p0 =	seq.s32 s5, $0x0;
	s5 =	sld [smem:$0x3FB1]  }
0x2b: {  	s6 =	sld [smem:$0x3FB2]  }
0x2c: {  	s7 =	sld [smem:$0x3FB3]  }
0x2d: {  	s3 =	simm.s32 $0x108;
	s8 =	sld [smem:$0x3FB4]  }
0x2e: {  	s3 =	simm.s32 @!p0 $0x1082;
	s9 =	sld [smem:$0x3FB5]  }
0x2f: {  	lr =	sadd.s32 s0, s3;
	s0 =	sld [smem:$0x3FAC]  }
0x30: {  	s3 =	sld [smem:$0x3FAF]  }
0x31: {  	[smem:$0x3FB8] =	sst s10  }
0x32: {  	s10 =	sld [smem:$0x3FB6];
	_ =	sdelay $0x3  }
0x33: {  	p0 =	seq.s32 s10, $0x1;
	s10 =	sld [smem:$0x3FB8];
	_ =	sdelay $0x3  }
0x34: {  	[smem:$0x3FB8] =	sst s10  }
0x35: {  	s10 =	sld [smem:$0x3FB7];
	_ =	sdelay $0x3  }
0x36: {  	p1 =	seq.s32 s10, $0x1;
	s10 =	sld [smem:$0x3FB8];
	_ =	sdelay $0x3  }
0x37: {  	[smem:$0x3FB8] =	sst s10  }
0x38: {  	s10 =	sld [smem:$0x3FB9]  }
0x39: {  	_ = 	snop;
	(pc) =	sbr.ind lr, $3  }
0x3a: {  	_ = 	snop  }
0x3b: {  	_ = 	snop  }
0x3c: {  	p2 =	seq.s32 s10, $0x1;
	s10 =	sld [smem:$0x3FB8]  }
0x3d: {  	_ =	shalt  }
0x3e: {  	_ =	shalt  }
0x3f: {  	_ =	shalt  }
0x40: {  	_ =	shalt  }
0x41: {  	_ =	shalt  }
0x42: {  	_ =	shalt  }
0x43: {  	_ =	shalt  }
0x44: {  	_ =	shalt  }
0x45: {  	_ =	shalt  }
0x46: {  	_ =	shalt  }
0x47: {  	_ =	shalt  }
0x48: {  	_ =	shalt  }
0x49: {  	_ =	shalt  }
0x4a: {  	_ =	shalt  }
0x4b: {  	_ =	shalt  }
0x4c: {  	_ =	shalt  }
0x4d: {  	_ =	shalt  }
0x4e: {  	_ =	shalt  }
0x4f: {  	_ =	shalt  }
0x50: {  	_ =	shalt  }
0x51: {  	_ =	shalt  }
0x52: {  	_ =	shalt  }
0x53: {  	_ =	shalt  }
0x54: {  	_ =	shalt  }
0x55: {  	_ =	shalt  }
0x56: {  	_ =	shalt  }
0x57: {  	_ =	shalt  }
0x58: {  	_ =	shalt  }
0x59: {  	_ =	shalt  }
0x5a: {  	_ =	shalt  }
0x5b: {  	_ =	shalt  }
0x5c: {  	_ =	shalt  }
0x5d: {  	_ =	shalt  }
0x5e: {  	_ =	shalt  }
0x5f: {  	_ =	shalt  }
0x60: {  	_ =	shalt  }
0x61: {  	_ =	shalt  }
0x62: {  	_ =	shalt  }
0x63: {  	_ =	shalt  }
0x64: {  	_ =	shalt  }
0x65: {  	_ =	shalt  }
0x66: {  	_ =	shalt  }
0x67: {  	_ =	shalt  }
0x68: {  	_ =	shalt  }
0x69: {  	_ =	shalt  }
0x6a: {  	_ =	shalt  }
0x6b: {  	_ =	shalt  }
0x6c: {  	_ =	shalt  }
0x6d: {  	_ =	shalt  }
0x6e: {  	_ =	shalt  }
0x6f: {  	_ =	shalt  }
0x70: {  	_ =	shalt  }
0x71: {  	_ =	shalt  }
0x72: {  	_ =	shalt  }
0x73: {  	_ =	shalt  }
0x74: {  	_ =	shalt  }
0x75: {  	_ =	shalt  }
0x76: {  	_ =	shalt  }
0x77: {  	_ =	shalt  }
0x78: {  	_ =	shalt  }
0x79: {  	_ =	shalt  }
0x7a: {  	_ =	shalt  }
0x7b: {  	_ =	shalt  }
0x7c: {  	_ =	shalt  }
0x7d: {  	_ =	shalt  }
0x7e: {  	_ =	shalt  }
0x7f: {  	_ =	shalt  }
0x80: {  	_ =	shalt  }
0x81: {  	_ =	shalt  }
0x82: {  	_ =	shalt  }
0x83: {  	_ =	shalt  }
0x84: {  	_ =	shalt  }
0x85: {  	_ =	shalt  }
0x86: {  	_ =	shalt  }
0x87: {  	_ =	shalt  }
.Lfunc_end0:
.L_simem_size_0:
called_computation_lowered:
.L_overlay_start_0:
0x88: {  	s2 =	sld [smem:$0x3FD9]  }
0x89: {  	s3 =	sld [smem:$0x3FFE];
	_ =	sdelay $0x1  }
0x8a: {  	s1 =	srdreg.scid  }
0x8b: {  	s0 =	sand.u32 $0x1, s1  }
0x8c: {  	s16 =	sshll.u32 s0, $0xA;
	s2 =	sadd.s32 s3, s2  }
0x8d: {  	s2 =	sadd.s32 s2, s16  }
0x8e: {  	[smem:$0x3FC4] =	sst s2  }
0x8f: {  	_ = 	snop  }
0x90: {  	(tm) =	ssettm $0x1  }
0x91: {  	s17 =	sld [smem:$0x3FFB];
	_ =	sdelay $0x3  }
0x92: {  	_ =	strace s17  }
0x93: {  	s2 =	sld [smem:$0x3FFC];
	_ =	sdelay $0x3  }
0x94: {  	_ =	strace s2  }
0x95: {  	s2 =	sld [smem:$0x3FFD];
	_ =	sdelay $0x3  }
0x96: {  	_ =	strace s2  }
0x97: {  	_ =	strace $0x8FFFFFFF  }
0x98: {  	s18 =	sld [smem:$0x3FDB];
	_ =	sdelay $0x1  }
0x99: {  	s19 =	simm.s32 $_scs_section_size  }
0x9a: {  	s4 =	simm.s32 $_size__tile_overlayer_lowered;
	s5 =	simm.s32 $_tile_overlayer_lowered  }
0x9b: {  	s22 =	simm.s32 $0x1BFF;
	s21 =	sshll.u32 s5, $0x1;
	s2 =	sadd.s32 s19, s18  }
0x9c: {  	s6 =	simm.s32 $0x0;
	s20 =	sshll.u32 s4, $0x1;
	s4 =	sadd.s32 s21, s2  }
0x9d: {  	[timem:s6], [sflag:s22] =	dma.local [hbm:s4], s20  }
0x9e: {  	_ =	swait.ge [sflag:s22], s20  }
0x9f: {  	s3 =	ssub.s32 $0x0, s20;
	[sflag:s22] =	ssyncset.done $0x0  }
0xa0: {  	[sflag:s22] =	ssyncadd.s32 s3;
	_ =	sdelay $0x1  }
0xa1: {  	s23 =	simm.s32 $0x1B8B  }
0xa2: {  	_ =	swait.ge [sflag:s23], $0x1  }
0xa3: {  	[sflag:s23] =	ssyncset.done $0x0  }
0xa4: {  	s25 =	simm.s32 $0x1B8E;
	s24 =	sld [smem:$0x3FFE];
	[sflag:s23] =	ssyncadd.s32 $0xFFFFFFFF  }
0xa5: {  	s26 =	simm.s32 $execute0_lowered;
	[smem:$0x3FD2] =	sst s25  }
0xa6: {  	s4 =	sshll.u32 s26, $0x1;
	_ =	strace $0x80000046;
	[dreg:$0x1] =	wrdreg $0xFFFFFFFF  }
0xa7: {  	s28 =	simm.s32 $_size_execute0_lowered;
	s2 =	sadd.s32 s2, s4;
	[dreg:$0x0] =	wrdreg $0x0  }
0xa8: {  	s4 =	sshll.u32 s28, $0x1;
	[dreg:$0x2] =	wrdreg s2  }
0xa9: {  	[dreg:$0x3] =	wrdreg s4  }
0xaa: {  	[dreg:$0x4] =	wrdreg $0xC0  }
0xab: {  	_ =	task [dreg:s6], $0x5FFFF  }
0xac: {  	[dreg:$0x1] =	wrdreg $0xFFFFFFFF  }
0xad: {  	[dreg:$0x0] =	wrdreg $0x60  }
0xae: {  	[dreg:$0x2] =	wrdreg s24  }
0xaf: {  	[dreg:$0x3] =	wrdreg $0x9  }
0xb0: {  	_ =	task.clear_ibuf [dreg:s6], $0x4FFFF;
	_ =	strace $0x90000046  }
0xb1: {  	s29 =	simm.s32 $0x9;
	_ =	strace $0x80000048  }
0xb2: {  	_ =	swait.ge [sflag:s29], $0x1  }
0xb3: {  	[sflag:s29] =	ssyncadd.s32 $0xFFFFFFFF  }
0xb4: {  	_ =	strace $0x90000048  }
0xb5: {  	_ =	sfence  }
0xb6: {  	s30 =	sld [smem:$0x0];
	_ =	sdelay $0x2  }
0xb7: {  	s31 =	sshll.u32 s1, $0xD;
	s1 =	sshrl.u32 s1, $0x2  }
0xb8: {  	s3 =	sand.u32 $0x4000, s31;
	s1 =	sadd.s32 s1, s30  }
0xb9: {  	s0 =	sor.u32 s3, s0;
	s1 =	sshll.u32 s1, $0x11  }
0xba: {  	s0 =	sor.u32 s1, s0  }
0xbb: {  	s0 =	sadd.s32 $0x8F2B, s0  }
0xbc: {  	[sflag:s0] =	ssyncadd.remote.s32 $0x1  }
0xbd: {  	_ =	sfence.sel $0xFFFF  }
0xbe: {  	[dreg:$0x0] =	wrdreg $0xFFFFFFFF;
	(pc) =	sbr.abs _section_cstart, $3  }
0xbf: {  	[dreg:$0x1] =	wrdreg $0xFFFFFFFF  }
0xc0: {  	_ =	task.clear_ibuf [dreg:s6], $0x2FFFF;
	_ =	strace $0x9FFFFFFF  }
0xc1: {  	(tm) =	ssettm $0x7FFFFFFF  }
tec
execute0_lowered:
.L_overlay_start_1:
0x0: {  	(tag) =	ssettag $0x1  }
0x1: {  	s3 =	rddreg [dreg:$0x0]  }
0x2: {  	s0 =	rddreg [dreg:$0x1];
	s4 =	srdreg.scid  }
0x3: {  	s1 =	stileid.u32;
	s2 =	simm.s32 $0x0;
	s11 =	simm.s32 $0x1  }
0x4: {  	s12 =	simm.s32 $0xC400;
	s13 =	simm.s32 $0x2;
	s14 =	simm.s32 $0x12600  }
0x5: {  	s15 =	simm.s32 $0x3;
	s4 =	sand.u32 $0x1, s4;
	s5 =	sshll.u32 s1, $0x1  }
0x6: {  	s16 =	simm.s32 $0x4;
	s17 =	simm.s32 $0x0;
	s5 =	sor.u32 s4, s5  }
0x7: {  	[smem:$0x7FF] =	sst s2;
	s4 =	ssub.s32 $0x2, s4;
	s6 =	smul.u32 $0xC40, s5  }
0x8: {  	s7 =	sadd.s32 $0xC00, s3;
	s30 =	sshrl.u32 s4, $0x1;
	s5 =	smul.u32 $0x1880, s5  }
0x9: {  	s8 =	sadd.s32 $0x31C00, s3;
	_ =	strace $0x80000047;
	s10 =	ssub.s32 s4, s30  }
0xa: {  	s9 =	sshrl.u32 s6, $0x3;
	s6 =	sadd.s32 $0x620, s6;
	s5 =	sadd.s32 s8, s5  }
0xb: {  	s3 =	sadd.s32 s7, s9;
	s31 =	sshrl.u32 s6, $0x3;
	s6 =	sshll.u32 s6, $0x1  }
0xc: {  	v0 =	vlaneseq.u32;
	s9 =	simm.s32 $0x18800;
	s4 =	sadd.s32 s7, s31;
	s6 =	sadd.s32 s8, s6  }
0xd: {  	v0 =	vmul.u32 $0x10, v0;
	s7 =	smax.u32 s10, $0x1;
	s8 =	simm.s32 $0x620;
	s10 =	simm.s32 $0x6200  }
.LBB2_1:
0xe: {  	[tilespmem:s2], [sflag:$0x1] =	stream.strided.gather [hbm4b:s3+s8], $0x6200, s9, s8, $0x38;
	[tilespmem:$0x18800] =	vst v63  }
0xf: {  	_ = 	snop  }
0x10: {  	[tilespmem:s10], [sflag:$0x2] =	stream.strided.gather [hbm4b:s4+s8], $0x6200, s9, s8, $0x38;
	[tilespmem:$0x18800] =	vst v63  }
0x11: {  	_ =	swait.ge [sflag:s11], $0x6200  }
0x12: {  	v1 =	vmov s2;
	[sflag:s11] =	ssyncset.done $0x0  }
0x13: {  	s20 =	simm.s32 $0x0;
	v1 =	vshll.u32 v1, $0x4;
	[sflag:s11] =	ssyncadd.s32 $0xFFFF9E00  }
0x14: {  	v1 =	vor.u32 v0, v1;
	v2 =	vld [tilespmem:s20+$0x0];
	_ =	sdelay $0x4  }
0x15: {  	[tilespmem:v1+s12+$0x0] =	vst.idx.msk $0xffff, v2  }
0x16: {  	v3 =	vor.u32 $0x1, v1;
	v2 =	vld [tilespmem:s20+$0x620];
	_ =	sdelay $0x4  }
0x17: {  	[tilespmem:v3+s12+$0x0] =	vst.idx.msk $0xffff, v2  }
0x18: {  	v3 =	vor.u32 $0x2, v1;
	v2 =	vld [tilespmem:s20+$0xC40];
	_ =	sdelay $0x4  }
0x19: {  	[tilespmem:v3+s12+$0x0] =	vst.idx.msk $0xffff, v2  }
0x1a: {  	v3 =	vor.u32 $0x3, v1;
	v2 =	vld [tilespmem:s20+$0x1260];
	_ =	sdelay $0x4  }
0x1b: {  	[tilespmem:v3+s12+$0x0] =	vst.idx.msk $0xffff, v2  }
0x1c: {  	v3 =	vor.u32 $0x4, v1;
	v2 =	vld [tilespmem:s20+$0x1880];
	_ =	sdelay $0x4  }
0x1d: {  	[tilespmem:v3+s12+$0x0] =	vst.idx.msk $0xffff, v2  }
0x1e: {  	v3 =	vor.u32 $0x5, v1;
	v2 =	vld [tilespmem:s20+$0x1EA0];
	_ =	sdelay $0x4  }
0x1f: {  	[tilespmem:v3+s12+$0x0] =	vst.idx.msk $0xffff, v2  }
0x20: {  	v3 =	vor.u32 $0x6, v1;
	v2 =	vld [tilespmem:s20+$0x24C0];
	_ =	sdelay $0x4  }
0x21: {  	[tilespmem:v3+s12+$0x0] =	vst.idx.msk $0xffff, v2  }
0x22: {  	v3 =	vor.u32 $0x7, v1;
	v2 =	vld [tilespmem:s20+$0x2AE0];
	_ =	sdelay $0x4  }
0x23: {  	[tilespmem:v3+s12+$0x0] =	vst.idx.msk $0xffff, v2  }
0x24: {  	v3 =	vor.u32 $0x8, v1;
	v2 =	vld [tilespmem:s20+$0x3100];
	_ =	sdelay $0x4  }
0x25: {  	[tilespmem:v3+s12+$0x0] =	vst.idx.msk $0xffff, v2  }
0x26: {  	v3 =	vor.u32 $0x9, v1;
	v2 =	vld [tilespmem:s20+$0x3720];
	_ =	sdelay $0x4  }
0x27: {  	[tilespmem:v3+s12+$0x0] =	vst.idx.msk $0xffff, v2  }
0x28: {  	v3 =	vor.u32 $0xA, v1;
	v2 =	vld [tilespmem:s20+$0x3D40];
	_ =	sdelay $0x4  }
0x29: {  	[tilespmem:v3+s12+$0x0] =	vst.idx.msk $0xffff, v2  }
0x2a: {  	v3 =	vor.u32 $0xB, v1;
	v2 =	vld [tilespmem:s20+$0x4360];
	_ =	sdelay $0x4  }
0x2b: {  	[tilespmem:v3+s12+$0x0] =	vst.idx.msk $0xffff, v2  }
0x2c: {  	v3 =	vor.u32 $0xC, v1;
	v2 =	vld [tilespmem:s20+$0x4980];
	_ =	sdelay $0x4  }
0x2d: {  	[tilespmem:v3+s12+$0x0] =	vst.idx.msk $0xffff, v2  }
0x2e: {  	v3 =	vor.u32 $0xD, v1;
	v2 =	vld [tilespmem:s20+$0x4FA0];
	_ =	sdelay $0x4  }
0x2f: {  	[tilespmem:v3+s12+$0x0] =	vst.idx.msk $0xffff, v2  }
0x30: {  	v3 =	vor.u32 $0xE, v1;
	v2 =	vld [tilespmem:s20+$0x55C0];
	_ =	sdelay $0x4  }
0x31: {  	[tilespmem:v3+s12+$0x0] =	vst.idx.msk $0xffff, v2  }
0x32: {  	v1 =	vor.u32 $0xF, v1;
	v2 =	vld [tilespmem:s20+$0x5BE0];
	_ =	sdelay $0x2  }
0x33: {  	s18 =	simm.s32 $0x10  }
0x34: {  	s19 =	simm.s32 $0x40;
	v3 =	vmov s18;
	s20 =	simm.s32 $0x80  }
.LBB2_2:
0x35: {  	p0 =	sne.s32 s20, $0x1840;
	s21 =	sshra.s32 s19, $0x2;
	v3 =	vshll.u32 v3, $0x4;
	[tilespmem:v1+s12+$0x0] =	vst.idx.msk $0xffff, v2;
	s19 =	smov.u32 s20  }
0x36: {  	v2 =	vld [tilespmem:s21+$0x0];
	v1 =	vor.u32 v0, v3;
	_ =	sdelay $0x4  }
0x37: {  	[tilespmem:v1+s12+$0x0] =	vst.idx.msk $0xffff, v2  }
0x38: {  	v3 =	vor.u32 $0x1, v1;
	v2 =	vld [tilespmem:s21+$0x620];
	_ =	sdelay $0x4  }
0x39: {  	[tilespmem:v3+s12+$0x0] =	vst.idx.msk $0xffff, v2  }
0x3a: {  	v3 =	vor.u32 $0x2, v1;
	v2 =	vld [tilespmem:s21+$0xC40];
	_ =	sdelay $0x4  }
0x3b: {  	[tilespmem:v3+s12+$0x0] =	vst.idx.msk $0xffff, v2  }
0x3c: {  	v3 =	vor.u32 $0x3, v1;
	v2 =	vld [tilespmem:s21+$0x1260];
	_ =	sdelay $0x4  }
0x3d: {  	[tilespmem:v3+s12+$0x0] =	vst.idx.msk $0xffff, v2  }
0x3e: {  	v3 =	vor.u32 $0x4, v1;
	v2 =	vld [tilespmem:s21+$0x1880];
	_ =	sdelay $0x4  }
0x3f: {  	[tilespmem:v3+s12+$0x0] =	vst.idx.msk $0xffff, v2  }
0x40: {  	v3 =	vor.u32 $0x5, v1;
	v2 =	vld [tilespmem:s21+$0x1EA0];
	_ =	sdelay $0x4  }
0x41: {  	[tilespmem:v3+s12+$0x0] =	vst.idx.msk $0xffff, v2  }
0x42: {  	v3 =	vor.u32 $0x6, v1;
	v2 =	vld [tilespmem:s21+$0x24C0];
	_ =	sdelay $0x4  }
0x43: {  	[tilespmem:v3+s12+$0x0] =	vst.idx.msk $0xffff, v2  }
0x44: {  	v3 =	vor.u32 $0x7, v1;
	v2 =	vld [tilespmem:s21+$0x2AE0];
	_ =	sdelay $0x4  }
0x45: {  	[tilespmem:v3+s12+$0x0] =	vst.idx.msk $0xffff, v2  }
0x46: {  	v3 =	vor.u32 $0x8, v1;
	v2 =	vld [tilespmem:s21+$0x3100];
	_ =	sdelay $0x4  }
0x47: {  	[tilespmem:v3+s12+$0x0] =	vst.idx.msk $0xffff, v2  }
0x48: {  	v3 =	vor.u32 $0x9, v1;
	v2 =	vld [tilespmem:s21+$0x3720];
	_ =	sdelay $0x4  }
0x49: {  	[tilespmem:v3+s12+$0x0] =	vst.idx.msk $0xffff, v2  }
0x4a: {  	v3 =	vor.u32 $0xA, v1;
	v2 =	vld [tilespmem:s21+$0x3D40];
	_ =	sdelay $0x4  }
0x4b: {  	[tilespmem:v3+s12+$0x0] =	vst.idx.msk $0xffff, v2  }
0x4c: {  	v3 =	vor.u32 $0xB, v1;
	v2 =	vld [tilespmem:s21+$0x4360];
	_ =	sdelay $0x4  }
0x4d: {  	[tilespmem:v3+s12+$0x0] =	vst.idx.msk $0xffff, v2  }
0x4e: {  	v3 =	vor.u32 $0xC, v1;
	v2 =	vld [tilespmem:s21+$0x4980];
	_ =	sdelay $0x4  }
0x4f: {  	[tilespmem:v3+s12+$0x0] =	vst.idx.msk $0xffff, v2  }
0x50: {  	v3 =	vor.u32 $0xD, v1;
	v2 =	vld [tilespmem:s21+$0x4FA0];
	_ =	sdelay $0x4  }
0x51: {  	[tilespmem:v3+s12+$0x0] =	vst.idx.msk $0xffff, v2  }
0x52: {  	v3 =	vor.u32 $0xE, v1;
	v2 =	vld [tilespmem:s21+$0x55C0];
	_ =	sdelay $0x4  }
0x53: {  	[tilespmem:v3+s12+$0x0] =	vst.idx.msk $0xffff, v2  }
.Ltmp0:
0x54: {  	v1 =	vor.u32 $0xF, v1;
	v2 =	vld [tilespmem:s21+$0x5BE0];
	(pc) =	sbr.rel @p0 .LBB2_2-.Ltmp0, $3  }
0x55: {  	_ =	sdelay $0x1  }
0x56: {  	s18 =	sadd.s32 $0x10, s18  }
0x57: {  	s20 =	sadd.s32 $0x40, s20;
	v3 =	vmov s18  }
0x58: {  	_ =	sdelay $0x3  }
0x59: {  	s18 =	sshra.s32 s19, $0x2;
	v3 =	vshll.u32 v3, $0x4;
	[tilespmem:v1+s12+$0x0] =	vst.idx.msk $0xffff, v2  }
0x5a: {  	v1 =	vld [tilespmem:s18+$0x0];
	v2 =	vor.u32 v0, v3;
	_ =	sdelay $0x4  }
0x5b: {  	[tilespmem:v2+s12+$0x0] =	vst.idx.msk $0xffff, v1  }
0x5c: {  	v3 =	vor.u32 $0x1, v2;
	v1 =	vld [tilespmem:s18+$0x620];
	_ =	sdelay $0x4  }
0x5d: {  	[tilespmem:v3+s12+$0x0] =	vst.idx.msk $0xffff, v1  }
0x5e: {  	v3 =	vor.u32 $0x2, v2;
	v1 =	vld [tilespmem:s18+$0xC40];
	_ =	sdelay $0x4  }
0x5f: {  	[tilespmem:v3+s12+$0x0] =	vst.idx.msk $0xffff, v1  }
0x60: {  	v3 =	vor.u32 $0x3, v2;
	v1 =	vld [tilespmem:s18+$0x1260];
	_ =	sdelay $0x4  }
0x61: {  	[tilespmem:v3+s12+$0x0] =	vst.idx.msk $0xffff, v1  }
0x62: {  	v3 =	vor.u32 $0x4, v2;
	v1 =	vld [tilespmem:s18+$0x1880];
	_ =	sdelay $0x4  }
0x63: {  	[tilespmem:v3+s12+$0x0] =	vst.idx.msk $0xffff, v1  }
0x64: {  	v3 =	vor.u32 $0x5, v2;
	v1 =	vld [tilespmem:s18+$0x1EA0];
	_ =	sdelay $0x4  }
0x65: {  	[tilespmem:v3+s12+$0x0] =	vst.idx.msk $0xffff, v1  }
0x66: {  	v3 =	vor.u32 $0x6, v2;
	v1 =	vld [tilespmem:s18+$0x24C0];
	_ =	sdelay $0x4  }
0x67: {  	[tilespmem:v3+s12+$0x0] =	vst.idx.msk $0xffff, v1  }
0x68: {  	v3 =	vor.u32 $0x7, v2;
	v1 =	vld [tilespmem:s18+$0x2AE0];
	_ =	sdelay $0x4  }
0x69: {  	[tilespmem:v3+s12+$0x0] =	vst.idx.msk $0xffff, v1  }
0x6a: {  	v3 =	vor.u32 $0x8, v2;
	v1 =	vld [tilespmem:s18+$0x3100];
	_ =	sdelay $0x4  }
0x6b: {  	[tilespmem:v3+s12+$0x0] =	vst.idx.msk $0xffff, v1  }
0x6c: {  	v3 =	vor.u32 $0x9, v2;
	v1 =	vld [tilespmem:s18+$0x3720];
	_ =	sdelay $0x4  }
0x6d: {  	[tilespmem:v3+s12+$0x0] =	vst.idx.msk $0xffff, v1  }
0x6e: {  	v3 =	vor.u32 $0xA, v2;
	v1 =	vld [tilespmem:s18+$0x3D40];
	_ =	sdelay $0x4  }
0x6f: {  	[tilespmem:v3+s12+$0x0] =	vst.idx.msk $0xffff, v1  }
0x70: {  	v3 =	vor.u32 $0xB, v2;
	v1 =	vld [tilespmem:s18+$0x4360];
	_ =	sdelay $0x4  }
0x71: {  	[tilespmem:v3+s12+$0x0] =	vst.idx.msk $0xffff, v1  }
0x72: {  	v3 =	vor.u32 $0xC, v2;
	v1 =	vld [tilespmem:s18+$0x4980];
	_ =	sdelay $0x4  }
0x73: {  	[tilespmem:v3+s12+$0x0] =	vst.idx.msk $0xffff, v1  }
0x74: {  	v3 =	vor.u32 $0xD, v2;
	v1 =	vld [tilespmem:s18+$0x4FA0];
	_ =	sdelay $0x4  }
0x75: {  	[tilespmem:v3+s12+$0x0] =	vst.idx.msk $0xffff, v1  }
0x76: {  	v3 =	vor.u32 $0xE, v2;
	v1 =	vld [tilespmem:s18+$0x55C0];
	_ =	sdelay $0x4  }
0x77: {  	[tilespmem:v3+s12+$0x0] =	vst.idx.msk $0xffff, v1  }
0x78: {  	v2 =	vor.u32 $0xF, v2;
	v1 =	vld [tilespmem:s18+$0x5BE0];
	_ =	sdelay $0x4  }
0x79: {  	s31 =	simm.s32 $0x0;
	[tilespmem:v2+s12+$0x0] =	vst.idx.msk $0xffff, v1  }
0x7a: {  	[hbm4b:s5+s31] =	stream.linear.scatter [tilespmem:s12], [sflag:$0x3], $0x6200, $0x38;
	[tilespmem:$0x18800] =	vst v63  }
0x7b: {  	_ =	swait.ge [sflag:s13], $0x6200  }
0x7c: {  	v1 =	vmov s31;
	[sflag:s13] =	ssyncset.done $0x0  }
0x7d: {  	s20 =	simm.s32 $0x0;
	v1 =	vshll.u32 v1, $0x4;
	[sflag:s13] =	ssyncadd.s32 $0xFFFF9E00  }
0x7e: {  	v1 =	vor.u32 v0, v1;
	v2 =	vld [tilespmem:s20+$0x6200];
	_ =	sdelay $0x4  }
0x7f: {  	[tilespmem:v1+s14+$0x0] =	vst.idx.msk $0xffff, v2  }
0x80: {  	v3 =	vor.u32 $0x1, v1;
	v2 =	vld [tilespmem:s20+$0x6820];
	_ =	sdelay $0x4  }
0x81: {  	[tilespmem:v3+s14+$0x0] =	vst.idx.msk $0xffff, v2  }
0x82: {  	v3 =	vor.u32 $0x2, v1;
	v2 =	vld [tilespmem:s20+$0x6E40];
	_ =	sdelay $0x4  }
0x83: {  	[tilespmem:v3+s14+$0x0] =	vst.idx.msk $0xffff, v2  }
0x84: {  	v3 =	vor.u32 $0x3, v1;
	v2 =	vld [tilespmem:s20+$0x7460];
	_ =	sdelay $0x4  }
0x85: {  	[tilespmem:v3+s14+$0x0] =	vst.idx.msk $0xffff, v2  }
0x86: {  	v3 =	vor.u32 $0x4, v1;
	v2 =	vld [tilespmem:s20+$0x7A80];
	_ =	sdelay $0x4  }
0x87: {  	[tilespmem:v3+s14+$0x0] =	vst.idx.msk $0xffff, v2  }
0x88: {  	v3 =	vor.u32 $0x5, v1;
	v2 =	vld [tilespmem:s20+$0x80A0];
	_ =	sdelay $0x4  }
0x89: {  	[tilespmem:v3+s14+$0x0] =	vst.idx.msk $0xffff, v2  }
0x8a: {  	v3 =	vor.u32 $0x6, v1;
	v2 =	vld [tilespmem:s20+$0x86C0];
	_ =	sdelay $0x4  }
0x8b: {  	[tilespmem:v3+s14+$0x0] =	vst.idx.msk $0xffff, v2  }
0x8c: {  	v3 =	vor.u32 $0x7, v1;
	v2 =	vld [tilespmem:s20+$0x8CE0];
	_ =	sdelay $0x4  }
0x8d: {  	[tilespmem:v3+s14+$0x0] =	vst.idx.msk $0xffff, v2  }
0x8e: {  	v3 =	vor.u32 $0x8, v1;
	v2 =	vld [tilespmem:s20+$0x9300];
	_ =	sdelay $0x4  }
0x8f: {  	[tilespmem:v3+s14+$0x0] =	vst.idx.msk $0xffff, v2  }
0x90: {  	v3 =	vor.u32 $0x9, v1;
	v2 =	vld [tilespmem:s20+$0x9920];
	_ =	sdelay $0x4  }
0x91: {  	[tilespmem:v3+s14+$0x0] =	vst.idx.msk $0xffff, v2  }
0x92: {  	v3 =	vor.u32 $0xA, v1;
	v2 =	vld [tilespmem:s20+$0x9F40];
	_ =	sdelay $0x4  }
0x93: {  	[tilespmem:v3+s14+$0x0] =	vst.idx.msk $0xffff, v2  }
0x94: {  	v3 =	vor.u32 $0xB, v1;
	v2 =	vld [tilespmem:s20+$0xA560];
	_ =	sdelay $0x4  }
0x95: {  	[tilespmem:v3+s14+$0x0] =	vst.idx.msk $0xffff, v2  }
0x96: {  	v3 =	vor.u32 $0xC, v1;
	v2 =	vld [tilespmem:s20+$0xAB80];
	_ =	sdelay $0x4  }
0x97: {  	[tilespmem:v3+s14+$0x0] =	vst.idx.msk $0xffff, v2  }
0x98: {  	v3 =	vor.u32 $0xD, v1;
	v2 =	vld [tilespmem:s20+$0xB1A0];
	_ =	sdelay $0x4  }
0x99: {  	[tilespmem:v3+s14+$0x0] =	vst.idx.msk $0xffff, v2  }
0x9a: {  	v3 =	vor.u32 $0xE, v1;
	v2 =	vld [tilespmem:s20+$0xB7C0];
	_ =	sdelay $0x4  }
0x9b: {  	[tilespmem:v3+s14+$0x0] =	vst.idx.msk $0xffff, v2  }
0x9c: {  	v1 =	vor.u32 $0xF, v1;
	v2 =	vld [tilespmem:s20+$0xBDE0];
	_ =	sdelay $0x2  }
0x9d: {  	s18 =	simm.s32 $0x10  }
0x9e: {  	s19 =	simm.s32 $0x40;
	v3 =	vmov s18;
	s20 =	simm.s32 $0x80  }
.LBB2_4:
0x9f: {  	p0 =	sne.s32 s20, $0x1840;
	s21 =	sshra.s32 s19, $0x2;
	v3 =	vshll.u32 v3, $0x4;
	[tilespmem:v1+s14+$0x0] =	vst.idx.msk $0xffff, v2;
	s19 =	smov.u32 s20  }
0xa0: {  	v2 =	vld [tilespmem:s21+$0x6200];
	v1 =	vor.u32 v0, v3;
	_ =	sdelay $0x4  }
0xa1: {  	[tilespmem:v1+s14+$0x0] =	vst.idx.msk $0xffff, v2  }
0xa2: {  	v3 =	vor.u32 $0x1, v1;
	v2 =	vld [tilespmem:s21+$0x6820];
	_ =	sdelay $0x4  }
0xa3: {  	[tilespmem:v3+s14+$0x0] =	vst.idx.msk $0xffff, v2  }
0xa4: {  	v3 =	vor.u32 $0x2, v1;
	v2 =	vld [tilespmem:s21+$0x6E40];
	_ =	sdelay $0x4  }
0xa5: {  	[tilespmem:v3+s14+$0x0] =	vst.idx.msk $0xffff, v2  }
0xa6: {  	v3 =	vor.u32 $0x3, v1;
	v2 =	vld [tilespmem:s21+$0x7460];
	_ =	sdelay $0x4  }
0xa7: {  	[tilespmem:v3+s14+$0x0] =	vst.idx.msk $0xffff, v2  }
0xa8: {  	v3 =	vor.u32 $0x4, v1;
	v2 =	vld [tilespmem:s21+$0x7A80];
	_ =	sdelay $0x4  }
0xa9: {  	[tilespmem:v3+s14+$0x0] =	vst.idx.msk $0xffff, v2  }
0xaa: {  	v3 =	vor.u32 $0x5, v1;
	v2 =	vld [tilespmem:s21+$0x80A0];
	_ =	sdelay $0x4  }
0xab: {  	[tilespmem:v3+s14+$0x0] =	vst.idx.msk $0xffff, v2  }
0xac: {  	v3 =	vor.u32 $0x6, v1;
	v2 =	vld [tilespmem:s21+$0x86C0];
	_ =	sdelay $0x4  }
0xad: {  	[tilespmem:v3+s14+$0x0] =	vst.idx.msk $0xffff, v2  }
0xae: {  	v3 =	vor.u32 $0x7, v1;
	v2 =	vld [tilespmem:s21+$0x8CE0];
	_ =	sdelay $0x4  }
0xaf: {  	[tilespmem:v3+s14+$0x0] =	vst.idx.msk $0xffff, v2  }
0xb0: {  	v3 =	vor.u32 $0x8, v1;
	v2 =	vld [tilespmem:s21+$0x9300];
	_ =	sdelay $0x4  }
0xb1: {  	[tilespmem:v3+s14+$0x0] =	vst.idx.msk $0xffff, v2  }
0xb2: {  	v3 =	vor.u32 $0x9, v1;
	v2 =	vld [tilespmem:s21+$0x9920];
	_ =	sdelay $0x4  }
0xb3: {  	[tilespmem:v3+s14+$0x0] =	vst.idx.msk $0xffff, v2  }
0xb4: {  	v3 =	vor.u32 $0xA, v1;
	v2 =	vld [tilespmem:s21+$0x9F40];
	_ =	sdelay $0x4  }
0xb5: {  	[tilespmem:v3+s14+$0x0] =	vst.idx.msk $0xffff, v2  }
0xb6: {  	v3 =	vor.u32 $0xB, v1;
	v2 =	vld [tilespmem:s21+$0xA560];
	_ =	sdelay $0x4  }
0xb7: {  	[tilespmem:v3+s14+$0x0] =	vst.idx.msk $0xffff, v2  }
0xb8: {  	v3 =	vor.u32 $0xC, v1;
	v2 =	vld [tilespmem:s21+$0xAB80];
	_ =	sdelay $0x4  }
0xb9: {  	[tilespmem:v3+s14+$0x0] =	vst.idx.msk $0xffff, v2  }
0xba: {  	v3 =	vor.u32 $0xD, v1;
	v2 =	vld [tilespmem:s21+$0xB1A0];
	_ =	sdelay $0x4  }
0xbb: {  	[tilespmem:v3+s14+$0x0] =	vst.idx.msk $0xffff, v2  }
0xbc: {  	v3 =	vor.u32 $0xE, v1;
	v2 =	vld [tilespmem:s21+$0xB7C0];
	_ =	sdelay $0x4  }
0xbd: {  	[tilespmem:v3+s14+$0x0] =	vst.idx.msk $0xffff, v2  }
.Ltmp1:
0xbe: {  	v1 =	vor.u32 $0xF, v1;
	v2 =	vld [tilespmem:s21+$0xBDE0];
	(pc) =	sbr.rel @p0 .LBB2_4-.Ltmp1, $3  }
0xbf: {  	_ =	sdelay $0x1  }
0xc0: {  	s18 =	sadd.s32 $0x10, s18  }
0xc1: {  	s20 =	sadd.s32 $0x40, s20;
	v3 =	vmov s18  }
0xc2: {  	_ =	sdelay $0x3  }
0xc3: {  	s18 =	sshra.s32 s19, $0x2;
	v3 =	vshll.u32 v3, $0x4;
	[tilespmem:v1+s14+$0x0] =	vst.idx.msk $0xffff, v2  }
0xc4: {  	v1 =	vld [tilespmem:s18+$0x6200];
	v2 =	vor.u32 v0, v3;
	_ =	sdelay $0x4  }
0xc5: {  	[tilespmem:v2+s14+$0x0] =	vst.idx.msk $0xffff, v1  }
0xc6: {  	v3 =	vor.u32 $0x1, v2;
	v1 =	vld [tilespmem:s18+$0x6820];
	_ =	sdelay $0x4  }
0xc7: {  	[tilespmem:v3+s14+$0x0] =	vst.idx.msk $0xffff, v1  }
0xc8: {  	v3 =	vor.u32 $0x2, v2;
	v1 =	vld [tilespmem:s18+$0x6E40];
	_ =	sdelay $0x4  }
0xc9: {  	[tilespmem:v3+s14+$0x0] =	vst.idx.msk $0xffff, v1  }
0xca: {  	v3 =	vor.u32 $0x3, v2;
	v1 =	vld [tilespmem:s18+$0x7460];
	_ =	sdelay $0x4  }
0xcb: {  	[tilespmem:v3+s14+$0x0] =	vst.idx.msk $0xffff, v1  }
0xcc: {  	v3 =	vor.u32 $0x4, v2;
	v1 =	vld [tilespmem:s18+$0x7A80];
	_ =	sdelay $0x4  }
0xcd: {  	[tilespmem:v3+s14+$0x0] =	vst.idx.msk $0xffff, v1  }
0xce: {  	v3 =	vor.u32 $0x5, v2;
	v1 =	vld [tilespmem:s18+$0x80A0];
	_ =	sdelay $0x4  }
0xcf: {  	[tilespmem:v3+s14+$0x0] =	vst.idx.msk $0xffff, v1  }
0xd0: {  	v3 =	vor.u32 $0x6, v2;
	v1 =	vld [tilespmem:s18+$0x86C0];
	_ =	sdelay $0x4  }
0xd1: {  	[tilespmem:v3+s14+$0x0] =	vst.idx.msk $0xffff, v1  }
0xd2: {  	v3 =	vor.u32 $0x7, v2;
	v1 =	vld [tilespmem:s18+$0x8CE0];
	_ =	sdelay $0x4  }
0xd3: {  	[tilespmem:v3+s14+$0x0] =	vst.idx.msk $0xffff, v1  }
0xd4: {  	v3 =	vor.u32 $0x8, v2;
	v1 =	vld [tilespmem:s18+$0x9300];
	_ =	sdelay $0x4  }
0xd5: {  	[tilespmem:v3+s14+$0x0] =	vst.idx.msk $0xffff, v1  }
0xd6: {  	v3 =	vor.u32 $0x9, v2;
	v1 =	vld [tilespmem:s18+$0x9920];
	_ =	sdelay $0x4  }
0xd7: {  	[tilespmem:v3+s14+$0x0] =	vst.idx.msk $0xffff, v1  }
0xd8: {  	v3 =	vor.u32 $0xA, v2;
	v1 =	vld [tilespmem:s18+$0x9F40];
	_ =	sdelay $0x4  }
0xd9: {  	[tilespmem:v3+s14+$0x0] =	vst.idx.msk $0xffff, v1  }
0xda: {  	v3 =	vor.u32 $0xB, v2;
	v1 =	vld [tilespmem:s18+$0xA560];
	_ =	sdelay $0x4  }
0xdb: {  	[tilespmem:v3+s14+$0x0] =	vst.idx.msk $0xffff, v1  }
0xdc: {  	v3 =	vor.u32 $0xC, v2;
	v1 =	vld [tilespmem:s18+$0xAB80];
	_ =	sdelay $0x4  }
0xdd: {  	[tilespmem:v3+s14+$0x0] =	vst.idx.msk $0xffff, v1  }
0xde: {  	v3 =	vor.u32 $0xD, v2;
	v1 =	vld [tilespmem:s18+$0xB1A0];
	_ =	sdelay $0x4  }
0xdf: {  	[tilespmem:v3+s14+$0x0] =	vst.idx.msk $0xffff, v1  }
0xe0: {  	v3 =	vor.u32 $0xE, v2;
	v1 =	vld [tilespmem:s18+$0xB7C0];
	_ =	sdelay $0x4  }
0xe1: {  	[tilespmem:v3+s14+$0x0] =	vst.idx.msk $0xffff, v1  }
0xe2: {  	v2 =	vor.u32 $0xF, v2;
	v1 =	vld [tilespmem:s18+$0xBDE0];
	_ =	sdelay $0x4  }
0xe3: {  	s17 =	sadd.s32 $0x1, s17;
	[tilespmem:v2+s14+$0x0] =	vst.idx.msk $0xffff, v1  }
0xe4: {  	[hbm4b:s6+s2] =	stream.linear.scatter [tilespmem:s14], [sflag:$0x4], $0x6200, $0x38;
	[tilespmem:$0x18800] =	vst v63  }
0xe5: {  	p0 =	sne.s32 s17, s7;
	_ =	swait.ge [sflag:s15], $0x6200  }
.Ltmp2:
0xe6: {  	[sflag:s15] =	ssyncset.done $0x0;
	(pc) =	sbr.rel @p0 .LBB2_1-.Ltmp2, $4  }
0xe7: {  	[sflag:s15] =	ssyncadd.s32 $0xFFFF9E00  }
0xe8: {  	_ =	swait.ge [sflag:s16], $0x6200  }
0xe9: {  	[sflag:s16] =	ssyncset.done $0x0  }
0xea: {  	[sflag:s16] =	ssyncadd.s32 $0xFFFF9E00  }
0xeb: {  	_ =	sfence.sel $0x180000  }
0xec: {  	[bflag:$0x0] =	sbarrier.arrive $0xFFFF  }
0xed: {  	p0 =	sne.s32 s1, $0x0;
	_ =	strace $0x90000047  }
0xee: {  	s0 =	sadd.s32 @!p0 $0x100000, s0;
	[bflag:$0x2] =	sbarrier.arrive $0xFFFF  }
0xef: {  	[sflag:s0] =	ssyncadd.tile.s32 @!p0 $0x1;
	_ =	shalt  }
.Lfunc_end2:
_tile_overlayer_lowered:
.L_overlay_start_2:
0xf0: {  	(tag) =	ssettag $0x2  }
0xf1: {  	s0 =	rddreg [dreg:$0x0];
	s2 =	stileid.u32  }
0xf2: {  	s1 =	rddreg [dreg:$0x1];
	p0 =	sne.s32 s2, $0x0  }
0xf3: {  	s3 =	rddreg [dreg:$0x2];
	[bflag:$0x3] =	sbarrier.arrive $0xFFFF;
	s2 =	simm.s32 @!p0 $0x1C05  }
0xf4: {  	[timem:s3], [sflag:s2] =	dma.local @!p0 [hbm:s0], s1  }
0xf5: {  	s0 =	simm.s32 @!p0 $0x5  }
0xf6: {  	_ =	swait.ge @!p0 [sflag:s0], s1  }
0xf7: {  	s1 =	ssub.s32 @!p0 $0x0, s1;
	[sflag:s0] =	ssyncset.done @!p0 $0x0  }
0xf8: {  	[sflag:s0] =	ssyncadd.s32 @!p0 s1  }
0xf9: {  	[bflag:$0x3] =	sbarrier.arrive $0xFFFF  }
0xfa: {  	_ =	shalt  }

// kernel: kernel.8.cloned.1.call-start
scs
__scs_entry_jumppad:
0x0: {  	(pc) =	sbr.rel $0x88, $3  }
0x1: {  	(tag) =	ssettag $0x0;
	lr =	simm.s32 $0x1  }
0x2: {  	[smem:$0x3F9D] =	sst lr;
	_ =	strace $0xD0000000  }
0x3: {  	_ = 	snop  }
0x4: {  	_ = 	snop  }
0x5: {  	_ = 	snop  }
0x6: {  	_ = 	snop  }
0x7: {  	_ = 	snop  }
__scs_overlays_trampoline_lowered:
0x8: {  	[smem:$0x3FAC] =	sst s0  }
0x9: {  	[smem:$0x3FAD] =	sst s1  }
0xa: {  	[smem:$0x3FAE] =	sst s2  }
0xb: {  	[smem:$0x3FAF] =	sst s3  }
0xc: {  	[smem:$0x3FB0] =	sst s4  }
0xd: {  	[smem:$0x3FB1] =	sst s5  }
0xe: {  	[smem:$0x3FB2] =	sst s6  }
0xf: {  	[smem:$0x3FB3] =	sst s7  }
0x10: {  	[smem:$0x3FB4] =	sst s8  }
0x11: {  	[smem:$0x3FB5] =	sst s9;
	s0 =	simm.s32 @!p0 $0x0  }
0x12: {  	s1 =	sld [smem:$0x3F9B];
	s0 =	simm.s32 @p0 $0x1  }
0x13: {  	[smem:$0x3FB6] =	sst s0;
	s0 =	simm.s32 @!p1 $0x0  }
0x14: {  	s2 =	sld [smem:$0x3F9A];
	s0 =	simm.s32 @p1 $0x1  }
0x15: {  	[smem:$0x3FB7] =	sst s0;
	s0 =	simm.s32 @!p2 $0x0  }
0x16: {  	s3 =	sld [smem:$0x3FDB];
	s0 =	simm.s32 @p2 $0x1  }
0x17: {  	s4 =	simm.s32 $0x1BF5;
	[smem:$0x3FB9] =	sst s0  }
0x18: {  	s0 =	sld [smem:$0x3F9C];
	_ =	swait.ge [sflag:s4], $0x0  }
0x19: {  	s7 =	sld [smem:$0x3F9D]  }
0x1a: {  	s8 =	sadd.s32 $0xFFFFE003, lr  }
0x1b: {  	s9 =	sadd.s32 $0xFFFFFEF7, lr;
	s5 =	simm.s32 $0xFFFFFFFF;
	p2 =	slt.u32 s8, $0xFFFFF086  }
0x1c: {  	p1 =	slt.u32 s9, $0xF7A;
	s5 =	simm.s32 @!p2 $0x0  }
0x1d: {  	s5 =	simm.s32 @p1 $0x1;
	p0 =	seq.s32 s7, s2  }
0x1e: {  	s7 =	smul.u32 @!p0 $0xF7A, s2;
	p2 =	seq.s32 @!p0 s5, $0x0  }
0x1f: {  	s9 =	smul.u32 $0xF7A, s1;
	s8 =	simm.s32 @!p0 $0x1BF5;
	p2 =	por !p2, p0  }
0x20: {  	[sflag:s8] =	ssyncset.s32 @!p0 $0xFFFFF086;
	s6 =	sadd.s32 @!p0 s3, s7;
	s7 =	simm.s32 @!p0 $0x108  }
0x21: {  	s3 =	sadd.s32 s3, s9;
	s6 =	sadd.s32 @!p0 $0x88, s6;
	s7 =	simm.s32 @p2 $0x1082  }
0x22: {  	[simem:s7], [sflag:s8] =	dma.local @!p0 [hbm:s6], $0xF7A  }
0x23: {  	s9 =	sor.u32 $0xD0000000, s2;
	s6 =	simm.s32 $0x108;
	_ =	swait.ge @!p0 [sflag:s8], $0x0  }
0x24: {  	s3 =	sadd.s32 $0x88, s3;
	s6 =	simm.s32 @!p1 $0x1082;
	[sflag:s4] =	ssyncset.s32 $0xFFFFF086  }
0x25: {  	[simem:s6], [sflag:s4] =	dma.local [hbm:s3], $0xF7A  }
0x26: {  	[smem:$0x3F9D] =	sst s1;
	(tag) =	ssettag s2;
	_ =	strace s9  }
0x27: {  	s1 =	sld [smem:$0x3FAD]  }
0x28: {  	s2 =	sld [smem:$0x3FAE]  }
0x29: {  	s4 =	sld [smem:$0x3FB0]  }
0x2a: {  	p0 =	seq.s32 s5, $0x0;
	s5 =	sld [smem:$0x3FB1]  }
0x2b: {  	s6 =	sld [smem:$0x3FB2]  }
0x2c: {  	s7 =	sld [smem:$0x3FB3]  }
0x2d: {  	s3 =	simm.s32 $0x108;
	s8 =	sld [smem:$0x3FB4]  }
0x2e: {  	s3 =	simm.s32 @!p0 $0x1082;
	s9 =	sld [smem:$0x3FB5]  }
0x2f: {  	lr =	sadd.s32 s0, s3;
	s0 =	sld [smem:$0x3FAC]  }
0x30: {  	s3 =	sld [smem:$0x3FAF]  }
0x31: {  	[smem:$0x3FB8] =	sst s10  }
0x32: {  	s10 =	sld [smem:$0x3FB6];
	_ =	sdelay $0x3  }
0x33: {  	p0 =	seq.s32 s10, $0x1;
	s10 =	sld [smem:$0x3FB8];
	_ =	sdelay $0x3  }
0x34: {  	[smem:$0x3FB8] =	sst s10  }
0x35: {  	s10 =	sld [smem:$0x3FB7];
	_ =	sdelay $0x3  }
0x36: {  	p1 =	seq.s32 s10, $0x1;
	s10 =	sld [smem:$0x3FB8];
	_ =	sdelay $0x3  }
0x37: {  	[smem:$0x3FB8] =	sst s10  }
0x38: {  	s10 =	sld [smem:$0x3FB9]  }
0x39: {  	_ = 	snop;
	(pc) =	sbr.ind lr, $3  }
0x3a: {  	_ = 	snop  }
0x3b: {  	_ = 	snop  }
0x3c: {  	p2 =	seq.s32 s10, $0x1;
	s10 =	sld [smem:$0x3FB8]  }
0x3d: {  	_ =	shalt  }
0x3e: {  	_ =	shalt  }
0x3f: {  	_ =	shalt  }
0x40: {  	_ =	shalt  }
0x41: {  	_ =	shalt  }
0x42: {  	_ =	shalt  }
0x43: {  	_ =	shalt  }
0x44: {  	_ =	shalt  }
0x45: {  	_ =	shalt  }
0x46: {  	_ =	shalt  }
0x47: {  	_ =	shalt  }
0x48: {  	_ =	shalt  }
0x49: {  	_ =	shalt  }
0x4a: {  	_ =	shalt  }
0x4b: {  	_ =	shalt  }
0x4c: {  	_ =	shalt  }
0x4d: {  	_ =	shalt  }
0x4e: {  	_ =	shalt  }
0x4f: {  	_ =	shalt  }
0x50: {  	_ =	shalt  }
0x51: {  	_ =	shalt  }
0x52: {  	_ =	shalt  }
0x53: {  	_ =	shalt  }
0x54: {  	_ =	shalt  }
0x55: {  	_ =	shalt  }
0x56: {  	_ =	shalt  }
0x57: {  	_ =	shalt  }
0x58: {  	_ =	shalt  }
0x59: {  	_ =	shalt  }
0x5a: {  	_ =	shalt  }
0x5b: {  	_ =	shalt  }
0x5c: {  	_ =	shalt  }
0x5d: {  	_ =	shalt  }
0x5e: {  	_ =	shalt  }
0x5f: {  	_ =	shalt  }
0x60: {  	_ =	shalt  }
0x61: {  	_ =	shalt  }
0x62: {  	_ =	shalt  }
0x63: {  	_ =	shalt  }
0x64: {  	_ =	shalt  }
0x65: {  	_ =	shalt  }
0x66: {  	_ =	shalt  }
0x67: {  	_ =	shalt  }
0x68: {  	_ =	shalt  }
0x69: {  	_ =	shalt  }
0x6a: {  	_ =	shalt  }
0x6b: {  	_ =	shalt  }
0x6c: {  	_ =	shalt  }
0x6d: {  	_ =	shalt  }
0x6e: {  	_ =	shalt  }
0x6f: {  	_ =	shalt  }
0x70: {  	_ =	shalt  }
0x71: {  	_ =	shalt  }
0x72: {  	_ =	shalt  }
0x73: {  	_ =	shalt  }
0x74: {  	_ =	shalt  }
0x75: {  	_ =	shalt  }
0x76: {  	_ =	shalt  }
0x77: {  	_ =	shalt  }
0x78: {  	_ =	shalt  }
0x79: {  	_ =	shalt  }
0x7a: {  	_ =	shalt  }
0x7b: {  	_ =	shalt  }
0x7c: {  	_ =	shalt  }
0x7d: {  	_ =	shalt  }
0x7e: {  	_ =	shalt  }
0x7f: {  	_ =	shalt  }
0x80: {  	_ =	shalt  }
0x81: {  	_ =	shalt  }
0x82: {  	_ =	shalt  }
0x83: {  	_ =	shalt  }
0x84: {  	_ =	shalt  }
0x85: {  	_ =	shalt  }
0x86: {  	_ =	shalt  }
0x87: {  	_ =	shalt  }
.Lfunc_end0:
.L_simem_size_0:
called_computation.1_lowered:
.L_overlay_start_0:
0x88: {  	s2 =	sld [smem:$0x3FD9]  }
0x89: {  	s3 =	sld [smem:$0x3FFE];
	_ =	sdelay $0x1  }
0x8a: {  	s1 =	srdreg.scid  }
0x8b: {  	s0 =	sand.u32 $0x1, s1  }
0x8c: {  	s16 =	sshll.u32 s0, $0xA;
	s2 =	sadd.s32 s3, s2  }
0x8d: {  	s2 =	sadd.s32 s2, s16  }
0x8e: {  	[smem:$0x3FC4] =	sst s2  }
0x8f: {  	_ = 	snop  }
0x90: {  	(tm) =	ssettm $0x1  }
0x91: {  	s17 =	sld [smem:$0x3FFB];
	_ =	sdelay $0x3  }
0x92: {  	_ =	strace s17  }
0x93: {  	s2 =	sld [smem:$0x3FFC];
	_ =	sdelay $0x3  }
0x94: {  	_ =	strace s2  }
0x95: {  	s2 =	sld [smem:$0x3FFD];
	_ =	sdelay $0x3  }
0x96: {  	_ =	strace s2  }
0x97: {  	_ =	strace $0x8FFFFFFF  }
0x98: {  	s18 =	sld [smem:$0x3FDB];
	_ =	sdelay $0x1  }
0x99: {  	s19 =	simm.s32 $_scs_section_size  }
0x9a: {  	s4 =	simm.s32 $_size__tile_overlayer_lowered;
	s5 =	simm.s32 $_tile_overlayer_lowered  }
0x9b: {  	s22 =	simm.s32 $0x1BFF;
	s21 =	sshll.u32 s5, $0x1;
	s2 =	sadd.s32 s19, s18  }
0x9c: {  	s6 =	simm.s32 $0x0;
	s20 =	sshll.u32 s4, $0x1;
	s4 =	sadd.s32 s21, s2  }
0x9d: {  	[timem:s6], [sflag:s22] =	dma.local [hbm:s4], s20  }
0x9e: {  	_ =	swait.ge [sflag:s22], s20  }
0x9f: {  	s3 =	ssub.s32 $0x0, s20;
	[sflag:s22] =	ssyncset.done $0x0  }
0xa0: {  	[sflag:s22] =	ssyncadd.s32 s3;
	_ =	sdelay $0x1  }
0xa1: {  	s23 =	simm.s32 $0x1B8B  }
0xa2: {  	_ =	swait.ge [sflag:s23], $0x1  }
0xa3: {  	[sflag:s23] =	ssyncset.done $0x0  }
0xa4: {  	s25 =	simm.s32 $0x1B8E;
	s24 =	sld [smem:$0x3FFE];
	[sflag:s23] =	ssyncadd.s32 $0xFFFFFFFF  }
0xa5: {  	s26 =	simm.s32 $execute0_lowered;
	[smem:$0x3FD2] =	sst s25  }
0xa6: {  	s4 =	sshll.u32 s26, $0x1;
	_ =	strace $0x80000049;
	[dreg:$0x1] =	wrdreg $0xFFFFFFFF  }
0xa7: {  	s28 =	simm.s32 $_size_execute0_lowered;
	s2 =	sadd.s32 s2, s4;
	[dreg:$0x0] =	wrdreg $0x0  }
0xa8: {  	s4 =	sshll.u32 s28, $0x1;
	[dreg:$0x2] =	wrdreg s2  }
0xa9: {  	[dreg:$0x3] =	wrdreg s4  }
0xaa: {  	[dreg:$0x4] =	wrdreg $0xC0  }
0xab: {  	_ =	task [dreg:s6], $0x5FFFF  }
0xac: {  	[dreg:$0x1] =	wrdreg $0xFFFFFFFF  }
0xad: {  	[dreg:$0x0] =	wrdreg $0x60  }
0xae: {  	[dreg:$0x2] =	wrdreg s24  }
0xaf: {  	[dreg:$0x3] =	wrdreg $0x9  }
0xb0: {  	_ =	task.clear_ibuf [dreg:s6], $0x4FFFF;
	_ =	strace $0x90000049  }
0xb1: {  	s29 =	simm.s32 $0x9;
	_ =	strace $0x8000004B  }
0xb2: {  	_ =	swait.ge [sflag:s29], $0x1  }
0xb3: {  	[sflag:s29] =	ssyncadd.s32 $0xFFFFFFFF  }
0xb4: {  	_ =	strace $0x9000004B  }
0xb5: {  	_ =	sfence  }
0xb6: {  	s30 =	sld [smem:$0x0];
	_ =	sdelay $0x2  }
0xb7: {  	s31 =	sshll.u32 s1, $0xD;
	s1 =	sshrl.u32 s1, $0x2  }
0xb8: {  	s3 =	sand.u32 $0x4000, s31;
	s1 =	sadd.s32 s1, s30  }
0xb9: {  	s0 =	sor.u32 s3, s0;
	s1 =	sshll.u32 s1, $0x11  }
0xba: {  	s0 =	sor.u32 s1, s0  }
0xbb: {  	s0 =	sadd.s32 $0x8F2B, s0  }
0xbc: {  	[sflag:s0] =	ssyncadd.remote.s32 $0x1  }
0xbd: {  	_ =	sfence.sel $0xFFFF  }
0xbe: {  	[dreg:$0x0] =	wrdreg $0xFFFFFFFF;
	(pc) =	sbr.abs _section_cstart, $3  }
0xbf: {  	[dreg:$0x1] =	wrdreg $0xFFFFFFFF  }
0xc0: {  	_ =	task.clear_ibuf [dreg:s6], $0x2FFFF;
	_ =	strace $0x9FFFFFFF  }
0xc1: {  	(tm) =	ssettm $0x7FFFFFFF  }
tec
execute0_lowered:
.L_overlay_start_1:
0x0: {  	(tag) =	ssettag $0x1  }
0x1: {  	s0 =	srdreg.scid  }
0x2: {  	s1 =	stileid.u32;
	s4 =	rddreg [dreg:$0x0]  }
0x3: {  	s2 =	simm.s32 $0x0;
	s7 =	simm.s32 $0x3;
	s8 =	simm.s32 $0x640  }
0x4: {  	s9 =	simm.s32 $0x6400;
	s10 =	simm.s32 $0xC800;
	s11 =	simm.s32 $0x1  }
0x5: {  	s12 =	simm.s32 $0xC80;
	s13 =	simm.s32 $0x2;
	s14 =	simm.s32 $0x12C0  }
0x6: {  	s15 =	simm.s32 $0x1900;
	s16 =	simm.s32 $0x1F40;
	s17 =	simm.s32 $0x2580  }
0x7: {  	s18 =	simm.s32 $0x2BC0;
	s19 =	simm.s32 $0x3200;
	s20 =	simm.s32 $0x3840  }
0x8: {  	s21 =	simm.s32 $0x3E80;
	s22 =	simm.s32 $0x44C0;
	s23 =	simm.s32 $0x4B00  }
0x9: {  	s24 =	simm.s32 $0x5140;
	s25 =	simm.s32 $0x5780;
	s26 =	simm.s32 $0x5DC0  }
0xa: {  	s28 =	simm.s32 $0x12C00;
	s0 =	sand.u32 $0x1, s0;
	s1 =	sshll.u32 s1, $0x1  }
0xb: {  	s29 =	simm.s32 $0x0;
	[smem:$0x7FF] =	sst s2;
	s1 =	sor.u32 s0, s1  }
0xc: {  	s0 =	ssub.s32 $0x2, s0;
	s3 =	smul.u32 $0xC80, s1;
	s1 =	sshll.u32 s1, $0x8  }
0xd: {  	_ =	strace $0x8000004A;
	s6 =	sshrl.u32 s0, $0x1;
	s1 =	sadd.s32 s1, s4  }
0xe: {  	s0 =	ssub.s32 s0, s6;
	s5 =	sadd.s32 s3, s4;
	s3 =	sadd.s32 $0x31C00, s4  }
0xf: {  	s6 =	smax.u32 s0, $0x1;
	s4 =	sadd.s32 $0x62C00, s5;
	s5 =	sadd.s32 $0xC00, s1  }
.LBB2_1:
0x10: {  	[tilespmem:s2], [sflag:$0x3] =	stream.linear.gather [hbm4b:s4+s2], $0x6400, $0x38;
	[tilespmem:$0x13400] =	vst v63  }
0x11: {  	_ =	swait.ge [sflag:s7], $0x6400  }
0x12: {  	[sflag:s7] =	ssyncset.done $0x0  }
0x13: {  	[sflag:s7] =	ssyncadd.s32 $0xFFFF9C00  }
0x14: {  	[tilespmem:s9], [sflag:$0x1] =	stream.indirect.gather [hbm4b:s3+s8], $0x10, s2, s8, $0xb8;
	[tilespmem:$0x13400] =	vst v63  }
0x15: {  	_ = 	snop  }
0x16: {  	[tilespmem:s10], [sflag:$0x2] =	stream.indirect.gather [hbm4b:s3+s8], $0x10, s8, s8, $0xb8;
	[tilespmem:$0x13400] =	vst v63  }
0x17: {  	_ =	swait.ge [sflag:s11], $0x6400  }
0x18: {  	[sflag:s11] =	ssyncset.done $0x0  }
0x19: {  	s30 =	simm.s32 $0x6440;
	s31 =	simm.s32 $0x0;
	[sflag:s11] =	ssyncadd.s32 $0xFFFF9C00  }
.LBB2_2:
0x1a: {  	v0 =	vmov s30;
	_ =	sdelay $0x3  }
0x1b: {  	s0 =	simm.s32 $0x0  }
0x1c: {  	v1 =	vld.idx.msk [tilespmem:v0+s0+$0xFFFFFFC0 ss:$0x1], $0xffff  }
0x1d: {  	v3 =	vld.idx.msk [tilespmem:v0+s0+$0xFFFFFFD0 ss:$0x1], $0xffff  }
0x1e: {  	v8 =	vld.idx.msk [tilespmem:v0+s0+$0xFFFFFFE0 ss:$0x1], $0xffff  }
0x1f: {  	v10 =	vld.idx.msk [tilespmem:v0+s0+$0xFFFFFFF0 ss:$0x1], $0xffff  }
0x20: {  	v11 =	vld.idx.msk [tilespmem:v0+s0+$0x0 ss:$0x1], $0xffff  }
0x21: {  	v12 =	vld.idx.msk [tilespmem:v0+s0+$0x10 ss:$0x1], $0xffff  }
0x22: {  	v13 =	vld.idx.msk [tilespmem:v0+s0+$0x20 ss:$0x1], $0xffff  }
0x23: {  	s1 =	simm.s32 $0x80;
	v14 =	vld.idx.msk [tilespmem:v0+s0+$0x30 ss:$0x1], $0xffff  }
0x24: {  	v7 =	vld.idx.msk [tilespmem:v0+s1+$0xFFFFFFC0 ss:$0x1], $0xffff  }
0x25: {  	v2 =	vld.idx.msk [tilespmem:v0+s1+$0xFFFFFFD0 ss:$0x1], $0xffff  }
0x26: {  	v4 =	vld.idx.msk [tilespmem:v0+s1+$0xFFFFFFE0 ss:$0x1], $0xffff  }
0x27: {  	v5 =	vld.idx.msk [tilespmem:v0+s1+$0xFFFFFFF0 ss:$0x1], $0xffff  }
0x28: {  	v6 =	vld.idx.msk [tilespmem:v0+s1+$0x0 ss:$0x1], $0xffff;
	v9 =	vadd.f32 v3, v1;
	v10 =	vadd.f32 v10, v8  }
0x29: {  	v3 =	vld.idx.msk [tilespmem:v0+s1+$0x10 ss:$0x1], $0xffff;
	v11 =	vadd.f32 v12, v11;
	v12 =	vadd.f32 v14, v13  }
0x2a: {  	s0 =	simm.s32 $0x400;
	v1 =	vimm.f32 $0.0e+00;
	v8 =	vld.idx.msk [tilespmem:v0+s1+$0x20 ss:$0x1], $0xffff  }
.LBB2_3:
0x2b: {  	p0 =	sne.s32 s0, $0x3000;
	v13 =	vld.idx.msk [tilespmem:v0+s1+$0x30 ss:$0x1], $0xffff;
	s1 =	sshra.s32 s0, $0x2;
	v9 =	vadd.f32 v10, v9;
	v16 =	vadd.f32 v12, v11;
	v11 =	vmov v2  }
0x2c: {  	v12 =	vmov v4;
	v14 =	vld.idx.msk [tilespmem:v0+s1+$0xFFFFFFC0 ss:$0x1], $0xffff  }
0x2d: {  	v10 =	vmov v5;
	v2 =	vld.idx.msk [tilespmem:v0+s1+$0xFFFFFFD0 ss:$0x1], $0xffff;
	v9 =	vadd.f32 v16, v9  }
.Ltmp0:
0x2e: {  	v15 =	vmov v6;
	v4 =	vld.idx.msk [tilespmem:v0+s1+$0xFFFFFFE0 ss:$0x1], $0xffff;
	(pc) =	sbr.rel @p0 .LBB2_3-.Ltmp0, $4  }
0x2f: {  	v5 =	vld.idx.msk [tilespmem:v0+s1+$0xFFFFFFF0 ss:$0x1], $0xffff;
	v1 =	vadd.f32 v9, v1  }
0x30: {  	v10 =	vadd.f32 v10, v12;
	v9 =	vadd.f32 v11, v7;
	v6 =	vld.idx.msk [tilespmem:v0+s1+$0x0 ss:$0x1], $0xffff  }
0x31: {  	v11 =	vadd.f32 v3, v15;
	v12 =	vadd.f32 v13, v8;
	v3 =	vld.idx.msk [tilespmem:v0+s1+$0x10 ss:$0x1], $0xffff  }
0x32: {  	s0 =	sadd.s32 $0x200, s0;
	v7 =	vmov v14;
	v8 =	vld.idx.msk [tilespmem:v0+s1+$0x20 ss:$0x1], $0xffff  }
0x33: {  	_ =	sdelay $0x3  }
0x34: {  	v0 =	vld.idx.msk [tilespmem:v0+s1+$0x30 ss:$0x1], $0xffff;
	_ =	sdelay $0x2  }
0x35: {  	v9 =	vadd.f32 v10, v9;
	v62 =	vadd.f32 v12, v11  }
0x36: {  	v2 =	vadd.f32 v2, v7;
	v4 =	vadd.f32 v5, v4  }
0x37: {  	v3 =	vadd.f32 v3, v6;
	v0 =	vadd.f32 v0, v8  }
0x38: {  	v63 =	vadd.f32 v62, v9  }
0x39: {  	v2 =	vadd.f32 v4, v2;
	v0 =	vadd.f32 v0, v3;
	_ =	sdelay $0x1  }
0x3a: {  	s0 =	sshll.u32 s31, $0x4;
	s31 =	sadd.s32 $0x1, s31;
	v1 =	vadd.f32 v63, v1;
	v0 =	vadd.f32 v0, v2  }
0x3b: {  	p0 =	sne.s32 s31, $0x8  }
.Ltmp1:
0x3c: {  	v0 =	vadd.f32 v0, v1;
	(pc) =	sbr.rel @p0 .LBB2_2-.Ltmp1, $4  }
0x3d: {  	_ = 	snop  }
0x3e: {  	v0 =	vmul.f32 $4.999999890e-03, v0  }
0x3f: {  	s0 =	sand.u32 $0x3FFFFFF0, s0  }
0x40: {  	s30 =	sadd.s32 $0xC80, s30;
	[tilespmem:s0+$0x12C00] =	vst v0  }
0x41: {  	[tilespmem:s9], [sflag:$0x1] =	stream.indirect.gather [hbm4b:s3+s8], $0x10, s12, s8, $0xb8;
	[tilespmem:$0x13400] =	vst v63  }
0x42: {  	_ =	swait.ge [sflag:s13], $0x6400  }
0x43: {  	[sflag:s13] =	ssyncset.done $0x0  }
0x44: {  	s30 =	simm.s32 $0x0;
	s31 =	simm.s32 $0xC840;
	[sflag:s13] =	ssyncadd.s32 $0xFFFF9C00  }
.LBB2_6:
0x45: {  	v0 =	vmov s31;
	_ =	sdelay $0x3  }
0x46: {  	s0 =	simm.s32 $0x0  }
0x47: {  	v1 =	vld.idx.msk [tilespmem:v0+s0+$0xFFFFFFC0 ss:$0x1], $0xffff  }
0x48: {  	v3 =	vld.idx.msk [tilespmem:v0+s0+$0xFFFFFFD0 ss:$0x1], $0xffff  }
0x49: {  	v8 =	vld.idx.msk [tilespmem:v0+s0+$0xFFFFFFE0 ss:$0x1], $0xffff  }
0x4a: {  	v10 =	vld.idx.msk [tilespmem:v0+s0+$0xFFFFFFF0 ss:$0x1], $0xffff  }
0x4b: {  	v11 =	vld.idx.msk [tilespmem:v0+s0+$0x0 ss:$0x1], $0xffff  }
0x4c: {  	v12 =	vld.idx.msk [tilespmem:v0+s0+$0x10 ss:$0x1], $0xffff  }
0x4d: {  	v13 =	vld.idx.msk [tilespmem:v0+s0+$0x20 ss:$0x1], $0xffff  }
0x4e: {  	s1 =	simm.s32 $0x80;
	v14 =	vld.idx.msk [tilespmem:v0+s0+$0x30 ss:$0x1], $0xffff  }
0x4f: {  	v7 =	vld.idx.msk [tilespmem:v0+s1+$0xFFFFFFC0 ss:$0x1], $0xffff  }
0x50: {  	v2 =	vld.idx.msk [tilespmem:v0+s1+$0xFFFFFFD0 ss:$0x1], $0xffff  }
0x51: {  	v4 =	vld.idx.msk [tilespmem:v0+s1+$0xFFFFFFE0 ss:$0x1], $0xffff  }
0x52: {  	v5 =	vld.idx.msk [tilespmem:v0+s1+$0xFFFFFFF0 ss:$0x1], $0xffff  }
0x53: {  	v6 =	vld.idx.msk [tilespmem:v0+s1+$0x0 ss:$0x1], $0xffff;
	v9 =	vadd.f32 v3, v1;
	v10 =	vadd.f32 v10, v8  }
0x54: {  	v3 =	vld.idx.msk [tilespmem:v0+s1+$0x10 ss:$0x1], $0xffff;
	v11 =	vadd.f32 v12, v11;
	v12 =	vadd.f32 v14, v13  }
0x55: {  	s0 =	simm.s32 $0x400;
	v1 =	vimm.f32 $0.0e+00;
	v8 =	vld.idx.msk [tilespmem:v0+s1+$0x20 ss:$0x1], $0xffff  }
.LBB2_7:
0x56: {  	p0 =	sne.s32 s0, $0x3000;
	v13 =	vld.idx.msk [tilespmem:v0+s1+$0x30 ss:$0x1], $0xffff;
	s1 =	sshra.s32 s0, $0x2;
	v9 =	vadd.f32 v10, v9;
	v16 =	vadd.f32 v12, v11;
	v11 =	vmov v2  }
0x57: {  	v12 =	vmov v4;
	v14 =	vld.idx.msk [tilespmem:v0+s1+$0xFFFFFFC0 ss:$0x1], $0xffff  }
0x58: {  	v10 =	vmov v5;
	v2 =	vld.idx.msk [tilespmem:v0+s1+$0xFFFFFFD0 ss:$0x1], $0xffff;
	v9 =	vadd.f32 v16, v9  }
.Ltmp2:
0x59: {  	v15 =	vmov v6;
	v4 =	vld.idx.msk [tilespmem:v0+s1+$0xFFFFFFE0 ss:$0x1], $0xffff;
	(pc) =	sbr.rel @p0 .LBB2_7-.Ltmp2, $4  }
0x5a: {  	v5 =	vld.idx.msk [tilespmem:v0+s1+$0xFFFFFFF0 ss:$0x1], $0xffff;
	v1 =	vadd.f32 v9, v1  }
0x5b: {  	v10 =	vadd.f32 v10, v12;
	v9 =	vadd.f32 v11, v7;
	v6 =	vld.idx.msk [tilespmem:v0+s1+$0x0 ss:$0x1], $0xffff  }
0x5c: {  	v11 =	vadd.f32 v3, v15;
	v12 =	vadd.f32 v13, v8;
	v3 =	vld.idx.msk [tilespmem:v0+s1+$0x10 ss:$0x1], $0xffff  }
0x5d: {  	s0 =	sadd.s32 $0x200, s0;
	v7 =	vmov v14;
	v8 =	vld.idx.msk [tilespmem:v0+s1+$0x20 ss:$0x1], $0xffff  }
0x5e: {  	_ =	sdelay $0x3  }
0x5f: {  	v0 =	vld.idx.msk [tilespmem:v0+s1+$0x30 ss:$0x1], $0xffff;
	_ =	sdelay $0x2  }
0x60: {  	v9 =	vadd.f32 v10, v9;
	v62 =	vadd.f32 v12, v11  }
0x61: {  	v2 =	vadd.f32 v2, v7;
	v4 =	vadd.f32 v5, v4  }
0x62: {  	v3 =	vadd.f32 v3, v6;
	v0 =	vadd.f32 v0, v8  }
0x63: {  	v63 =	vadd.f32 v62, v9  }
0x64: {  	v2 =	vadd.f32 v4, v2;
	v0 =	vadd.f32 v0, v3;
	_ =	sdelay $0x1  }
0x65: {  	s0 =	sshll.u32 s30, $0x4;
	s30 =	sadd.s32 $0x1, s30;
	v1 =	vadd.f32 v63, v1;
	v0 =	vadd.f32 v0, v2  }
0x66: {  	p0 =	sne.s32 s30, $0x8  }
.Ltmp3:
0x67: {  	v0 =	vadd.f32 v0, v1;
	(pc) =	sbr.rel @p0 .LBB2_6-.Ltmp3, $4  }
0x68: {  	_ = 	snop  }
0x69: {  	v0 =	vmul.f32 $4.999999890e-03, v0  }
0x6a: {  	s0 =	sand.u32 $0x3FFFFFF0, s0  }
0x6b: {  	s31 =	sadd.s32 $0xC80, s31;
	[tilespmem:s0+$0x12C80] =	vst v0  }
0x6c: {  	[tilespmem:s10], [sflag:$0x2] =	stream.indirect.gather [hbm4b:s3+s8], $0x10, s14, s8, $0xb8;
	[tilespmem:$0x13400] =	vst v63  }
0x6d: {  	_ =	swait.ge [sflag:s11], $0x6400  }
0x6e: {  	[sflag:s11] =	ssyncset.done $0x0  }
0x6f: {  	s30 =	simm.s32 $0x0;
	s31 =	simm.s32 $0x6440;
	[sflag:s11] =	ssyncadd.s32 $0xFFFF9C00  }
.LBB2_10:
0x70: {  	v0 =	vmov s31;
	_ =	sdelay $0x3  }
0x71: {  	s0 =	simm.s32 $0x0  }
0x72: {  	v1 =	vld.idx.msk [tilespmem:v0+s0+$0xFFFFFFC0 ss:$0x1], $0xffff  }
0x73: {  	v3 =	vld.idx.msk [tilespmem:v0+s0+$0xFFFFFFD0 ss:$0x1], $0xffff  }
0x74: {  	v8 =	vld.idx.msk [tilespmem:v0+s0+$0xFFFFFFE0 ss:$0x1], $0xffff  }
0x75: {  	v10 =	vld.idx.msk [tilespmem:v0+s0+$0xFFFFFFF0 ss:$0x1], $0xffff  }
0x76: {  	v11 =	vld.idx.msk [tilespmem:v0+s0+$0x0 ss:$0x1], $0xffff  }
0x77: {  	v12 =	vld.idx.msk [tilespmem:v0+s0+$0x10 ss:$0x1], $0xffff  }
0x78: {  	v13 =	vld.idx.msk [tilespmem:v0+s0+$0x20 ss:$0x1], $0xffff  }
0x79: {  	s1 =	simm.s32 $0x80;
	v14 =	vld.idx.msk [tilespmem:v0+s0+$0x30 ss:$0x1], $0xffff  }
0x7a: {  	v7 =	vld.idx.msk [tilespmem:v0+s1+$0xFFFFFFC0 ss:$0x1], $0xffff  }
0x7b: {  	v2 =	vld.idx.msk [tilespmem:v0+s1+$0xFFFFFFD0 ss:$0x1], $0xffff  }
0x7c: {  	v4 =	vld.idx.msk [tilespmem:v0+s1+$0xFFFFFFE0 ss:$0x1], $0xffff  }
0x7d: {  	v5 =	vld.idx.msk [tilespmem:v0+s1+$0xFFFFFFF0 ss:$0x1], $0xffff  }
0x7e: {  	v6 =	vld.idx.msk [tilespmem:v0+s1+$0x0 ss:$0x1], $0xffff;
	v9 =	vadd.f32 v3, v1;
	v10 =	vadd.f32 v10, v8  }
0x7f: {  	v3 =	vld.idx.msk [tilespmem:v0+s1+$0x10 ss:$0x1], $0xffff;
	v11 =	vadd.f32 v12, v11;
	v12 =	vadd.f32 v14, v13  }
0x80: {  	s0 =	simm.s32 $0x400;
	v1 =	vimm.f32 $0.0e+00;
	v8 =	vld.idx.msk [tilespmem:v0+s1+$0x20 ss:$0x1], $0xffff  }
.LBB2_11:
0x81: {  	p0 =	sne.s32 s0, $0x3000;
	v13 =	vld.idx.msk [tilespmem:v0+s1+$0x30 ss:$0x1], $0xffff;
	s1 =	sshra.s32 s0, $0x2;
	v9 =	vadd.f32 v10, v9;
	v16 =	vadd.f32 v12, v11;
	v11 =	vmov v2  }
0x82: {  	v12 =	vmov v4;
	v14 =	vld.idx.msk [tilespmem:v0+s1+$0xFFFFFFC0 ss:$0x1], $0xffff  }
0x83: {  	v10 =	vmov v5;
	v2 =	vld.idx.msk [tilespmem:v0+s1+$0xFFFFFFD0 ss:$0x1], $0xffff;
	v9 =	vadd.f32 v16, v9  }
.Ltmp4:
0x84: {  	v15 =	vmov v6;
	v4 =	vld.idx.msk [tilespmem:v0+s1+$0xFFFFFFE0 ss:$0x1], $0xffff;
	(pc) =	sbr.rel @p0 .LBB2_11-.Ltmp4, $4  }
0x85: {  	v5 =	vld.idx.msk [tilespmem:v0+s1+$0xFFFFFFF0 ss:$0x1], $0xffff;
	v1 =	vadd.f32 v9, v1  }
0x86: {  	v10 =	vadd.f32 v10, v12;
	v9 =	vadd.f32 v11, v7;
	v6 =	vld.idx.msk [tilespmem:v0+s1+$0x0 ss:$0x1], $0xffff  }
0x87: {  	v11 =	vadd.f32 v3, v15;
	v12 =	vadd.f32 v13, v8;
	v3 =	vld.idx.msk [tilespmem:v0+s1+$0x10 ss:$0x1], $0xffff  }
0x88: {  	s0 =	sadd.s32 $0x200, s0;
	v7 =	vmov v14;
	v8 =	vld.idx.msk [tilespmem:v0+s1+$0x20 ss:$0x1], $0xffff  }
0x89: {  	_ =	sdelay $0x3  }
0x8a: {  	v0 =	vld.idx.msk [tilespmem:v0+s1+$0x30 ss:$0x1], $0xffff;
	_ =	sdelay $0x2  }
0x8b: {  	v9 =	vadd.f32 v10, v9;
	v62 =	vadd.f32 v12, v11  }
0x8c: {  	v2 =	vadd.f32 v2, v7;
	v4 =	vadd.f32 v5, v4  }
0x8d: {  	v3 =	vadd.f32 v3, v6;
	v0 =	vadd.f32 v0, v8  }
0x8e: {  	v63 =	vadd.f32 v62, v9  }
0x8f: {  	v2 =	vadd.f32 v4, v2;
	v0 =	vadd.f32 v0, v3;
	_ =	sdelay $0x1  }
0x90: {  	s0 =	sshll.u32 s30, $0x4;
	s30 =	sadd.s32 $0x1, s30;
	v1 =	vadd.f32 v63, v1;
	v0 =	vadd.f32 v0, v2  }
0x91: {  	p0 =	sne.s32 s30, $0x8  }
.Ltmp5:
0x92: {  	v0 =	vadd.f32 v0, v1;
	(pc) =	sbr.rel @p0 .LBB2_10-.Ltmp5, $4  }
0x93: {  	_ = 	snop  }
0x94: {  	v0 =	vmul.f32 $4.999999890e-03, v0  }
0x95: {  	s0 =	sand.u32 $0x3FFFFFF0, s0  }
0x96: {  	s31 =	sadd.s32 $0xC80, s31;
	[tilespmem:s0+$0x12D00] =	vst v0  }
0x97: {  	[tilespmem:s9], [sflag:$0x1] =	stream.indirect.gather [hbm4b:s3+s8], $0x10, s15, s8, $0xb8;
	[tilespmem:$0x13400] =	vst v63  }
0x98: {  	_ =	swait.ge [sflag:s13], $0x6400  }
0x99: {  	[sflag:s13] =	ssyncset.done $0x0  }
0x9a: {  	s30 =	simm.s32 $0x0;
	s31 =	simm.s32 $0xC840;
	[sflag:s13] =	ssyncadd.s32 $0xFFFF9C00  }
.LBB2_14:
0x9b: {  	v0 =	vmov s31;
	_ =	sdelay $0x3  }
0x9c: {  	s0 =	simm.s32 $0x0  }
0x9d: {  	v1 =	vld.idx.msk [tilespmem:v0+s0+$0xFFFFFFC0 ss:$0x1], $0xffff  }
0x9e: {  	v3 =	vld.idx.msk [tilespmem:v0+s0+$0xFFFFFFD0 ss:$0x1], $0xffff  }
0x9f: {  	v8 =	vld.idx.msk [tilespmem:v0+s0+$0xFFFFFFE0 ss:$0x1], $0xffff  }
0xa0: {  	v10 =	vld.idx.msk [tilespmem:v0+s0+$0xFFFFFFF0 ss:$0x1], $0xffff  }
0xa1: {  	v11 =	vld.idx.msk [tilespmem:v0+s0+$0x0 ss:$0x1], $0xffff  }
0xa2: {  	v12 =	vld.idx.msk [tilespmem:v0+s0+$0x10 ss:$0x1], $0xffff  }
0xa3: {  	v13 =	vld.idx.msk [tilespmem:v0+s0+$0x20 ss:$0x1], $0xffff  }
0xa4: {  	s1 =	simm.s32 $0x80;
	v14 =	vld.idx.msk [tilespmem:v0+s0+$0x30 ss:$0x1], $0xffff  }
0xa5: {  	v7 =	vld.idx.msk [tilespmem:v0+s1+$0xFFFFFFC0 ss:$0x1], $0xffff  }
0xa6: {  	v2 =	vld.idx.msk [tilespmem:v0+s1+$0xFFFFFFD0 ss:$0x1], $0xffff  }
0xa7: {  	v4 =	vld.idx.msk [tilespmem:v0+s1+$0xFFFFFFE0 ss:$0x1], $0xffff  }
0xa8: {  	v5 =	vld.idx.msk [tilespmem:v0+s1+$0xFFFFFFF0 ss:$0x1], $0xffff  }
0xa9: {  	v6 =	vld.idx.msk [tilespmem:v0+s1+$0x0 ss:$0x1], $0xffff;
	v9 =	vadd.f32 v3, v1;
	v10 =	vadd.f32 v10, v8  }
0xaa: {  	v3 =	vld.idx.msk [tilespmem:v0+s1+$0x10 ss:$0x1], $0xffff;
	v11 =	vadd.f32 v12, v11;
	v12 =	vadd.f32 v14, v13  }
0xab: {  	s0 =	simm.s32 $0x400;
	v1 =	vimm.f32 $0.0e+00;
	v8 =	vld.idx.msk [tilespmem:v0+s1+$0x20 ss:$0x1], $0xffff  }
.LBB2_15:
0xac: {  	p0 =	sne.s32 s0, $0x3000;
	v13 =	vld.idx.msk [tilespmem:v0+s1+$0x30 ss:$0x1], $0xffff;
	s1 =	sshra.s32 s0, $0x2;
	v9 =	vadd.f32 v10, v9;
	v16 =	vadd.f32 v12, v11;
	v11 =	vmov v2  }
0xad: {  	v12 =	vmov v4;
	v14 =	vld.idx.msk [tilespmem:v0+s1+$0xFFFFFFC0 ss:$0x1], $0xffff  }
0xae: {  	v10 =	vmov v5;
	v2 =	vld.idx.msk [tilespmem:v0+s1+$0xFFFFFFD0 ss:$0x1], $0xffff;
	v9 =	vadd.f32 v16, v9  }
.Ltmp6:
0xaf: {  	v15 =	vmov v6;
	v4 =	vld.idx.msk [tilespmem:v0+s1+$0xFFFFFFE0 ss:$0x1], $0xffff;
	(pc) =	sbr.rel @p0 .LBB2_15-.Ltmp6, $4  }
0xb0: {  	v5 =	vld.idx.msk [tilespmem:v0+s1+$0xFFFFFFF0 ss:$0x1], $0xffff;
	v1 =	vadd.f32 v9, v1  }
0xb1: {  	v10 =	vadd.f32 v10, v12;
	v9 =	vadd.f32 v11, v7;
	v6 =	vld.idx.msk [tilespmem:v0+s1+$0x0 ss:$0x1], $0xffff  }
0xb2: {  	v11 =	vadd.f32 v3, v15;
	v12 =	vadd.f32 v13, v8;
	v3 =	vld.idx.msk [tilespmem:v0+s1+$0x10 ss:$0x1], $0xffff  }
0xb3: {  	s0 =	sadd.s32 $0x200, s0;
	v7 =	vmov v14;
	v8 =	vld.idx.msk [tilespmem:v0+s1+$0x20 ss:$0x1], $0xffff  }
0xb4: {  	_ =	sdelay $0x3  }
0xb5: {  	v0 =	vld.idx.msk [tilespmem:v0+s1+$0x30 ss:$0x1], $0xffff;
	_ =	sdelay $0x2  }
0xb6: {  	v9 =	vadd.f32 v10, v9;
	v62 =	vadd.f32 v12, v11  }
0xb7: {  	v2 =	vadd.f32 v2, v7;
	v4 =	vadd.f32 v5, v4  }
0xb8: {  	v3 =	vadd.f32 v3, v6;
	v0 =	vadd.f32 v0, v8  }
0xb9: {  	v63 =	vadd.f32 v62, v9  }
0xba: {  	v2 =	vadd.f32 v4, v2;
	v0 =	vadd.f32 v0, v3;
	_ =	sdelay $0x1  }
0xbb: {  	s0 =	sshll.u32 s30, $0x4;
	s30 =	sadd.s32 $0x1, s30;
	v1 =	vadd.f32 v63, v1;
	v0 =	vadd.f32 v0, v2  }
0xbc: {  	p0 =	sne.s32 s30, $0x8  }
.Ltmp7:
0xbd: {  	v0 =	vadd.f32 v0, v1;
	(pc) =	sbr.rel @p0 .LBB2_14-.Ltmp7, $4  }
0xbe: {  	_ = 	snop  }
0xbf: {  	v0 =	vmul.f32 $4.999999890e-03, v0  }
0xc0: {  	s0 =	sand.u32 $0x3FFFFFF0, s0  }
0xc1: {  	s31 =	sadd.s32 $0xC80, s31;
	[tilespmem:s0+$0x12D80] =	vst v0  }
0xc2: {  	[tilespmem:s10], [sflag:$0x2] =	stream.indirect.gather [hbm4b:s3+s8], $0x10, s16, s8, $0xb8;
	[tilespmem:$0x13400] =	vst v63  }
0xc3: {  	_ =	swait.ge [sflag:s11], $0x6400  }
0xc4: {  	[sflag:s11] =	ssyncset.done $0x0  }
0xc5: {  	s30 =	simm.s32 $0x0;
	s31 =	simm.s32 $0x6440;
	[sflag:s11] =	ssyncadd.s32 $0xFFFF9C00  }
.LBB2_18:
0xc6: {  	v0 =	vmov s31;
	_ =	sdelay $0x3  }
0xc7: {  	s0 =	simm.s32 $0x0  }
0xc8: {  	v1 =	vld.idx.msk [tilespmem:v0+s0+$0xFFFFFFC0 ss:$0x1], $0xffff  }
0xc9: {  	v3 =	vld.idx.msk [tilespmem:v0+s0+$0xFFFFFFD0 ss:$0x1], $0xffff  }
0xca: {  	v8 =	vld.idx.msk [tilespmem:v0+s0+$0xFFFFFFE0 ss:$0x1], $0xffff  }
0xcb: {  	v10 =	vld.idx.msk [tilespmem:v0+s0+$0xFFFFFFF0 ss:$0x1], $0xffff  }
0xcc: {  	v11 =	vld.idx.msk [tilespmem:v0+s0+$0x0 ss:$0x1], $0xffff  }
0xcd: {  	v12 =	vld.idx.msk [tilespmem:v0+s0+$0x10 ss:$0x1], $0xffff  }
0xce: {  	v13 =	vld.idx.msk [tilespmem:v0+s0+$0x20 ss:$0x1], $0xffff  }
0xcf: {  	s1 =	simm.s32 $0x80;
	v14 =	vld.idx.msk [tilespmem:v0+s0+$0x30 ss:$0x1], $0xffff  }
0xd0: {  	v7 =	vld.idx.msk [tilespmem:v0+s1+$0xFFFFFFC0 ss:$0x1], $0xffff  }
0xd1: {  	v2 =	vld.idx.msk [tilespmem:v0+s1+$0xFFFFFFD0 ss:$0x1], $0xffff  }
0xd2: {  	v4 =	vld.idx.msk [tilespmem:v0+s1+$0xFFFFFFE0 ss:$0x1], $0xffff  }
0xd3: {  	v5 =	vld.idx.msk [tilespmem:v0+s1+$0xFFFFFFF0 ss:$0x1], $0xffff  }
0xd4: {  	v6 =	vld.idx.msk [tilespmem:v0+s1+$0x0 ss:$0x1], $0xffff;
	v9 =	vadd.f32 v3, v1;
	v10 =	vadd.f32 v10, v8  }
0xd5: {  	v3 =	vld.idx.msk [tilespmem:v0+s1+$0x10 ss:$0x1], $0xffff;
	v11 =	vadd.f32 v12, v11;
	v12 =	vadd.f32 v14, v13  }
0xd6: {  	s0 =	simm.s32 $0x400;
	v1 =	vimm.f32 $0.0e+00;
	v8 =	vld.idx.msk [tilespmem:v0+s1+$0x20 ss:$0x1], $0xffff  }
.LBB2_19:
0xd7: {  	p0 =	sne.s32 s0, $0x3000;
	v13 =	vld.idx.msk [tilespmem:v0+s1+$0x30 ss:$0x1], $0xffff;
	s1 =	sshra.s32 s0, $0x2;
	v9 =	vadd.f32 v10, v9;
	v16 =	vadd.f32 v12, v11;
	v11 =	vmov v2  }
0xd8: {  	v12 =	vmov v4;
	v14 =	vld.idx.msk [tilespmem:v0+s1+$0xFFFFFFC0 ss:$0x1], $0xffff  }
0xd9: {  	v10 =	vmov v5;
	v2 =	vld.idx.msk [tilespmem:v0+s1+$0xFFFFFFD0 ss:$0x1], $0xffff;
	v9 =	vadd.f32 v16, v9  }
.Ltmp8:
0xda: {  	v15 =	vmov v6;
	v4 =	vld.idx.msk [tilespmem:v0+s1+$0xFFFFFFE0 ss:$0x1], $0xffff;
	(pc) =	sbr.rel @p0 .LBB2_19-.Ltmp8, $4  }
0xdb: {  	v5 =	vld.idx.msk [tilespmem:v0+s1+$0xFFFFFFF0 ss:$0x1], $0xffff;
	v1 =	vadd.f32 v9, v1  }
0xdc: {  	v10 =	vadd.f32 v10, v12;
	v9 =	vadd.f32 v11, v7;
	v6 =	vld.idx.msk [tilespmem:v0+s1+$0x0 ss:$0x1], $0xffff  }
0xdd: {  	v11 =	vadd.f32 v3, v15;
	v12 =	vadd.f32 v13, v8;
	v3 =	vld.idx.msk [tilespmem:v0+s1+$0x10 ss:$0x1], $0xffff  }
0xde: {  	s0 =	sadd.s32 $0x200, s0;
	v7 =	vmov v14;
	v8 =	vld.idx.msk [tilespmem:v0+s1+$0x20 ss:$0x1], $0xffff  }
0xdf: {  	_ =	sdelay $0x3  }
0xe0: {  	v0 =	vld.idx.msk [tilespmem:v0+s1+$0x30 ss:$0x1], $0xffff;
	_ =	sdelay $0x2  }
0xe1: {  	v9 =	vadd.f32 v10, v9;
	v62 =	vadd.f32 v12, v11  }
0xe2: {  	v2 =	vadd.f32 v2, v7;
	v4 =	vadd.f32 v5, v4  }
0xe3: {  	v3 =	vadd.f32 v3, v6;
	v0 =	vadd.f32 v0, v8  }
0xe4: {  	v63 =	vadd.f32 v62, v9  }
0xe5: {  	v2 =	vadd.f32 v4, v2;
	v0 =	vadd.f32 v0, v3;
	_ =	sdelay $0x1  }
0xe6: {  	s0 =	sshll.u32 s30, $0x4;
	s30 =	sadd.s32 $0x1, s30;
	v1 =	vadd.f32 v63, v1;
	v0 =	vadd.f32 v0, v2  }
0xe7: {  	p0 =	sne.s32 s30, $0x8  }
.Ltmp9:
0xe8: {  	v0 =	vadd.f32 v0, v1;
	(pc) =	sbr.rel @p0 .LBB2_18-.Ltmp9, $4  }
0xe9: {  	_ = 	snop  }
0xea: {  	v0 =	vmul.f32 $4.999999890e-03, v0  }
0xeb: {  	s0 =	sand.u32 $0x3FFFFFF0, s0  }
0xec: {  	s31 =	sadd.s32 $0xC80, s31;
	[tilespmem:s0+$0x12E00] =	vst v0  }
0xed: {  	[tilespmem:s9], [sflag:$0x1] =	stream.indirect.gather [hbm4b:s3+s8], $0x10, s17, s8, $0xb8;
	[tilespmem:$0x13400] =	vst v63  }
0xee: {  	_ =	swait.ge [sflag:s13], $0x6400  }
0xef: {  	[sflag:s13] =	ssyncset.done $0x0  }
0xf0: {  	s30 =	simm.s32 $0x0;
	s31 =	simm.s32 $0xC840;
	[sflag:s13] =	ssyncadd.s32 $0xFFFF9C00  }
.LBB2_22:
0xf1: {  	v0 =	vmov s31;
	_ =	sdelay $0x3  }
0xf2: {  	s0 =	simm.s32 $0x0  }
0xf3: {  	v1 =	vld.idx.msk [tilespmem:v0+s0+$0xFFFFFFC0 ss:$0x1], $0xffff  }
0xf4: {  	v3 =	vld.idx.msk [tilespmem:v0+s0+$0xFFFFFFD0 ss:$0x1], $0xffff  }
0xf5: {  	v8 =	vld.idx.msk [tilespmem:v0+s0+$0xFFFFFFE0 ss:$0x1], $0xffff  }
0xf6: {  	v10 =	vld.idx.msk [tilespmem:v0+s0+$0xFFFFFFF0 ss:$0x1], $0xffff  }
0xf7: {  	v11 =	vld.idx.msk [tilespmem:v0+s0+$0x0 ss:$0x1], $0xffff  }
0xf8: {  	v12 =	vld.idx.msk [tilespmem:v0+s0+$0x10 ss:$0x1], $0xffff  }
0xf9: {  	v13 =	vld.idx.msk [tilespmem:v0+s0+$0x20 ss:$0x1], $0xffff  }
0xfa: {  	s1 =	simm.s32 $0x80;
	v14 =	vld.idx.msk [tilespmem:v0+s0+$0x30 ss:$0x1], $0xffff  }
0xfb: {  	v7 =	vld.idx.msk [tilespmem:v0+s1+$0xFFFFFFC0 ss:$0x1], $0xffff  }
0xfc: {  	v2 =	vld.idx.msk [tilespmem:v0+s1+$0xFFFFFFD0 ss:$0x1], $0xffff  }
0xfd: {  	v4 =	vld.idx.msk [tilespmem:v0+s1+$0xFFFFFFE0 ss:$0x1], $0xffff  }
0xfe: {  	v5 =	vld.idx.msk [tilespmem:v0+s1+$0xFFFFFFF0 ss:$0x1], $0xffff  }
0xff: {  	v6 =	vld.idx.msk [tilespmem:v0+s1+$0x0 ss:$0x1], $0xffff;
	v9 =	vadd.f32 v3, v1;
	v10 =	vadd.f32 v10, v8  }
0x100: {  	v3 =	vld.idx.msk [tilespmem:v0+s1+$0x10 ss:$0x1], $0xffff;
	v11 =	vadd.f32 v12, v11;
	v12 =	vadd.f32 v14, v13  }
0x101: {  	s0 =	simm.s32 $0x400;
	v1 =	vimm.f32 $0.0e+00;
	v8 =	vld.idx.msk [tilespmem:v0+s1+$0x20 ss:$0x1], $0xffff  }
.LBB2_23:
0x102: {  	p0 =	sne.s32 s0, $0x3000;
	v13 =	vld.idx.msk [tilespmem:v0+s1+$0x30 ss:$0x1], $0xffff;
	s1 =	sshra.s32 s0, $0x2;
	v9 =	vadd.f32 v10, v9;
	v16 =	vadd.f32 v12, v11;
	v11 =	vmov v2  }
0x103: {  	v12 =	vmov v4;
	v14 =	vld.idx.msk [tilespmem:v0+s1+$0xFFFFFFC0 ss:$0x1], $0xffff  }
0x104: {  	v10 =	vmov v5;
	v2 =	vld.idx.msk [tilespmem:v0+s1+$0xFFFFFFD0 ss:$0x1], $0xffff;
	v9 =	vadd.f32 v16, v9  }
.Ltmp10:
0x105: {  	v15 =	vmov v6;
	v4 =	vld.idx.msk [tilespmem:v0+s1+$0xFFFFFFE0 ss:$0x1], $0xffff;
	(pc) =	sbr.rel @p0 .LBB2_23-.Ltmp10, $4  }
0x106: {  	v5 =	vld.idx.msk [tilespmem:v0+s1+$0xFFFFFFF0 ss:$0x1], $0xffff;
	v1 =	vadd.f32 v9, v1  }
0x107: {  	v10 =	vadd.f32 v10, v12;
	v9 =	vadd.f32 v11, v7;
	v6 =	vld.idx.msk [tilespmem:v0+s1+$0x0 ss:$0x1], $0xffff  }
0x108: {  	v11 =	vadd.f32 v3, v15;
	v12 =	vadd.f32 v13, v8;
	v3 =	vld.idx.msk [tilespmem:v0+s1+$0x10 ss:$0x1], $0xffff  }
0x109: {  	s0 =	sadd.s32 $0x200, s0;
	v7 =	vmov v14;
	v8 =	vld.idx.msk [tilespmem:v0+s1+$0x20 ss:$0x1], $0xffff  }
0x10a: {  	_ =	sdelay $0x3  }
0x10b: {  	v0 =	vld.idx.msk [tilespmem:v0+s1+$0x30 ss:$0x1], $0xffff;
	_ =	sdelay $0x2  }
0x10c: {  	v9 =	vadd.f32 v10, v9;
	v62 =	vadd.f32 v12, v11  }
0x10d: {  	v2 =	vadd.f32 v2, v7;
	v4 =	vadd.f32 v5, v4  }
0x10e: {  	v3 =	vadd.f32 v3, v6;
	v0 =	vadd.f32 v0, v8  }
0x10f: {  	v63 =	vadd.f32 v62, v9  }
0x110: {  	v2 =	vadd.f32 v4, v2;
	v0 =	vadd.f32 v0, v3;
	_ =	sdelay $0x1  }
0x111: {  	s0 =	sshll.u32 s30, $0x4;
	s30 =	sadd.s32 $0x1, s30;
	v1 =	vadd.f32 v63, v1;
	v0 =	vadd.f32 v0, v2  }
0x112: {  	p0 =	sne.s32 s30, $0x8  }
.Ltmp11:
0x113: {  	v0 =	vadd.f32 v0, v1;
	(pc) =	sbr.rel @p0 .LBB2_22-.Ltmp11, $4  }
0x114: {  	_ = 	snop  }
0x115: {  	v0 =	vmul.f32 $4.999999890e-03, v0  }
0x116: {  	s0 =	sand.u32 $0x3FFFFFF0, s0  }
0x117: {  	s31 =	sadd.s32 $0xC80, s31;
	[tilespmem:s0+$0x12E80] =	vst v0  }
0x118: {  	[tilespmem:s10], [sflag:$0x2] =	stream.indirect.gather [hbm4b:s3+s8], $0x10, s18, s8, $0xb8;
	[tilespmem:$0x13400] =	vst v63  }
0x119: {  	_ =	swait.ge [sflag:s11], $0x6400  }
0x11a: {  	[sflag:s11] =	ssyncset.done $0x0  }
0x11b: {  	s30 =	simm.s32 $0x0;
	s31 =	simm.s32 $0x6440;
	[sflag:s11] =	ssyncadd.s32 $0xFFFF9C00  }
.LBB2_26:
0x11c: {  	v0 =	vmov s31;
	_ =	sdelay $0x3  }
0x11d: {  	s0 =	simm.s32 $0x0  }
0x11e: {  	v1 =	vld.idx.msk [tilespmem:v0+s0+$0xFFFFFFC0 ss:$0x1], $0xffff  }
0x11f: {  	v3 =	vld.idx.msk [tilespmem:v0+s0+$0xFFFFFFD0 ss:$0x1], $0xffff  }
0x120: {  	v8 =	vld.idx.msk [tilespmem:v0+s0+$0xFFFFFFE0 ss:$0x1], $0xffff  }
0x121: {  	v10 =	vld.idx.msk [tilespmem:v0+s0+$0xFFFFFFF0 ss:$0x1], $0xffff  }
0x122: {  	v11 =	vld.idx.msk [tilespmem:v0+s0+$0x0 ss:$0x1], $0xffff  }
0x123: {  	v12 =	vld.idx.msk [tilespmem:v0+s0+$0x10 ss:$0x1], $0xffff  }
0x124: {  	v13 =	vld.idx.msk [tilespmem:v0+s0+$0x20 ss:$0x1], $0xffff  }
0x125: {  	s1 =	simm.s32 $0x80;
	v14 =	vld.idx.msk [tilespmem:v0+s0+$0x30 ss:$0x1], $0xffff  }
0x126: {  	v7 =	vld.idx.msk [tilespmem:v0+s1+$0xFFFFFFC0 ss:$0x1], $0xffff  }
0x127: {  	v2 =	vld.idx.msk [tilespmem:v0+s1+$0xFFFFFFD0 ss:$0x1], $0xffff  }
0x128: {  	v4 =	vld.idx.msk [tilespmem:v0+s1+$0xFFFFFFE0 ss:$0x1], $0xffff  }
0x129: {  	v5 =	vld.idx.msk [tilespmem:v0+s1+$0xFFFFFFF0 ss:$0x1], $0xffff  }
0x12a: {  	v6 =	vld.idx.msk [tilespmem:v0+s1+$0x0 ss:$0x1], $0xffff;
	v9 =	vadd.f32 v3, v1;
	v10 =	vadd.f32 v10, v8  }
0x12b: {  	v3 =	vld.idx.msk [tilespmem:v0+s1+$0x10 ss:$0x1], $0xffff;
	v11 =	vadd.f32 v12, v11;
	v12 =	vadd.f32 v14, v13  }
0x12c: {  	s0 =	simm.s32 $0x400;
	v1 =	vimm.f32 $0.0e+00;
	v8 =	vld.idx.msk [tilespmem:v0+s1+$0x20 ss:$0x1], $0xffff  }
.LBB2_27:
0x12d: {  	p0 =	sne.s32 s0, $0x3000;
	v13 =	vld.idx.msk [tilespmem:v0+s1+$0x30 ss:$0x1], $0xffff;
	s1 =	sshra.s32 s0, $0x2;
	v9 =	vadd.f32 v10, v9;
	v16 =	vadd.f32 v12, v11;
	v11 =	vmov v2  }
0x12e: {  	v12 =	vmov v4;
	v14 =	vld.idx.msk [tilespmem:v0+s1+$0xFFFFFFC0 ss:$0x1], $0xffff  }
0x12f: {  	v10 =	vmov v5;
	v2 =	vld.idx.msk [tilespmem:v0+s1+$0xFFFFFFD0 ss:$0x1], $0xffff;
	v9 =	vadd.f32 v16, v9  }
.Ltmp12:
0x130: {  	v15 =	vmov v6;
	v4 =	vld.idx.msk [tilespmem:v0+s1+$0xFFFFFFE0 ss:$0x1], $0xffff;
	(pc) =	sbr.rel @p0 .LBB2_27-.Ltmp12, $4  }
0x131: {  	v5 =	vld.idx.msk [tilespmem:v0+s1+$0xFFFFFFF0 ss:$0x1], $0xffff;
	v1 =	vadd.f32 v9, v1  }
0x132: {  	v10 =	vadd.f32 v10, v12;
	v9 =	vadd.f32 v11, v7;
	v6 =	vld.idx.msk [tilespmem:v0+s1+$0x0 ss:$0x1], $0xffff  }
0x133: {  	v11 =	vadd.f32 v3, v15;
	v12 =	vadd.f32 v13, v8;
	v3 =	vld.idx.msk [tilespmem:v0+s1+$0x10 ss:$0x1], $0xffff  }
0x134: {  	s0 =	sadd.s32 $0x200, s0;
	v7 =	vmov v14;
	v8 =	vld.idx.msk [tilespmem:v0+s1+$0x20 ss:$0x1], $0xffff  }
0x135: {  	_ =	sdelay $0x3  }
0x136: {  	v0 =	vld.idx.msk [tilespmem:v0+s1+$0x30 ss:$0x1], $0xffff;
	_ =	sdelay $0x2  }
0x137: {  	v9 =	vadd.f32 v10, v9;
	v62 =	vadd.f32 v12, v11  }
0x138: {  	v2 =	vadd.f32 v2, v7;
	v4 =	vadd.f32 v5, v4  }
0x139: {  	v3 =	vadd.f32 v3, v6;
	v0 =	vadd.f32 v0, v8  }
0x13a: {  	v63 =	vadd.f32 v62, v9  }
0x13b: {  	v2 =	vadd.f32 v4, v2;
	v0 =	vadd.f32 v0, v3;
	_ =	sdelay $0x1  }
0x13c: {  	s0 =	sshll.u32 s30, $0x4;
	s30 =	sadd.s32 $0x1, s30;
	v1 =	vadd.f32 v63, v1;
	v0 =	vadd.f32 v0, v2  }
0x13d: {  	p0 =	sne.s32 s30, $0x8  }
.Ltmp13:
0x13e: {  	v0 =	vadd.f32 v0, v1;
	(pc) =	sbr.rel @p0 .LBB2_26-.Ltmp13, $4  }
0x13f: {  	_ = 	snop  }
0x140: {  	v0 =	vmul.f32 $4.999999890e-03, v0  }
0x141: {  	s0 =	sand.u32 $0x3FFFFFF0, s0  }
0x142: {  	s31 =	sadd.s32 $0xC80, s31;
	[tilespmem:s0+$0x12F00] =	vst v0  }
0x143: {  	[tilespmem:s9], [sflag:$0x1] =	stream.indirect.gather [hbm4b:s3+s8], $0x10, s19, s8, $0xb8;
	[tilespmem:$0x13400] =	vst v63  }
0x144: {  	_ =	swait.ge [sflag:s13], $0x6400  }
0x145: {  	[sflag:s13] =	ssyncset.done $0x0  }
0x146: {  	s30 =	simm.s32 $0x0;
	s31 =	simm.s32 $0xC840;
	[sflag:s13] =	ssyncadd.s32 $0xFFFF9C00  }
.LBB2_30:
0x147: {  	v0 =	vmov s31;
	_ =	sdelay $0x3  }
0x148: {  	s0 =	simm.s32 $0x0  }
0x149: {  	v1 =	vld.idx.msk [tilespmem:v0+s0+$0xFFFFFFC0 ss:$0x1], $0xffff  }
0x14a: {  	v3 =	vld.idx.msk [tilespmem:v0+s0+$0xFFFFFFD0 ss:$0x1], $0xffff  }
0x14b: {  	v8 =	vld.idx.msk [tilespmem:v0+s0+$0xFFFFFFE0 ss:$0x1], $0xffff  }
0x14c: {  	v10 =	vld.idx.msk [tilespmem:v0+s0+$0xFFFFFFF0 ss:$0x1], $0xffff  }
0x14d: {  	v11 =	vld.idx.msk [tilespmem:v0+s0+$0x0 ss:$0x1], $0xffff  }
0x14e: {  	v12 =	vld.idx.msk [tilespmem:v0+s0+$0x10 ss:$0x1], $0xffff  }
0x14f: {  	v13 =	vld.idx.msk [tilespmem:v0+s0+$0x20 ss:$0x1], $0xffff  }
0x150: {  	s1 =	simm.s32 $0x80;
	v14 =	vld.idx.msk [tilespmem:v0+s0+$0x30 ss:$0x1], $0xffff  }
0x151: {  	v7 =	vld.idx.msk [tilespmem:v0+s1+$0xFFFFFFC0 ss:$0x1], $0xffff  }
0x152: {  	v2 =	vld.idx.msk [tilespmem:v0+s1+$0xFFFFFFD0 ss:$0x1], $0xffff  }
0x153: {  	v4 =	vld.idx.msk [tilespmem:v0+s1+$0xFFFFFFE0 ss:$0x1], $0xffff  }
0x154: {  	v5 =	vld.idx.msk [tilespmem:v0+s1+$0xFFFFFFF0 ss:$0x1], $0xffff  }
0x155: {  	v6 =	vld.idx.msk [tilespmem:v0+s1+$0x0 ss:$0x1], $0xffff;
	v9 =	vadd.f32 v3, v1;
	v10 =	vadd.f32 v10, v8  }
0x156: {  	v3 =	vld.idx.msk [tilespmem:v0+s1+$0x10 ss:$0x1], $0xffff;
	v11 =	vadd.f32 v12, v11;
	v12 =	vadd.f32 v14, v13  }
0x157: {  	s0 =	simm.s32 $0x400;
	v1 =	vimm.f32 $0.0e+00;
	v8 =	vld.idx.msk [tilespmem:v0+s1+$0x20 ss:$0x1], $0xffff  }
.LBB2_31:
0x158: {  	p0 =	sne.s32 s0, $0x3000;
	v13 =	vld.idx.msk [tilespmem:v0+s1+$0x30 ss:$0x1], $0xffff;
	s1 =	sshra.s32 s0, $0x2;
	v9 =	vadd.f32 v10, v9;
	v16 =	vadd.f32 v12, v11;
	v11 =	vmov v2  }
0x159: {  	v12 =	vmov v4;
	v14 =	vld.idx.msk [tilespmem:v0+s1+$0xFFFFFFC0 ss:$0x1], $0xffff  }
0x15a: {  	v10 =	vmov v5;
	v2 =	vld.idx.msk [tilespmem:v0+s1+$0xFFFFFFD0 ss:$0x1], $0xffff;
	v9 =	vadd.f32 v16, v9  }
.Ltmp14:
0x15b: {  	v15 =	vmov v6;
	v4 =	vld.idx.msk [tilespmem:v0+s1+$0xFFFFFFE0 ss:$0x1], $0xffff;
	(pc) =	sbr.rel @p0 .LBB2_31-.Ltmp14, $4  }
0x15c: {  	v5 =	vld.idx.msk [tilespmem:v0+s1+$0xFFFFFFF0 ss:$0x1], $0xffff;
	v1 =	vadd.f32 v9, v1  }
0x15d: {  	v10 =	vadd.f32 v10, v12;
	v9 =	vadd.f32 v11, v7;
	v6 =	vld.idx.msk [tilespmem:v0+s1+$0x0 ss:$0x1], $0xffff  }
0x15e: {  	v11 =	vadd.f32 v3, v15;
	v12 =	vadd.f32 v13, v8;
	v3 =	vld.idx.msk [tilespmem:v0+s1+$0x10 ss:$0x1], $0xffff  }
0x15f: {  	s0 =	sadd.s32 $0x200, s0;
	v7 =	vmov v14;
	v8 =	vld.idx.msk [tilespmem:v0+s1+$0x20 ss:$0x1], $0xffff  }
0x160: {  	_ =	sdelay $0x3  }
0x161: {  	v0 =	vld.idx.msk [tilespmem:v0+s1+$0x30 ss:$0x1], $0xffff;
	_ =	sdelay $0x2  }
0x162: {  	v9 =	vadd.f32 v10, v9;
	v62 =	vadd.f32 v12, v11  }
0x163: {  	v2 =	vadd.f32 v2, v7;
	v4 =	vadd.f32 v5, v4  }
0x164: {  	v3 =	vadd.f32 v3, v6;
	v0 =	vadd.f32 v0, v8  }
0x165: {  	v63 =	vadd.f32 v62, v9  }
0x166: {  	v2 =	vadd.f32 v4, v2;
	v0 =	vadd.f32 v0, v3;
	_ =	sdelay $0x1  }
0x167: {  	s0 =	sshll.u32 s30, $0x4;
	s30 =	sadd.s32 $0x1, s30;
	v1 =	vadd.f32 v63, v1;
	v0 =	vadd.f32 v0, v2  }
0x168: {  	p0 =	sne.s32 s30, $0x8  }
.Ltmp15:
0x169: {  	v0 =	vadd.f32 v0, v1;
	(pc) =	sbr.rel @p0 .LBB2_30-.Ltmp15, $4  }
0x16a: {  	_ = 	snop  }
0x16b: {  	v0 =	vmul.f32 $4.999999890e-03, v0  }
0x16c: {  	s0 =	sand.u32 $0x3FFFFFF0, s0  }
0x16d: {  	s31 =	sadd.s32 $0xC80, s31;
	[tilespmem:s0+$0x12F80] =	vst v0  }
0x16e: {  	[tilespmem:s10], [sflag:$0x2] =	stream.indirect.gather [hbm4b:s3+s8], $0x10, s20, s8, $0xb8;
	[tilespmem:$0x13400] =	vst v63  }
0x16f: {  	_ =	swait.ge [sflag:s11], $0x6400  }
0x170: {  	[sflag:s11] =	ssyncset.done $0x0  }
0x171: {  	s30 =	simm.s32 $0x0;
	s31 =	simm.s32 $0x6440;
	[sflag:s11] =	ssyncadd.s32 $0xFFFF9C00  }
.LBB2_34:
0x172: {  	v0 =	vmov s31;
	_ =	sdelay $0x3  }
0x173: {  	s0 =	simm.s32 $0x0  }
0x174: {  	v1 =	vld.idx.msk [tilespmem:v0+s0+$0xFFFFFFC0 ss:$0x1], $0xffff  }
0x175: {  	v3 =	vld.idx.msk [tilespmem:v0+s0+$0xFFFFFFD0 ss:$0x1], $0xffff  }
0x176: {  	v8 =	vld.idx.msk [tilespmem:v0+s0+$0xFFFFFFE0 ss:$0x1], $0xffff  }
0x177: {  	v10 =	vld.idx.msk [tilespmem:v0+s0+$0xFFFFFFF0 ss:$0x1], $0xffff  }
0x178: {  	v11 =	vld.idx.msk [tilespmem:v0+s0+$0x0 ss:$0x1], $0xffff  }
0x179: {  	v12 =	vld.idx.msk [tilespmem:v0+s0+$0x10 ss:$0x1], $0xffff  }
0x17a: {  	v13 =	vld.idx.msk [tilespmem:v0+s0+$0x20 ss:$0x1], $0xffff  }
0x17b: {  	s1 =	simm.s32 $0x80;
	v14 =	vld.idx.msk [tilespmem:v0+s0+$0x30 ss:$0x1], $0xffff  }
0x17c: {  	v7 =	vld.idx.msk [tilespmem:v0+s1+$0xFFFFFFC0 ss:$0x1], $0xffff  }
0x17d: {  	v2 =	vld.idx.msk [tilespmem:v0+s1+$0xFFFFFFD0 ss:$0x1], $0xffff  }
0x17e: {  	v4 =	vld.idx.msk [tilespmem:v0+s1+$0xFFFFFFE0 ss:$0x1], $0xffff  }
0x17f: {  	v5 =	vld.idx.msk [tilespmem:v0+s1+$0xFFFFFFF0 ss:$0x1], $0xffff  }
0x180: {  	v6 =	vld.idx.msk [tilespmem:v0+s1+$0x0 ss:$0x1], $0xffff;
	v9 =	vadd.f32 v3, v1;
	v10 =	vadd.f32 v10, v8  }
0x181: {  	v3 =	vld.idx.msk [tilespmem:v0+s1+$0x10 ss:$0x1], $0xffff;
	v11 =	vadd.f32 v12, v11;
	v12 =	vadd.f32 v14, v13  }
0x182: {  	s0 =	simm.s32 $0x400;
	v1 =	vimm.f32 $0.0e+00;
	v8 =	vld.idx.msk [tilespmem:v0+s1+$0x20 ss:$0x1], $0xffff  }
.LBB2_35:
0x183: {  	p0 =	sne.s32 s0, $0x3000;
	v13 =	vld.idx.msk [tilespmem:v0+s1+$0x30 ss:$0x1], $0xffff;
	s1 =	sshra.s32 s0, $0x2;
	v9 =	vadd.f32 v10, v9;
	v16 =	vadd.f32 v12, v11;
	v11 =	vmov v2  }
0x184: {  	v12 =	vmov v4;
	v14 =	vld.idx.msk [tilespmem:v0+s1+$0xFFFFFFC0 ss:$0x1], $0xffff  }
0x185: {  	v10 =	vmov v5;
	v2 =	vld.idx.msk [tilespmem:v0+s1+$0xFFFFFFD0 ss:$0x1], $0xffff;
	v9 =	vadd.f32 v16, v9  }
.Ltmp16:
0x186: {  	v15 =	vmov v6;
	v4 =	vld.idx.msk [tilespmem:v0+s1+$0xFFFFFFE0 ss:$0x1], $0xffff;
	(pc) =	sbr.rel @p0 .LBB2_35-.Ltmp16, $4  }
0x187: {  	v5 =	vld.idx.msk [tilespmem:v0+s1+$0xFFFFFFF0 ss:$0x1], $0xffff;
	v1 =	vadd.f32 v9, v1  }
0x188: {  	v10 =	vadd.f32 v10, v12;
	v9 =	vadd.f32 v11, v7;
	v6 =	vld.idx.msk [tilespmem:v0+s1+$0x0 ss:$0x1], $0xffff  }
0x189: {  	v11 =	vadd.f32 v3, v15;
	v12 =	vadd.f32 v13, v8;
	v3 =	vld.idx.msk [tilespmem:v0+s1+$0x10 ss:$0x1], $0xffff  }
0x18a: {  	s0 =	sadd.s32 $0x200, s0;
	v7 =	vmov v14;
	v8 =	vld.idx.msk [tilespmem:v0+s1+$0x20 ss:$0x1], $0xffff  }
0x18b: {  	_ =	sdelay $0x3  }
0x18c: {  	v0 =	vld.idx.msk [tilespmem:v0+s1+$0x30 ss:$0x1], $0xffff;
	_ =	sdelay $0x2  }
0x18d: {  	v9 =	vadd.f32 v10, v9;
	v62 =	vadd.f32 v12, v11  }
0x18e: {  	v2 =	vadd.f32 v2, v7;
	v4 =	vadd.f32 v5, v4  }
0x18f: {  	v3 =	vadd.f32 v3, v6;
	v0 =	vadd.f32 v0, v8  }
0x190: {  	v63 =	vadd.f32 v62, v9  }
0x191: {  	v2 =	vadd.f32 v4, v2;
	v0 =	vadd.f32 v0, v3;
	_ =	sdelay $0x1  }
0x192: {  	s0 =	sshll.u32 s30, $0x4;
	s30 =	sadd.s32 $0x1, s30;
	v1 =	vadd.f32 v63, v1;
	v0 =	vadd.f32 v0, v2  }
0x193: {  	p0 =	sne.s32 s30, $0x8  }
.Ltmp17:
0x194: {  	v0 =	vadd.f32 v0, v1;
	(pc) =	sbr.rel @p0 .LBB2_34-.Ltmp17, $4  }
0x195: {  	_ = 	snop  }
0x196: {  	v0 =	vmul.f32 $4.999999890e-03, v0  }
0x197: {  	s0 =	sand.u32 $0x3FFFFFF0, s0  }
0x198: {  	s31 =	sadd.s32 $0xC80, s31;
	[tilespmem:s0+$0x13000] =	vst v0  }
0x199: {  	[tilespmem:s9], [sflag:$0x1] =	stream.indirect.gather [hbm4b:s3+s8], $0x10, s21, s8, $0xb8;
	[tilespmem:$0x13400] =	vst v63  }
0x19a: {  	_ =	swait.ge [sflag:s13], $0x6400  }
0x19b: {  	[sflag:s13] =	ssyncset.done $0x0  }
0x19c: {  	s30 =	simm.s32 $0x0;
	s31 =	simm.s32 $0xC840;
	[sflag:s13] =	ssyncadd.s32 $0xFFFF9C00  }
.LBB2_38:
0x19d: {  	v0 =	vmov s31;
	_ =	sdelay $0x3  }
0x19e: {  	s0 =	simm.s32 $0x0  }
0x19f: {  	v1 =	vld.idx.msk [tilespmem:v0+s0+$0xFFFFFFC0 ss:$0x1], $0xffff  }
0x1a0: {  	v3 =	vld.idx.msk [tilespmem:v0+s0+$0xFFFFFFD0 ss:$0x1], $0xffff  }
0x1a1: {  	v8 =	vld.idx.msk [tilespmem:v0+s0+$0xFFFFFFE0 ss:$0x1], $0xffff  }
0x1a2: {  	v10 =	vld.idx.msk [tilespmem:v0+s0+$0xFFFFFFF0 ss:$0x1], $0xffff  }
0x1a3: {  	v11 =	vld.idx.msk [tilespmem:v0+s0+$0x0 ss:$0x1], $0xffff  }
0x1a4: {  	v12 =	vld.idx.msk [tilespmem:v0+s0+$0x10 ss:$0x1], $0xffff  }
0x1a5: {  	v13 =	vld.idx.msk [tilespmem:v0+s0+$0x20 ss:$0x1], $0xffff  }
0x1a6: {  	s1 =	simm.s32 $0x80;
	v14 =	vld.idx.msk [tilespmem:v0+s0+$0x30 ss:$0x1], $0xffff  }
0x1a7: {  	v7 =	vld.idx.msk [tilespmem:v0+s1+$0xFFFFFFC0 ss:$0x1], $0xffff  }
0x1a8: {  	v2 =	vld.idx.msk [tilespmem:v0+s1+$0xFFFFFFD0 ss:$0x1], $0xffff  }
0x1a9: {  	v4 =	vld.idx.msk [tilespmem:v0+s1+$0xFFFFFFE0 ss:$0x1], $0xffff  }
0x1aa: {  	v5 =	vld.idx.msk [tilespmem:v0+s1+$0xFFFFFFF0 ss:$0x1], $0xffff  }
0x1ab: {  	v6 =	vld.idx.msk [tilespmem:v0+s1+$0x0 ss:$0x1], $0xffff;
	v9 =	vadd.f32 v3, v1;
	v10 =	vadd.f32 v10, v8  }
0x1ac: {  	v3 =	vld.idx.msk [tilespmem:v0+s1+$0x10 ss:$0x1], $0xffff;
	v11 =	vadd.f32 v12, v11;
	v12 =	vadd.f32 v14, v13  }
0x1ad: {  	s0 =	simm.s32 $0x400;
	v1 =	vimm.f32 $0.0e+00;
	v8 =	vld.idx.msk [tilespmem:v0+s1+$0x20 ss:$0x1], $0xffff  }
.LBB2_39:
0x1ae: {  	p0 =	sne.s32 s0, $0x3000;
	v13 =	vld.idx.msk [tilespmem:v0+s1+$0x30 ss:$0x1], $0xffff;
	s1 =	sshra.s32 s0, $0x2;
	v9 =	vadd.f32 v10, v9;
	v16 =	vadd.f32 v12, v11;
	v11 =	vmov v2  }
0x1af: {  	v12 =	vmov v4;
	v14 =	vld.idx.msk [tilespmem:v0+s1+$0xFFFFFFC0 ss:$0x1], $0xffff  }
0x1b0: {  	v10 =	vmov v5;
	v2 =	vld.idx.msk [tilespmem:v0+s1+$0xFFFFFFD0 ss:$0x1], $0xffff;
	v9 =	vadd.f32 v16, v9  }
.Ltmp18:
0x1b1: {  	v15 =	vmov v6;
	v4 =	vld.idx.msk [tilespmem:v0+s1+$0xFFFFFFE0 ss:$0x1], $0xffff;
	(pc) =	sbr.rel @p0 .LBB2_39-.Ltmp18, $4  }
0x1b2: {  	v5 =	vld.idx.msk [tilespmem:v0+s1+$0xFFFFFFF0 ss:$0x1], $0xffff;
	v1 =	vadd.f32 v9, v1  }
0x1b3: {  	v10 =	vadd.f32 v10, v12;
	v9 =	vadd.f32 v11, v7;
	v6 =	vld.idx.msk [tilespmem:v0+s1+$0x0 ss:$0x1], $0xffff  }
0x1b4: {  	v11 =	vadd.f32 v3, v15;
	v12 =	vadd.f32 v13, v8;
	v3 =	vld.idx.msk [tilespmem:v0+s1+$0x10 ss:$0x1], $0xffff  }
0x1b5: {  	s0 =	sadd.s32 $0x200, s0;
	v7 =	vmov v14;
	v8 =	vld.idx.msk [tilespmem:v0+s1+$0x20 ss:$0x1], $0xffff  }
0x1b6: {  	_ =	sdelay $0x3  }
0x1b7: {  	v0 =	vld.idx.msk [tilespmem:v0+s1+$0x30 ss:$0x1], $0xffff;
	_ =	sdelay $0x2  }
0x1b8: {  	v9 =	vadd.f32 v10, v9;
	v62 =	vadd.f32 v12, v11  }
0x1b9: {  	v2 =	vadd.f32 v2, v7;
	v4 =	vadd.f32 v5, v4  }
0x1ba: {  	v3 =	vadd.f32 v3, v6;
	v0 =	vadd.f32 v0, v8  }
0x1bb: {  	v63 =	vadd.f32 v62, v9  }
0x1bc: {  	v2 =	vadd.f32 v4, v2;
	v0 =	vadd.f32 v0, v3;
	_ =	sdelay $0x1  }
0x1bd: {  	s0 =	sshll.u32 s30, $0x4;
	s30 =	sadd.s32 $0x1, s30;
	v1 =	vadd.f32 v63, v1;
	v0 =	vadd.f32 v0, v2  }
0x1be: {  	p0 =	sne.s32 s30, $0x8  }
.Ltmp19:
0x1bf: {  	v0 =	vadd.f32 v0, v1;
	(pc) =	sbr.rel @p0 .LBB2_38-.Ltmp19, $4  }
0x1c0: {  	_ = 	snop  }
0x1c1: {  	v0 =	vmul.f32 $4.999999890e-03, v0  }
0x1c2: {  	s0 =	sand.u32 $0x3FFFFFF0, s0  }
0x1c3: {  	s31 =	sadd.s32 $0xC80, s31;
	[tilespmem:s0+$0x13080] =	vst v0  }
0x1c4: {  	[tilespmem:s10], [sflag:$0x2] =	stream.indirect.gather [hbm4b:s3+s8], $0x10, s22, s8, $0xb8;
	[tilespmem:$0x13400] =	vst v63  }
0x1c5: {  	_ =	swait.ge [sflag:s11], $0x6400  }
0x1c6: {  	[sflag:s11] =	ssyncset.done $0x0  }
0x1c7: {  	s30 =	simm.s32 $0x0;
	s31 =	simm.s32 $0x6440;
	[sflag:s11] =	ssyncadd.s32 $0xFFFF9C00  }
.LBB2_42:
0x1c8: {  	v0 =	vmov s31;
	_ =	sdelay $0x3  }
0x1c9: {  	s0 =	simm.s32 $0x0  }
0x1ca: {  	v1 =	vld.idx.msk [tilespmem:v0+s0+$0xFFFFFFC0 ss:$0x1], $0xffff  }
0x1cb: {  	v3 =	vld.idx.msk [tilespmem:v0+s0+$0xFFFFFFD0 ss:$0x1], $0xffff  }
0x1cc: {  	v8 =	vld.idx.msk [tilespmem:v0+s0+$0xFFFFFFE0 ss:$0x1], $0xffff  }
0x1cd: {  	v10 =	vld.idx.msk [tilespmem:v0+s0+$0xFFFFFFF0 ss:$0x1], $0xffff  }
0x1ce: {  	v11 =	vld.idx.msk [tilespmem:v0+s0+$0x0 ss:$0x1], $0xffff  }
0x1cf: {  	v12 =	vld.idx.msk [tilespmem:v0+s0+$0x10 ss:$0x1], $0xffff  }
0x1d0: {  	v13 =	vld.idx.msk [tilespmem:v0+s0+$0x20 ss:$0x1], $0xffff  }
0x1d1: {  	s1 =	simm.s32 $0x80;
	v14 =	vld.idx.msk [tilespmem:v0+s0+$0x30 ss:$0x1], $0xffff  }
0x1d2: {  	v7 =	vld.idx.msk [tilespmem:v0+s1+$0xFFFFFFC0 ss:$0x1], $0xffff  }
0x1d3: {  	v2 =	vld.idx.msk [tilespmem:v0+s1+$0xFFFFFFD0 ss:$0x1], $0xffff  }
0x1d4: {  	v4 =	vld.idx.msk [tilespmem:v0+s1+$0xFFFFFFE0 ss:$0x1], $0xffff  }
0x1d5: {  	v5 =	vld.idx.msk [tilespmem:v0+s1+$0xFFFFFFF0 ss:$0x1], $0xffff  }
0x1d6: {  	v6 =	vld.idx.msk [tilespmem:v0+s1+$0x0 ss:$0x1], $0xffff;
	v9 =	vadd.f32 v3, v1;
	v10 =	vadd.f32 v10, v8  }
0x1d7: {  	v3 =	vld.idx.msk [tilespmem:v0+s1+$0x10 ss:$0x1], $0xffff;
	v11 =	vadd.f32 v12, v11;
	v12 =	vadd.f32 v14, v13  }
0x1d8: {  	s0 =	simm.s32 $0x400;
	v1 =	vimm.f32 $0.0e+00;
	v8 =	vld.idx.msk [tilespmem:v0+s1+$0x20 ss:$0x1], $0xffff  }
.LBB2_43:
0x1d9: {  	p0 =	sne.s32 s0, $0x3000;
	v13 =	vld.idx.msk [tilespmem:v0+s1+$0x30 ss:$0x1], $0xffff;
	s1 =	sshra.s32 s0, $0x2;
	v9 =	vadd.f32 v10, v9;
	v16 =	vadd.f32 v12, v11;
	v11 =	vmov v2  }
0x1da: {  	v12 =	vmov v4;
	v14 =	vld.idx.msk [tilespmem:v0+s1+$0xFFFFFFC0 ss:$0x1], $0xffff  }
0x1db: {  	v10 =	vmov v5;
	v2 =	vld.idx.msk [tilespmem:v0+s1+$0xFFFFFFD0 ss:$0x1], $0xffff;
	v9 =	vadd.f32 v16, v9  }
.Ltmp20:
0x1dc: {  	v15 =	vmov v6;
	v4 =	vld.idx.msk [tilespmem:v0+s1+$0xFFFFFFE0 ss:$0x1], $0xffff;
	(pc) =	sbr.rel @p0 .LBB2_43-.Ltmp20, $4  }
0x1dd: {  	v5 =	vld.idx.msk [tilespmem:v0+s1+$0xFFFFFFF0 ss:$0x1], $0xffff;
	v1 =	vadd.f32 v9, v1  }
0x1de: {  	v10 =	vadd.f32 v10, v12;
	v9 =	vadd.f32 v11, v7;
	v6 =	vld.idx.msk [tilespmem:v0+s1+$0x0 ss:$0x1], $0xffff  }
0x1df: {  	v11 =	vadd.f32 v3, v15;
	v12 =	vadd.f32 v13, v8;
	v3 =	vld.idx.msk [tilespmem:v0+s1+$0x10 ss:$0x1], $0xffff  }
0x1e0: {  	s0 =	sadd.s32 $0x200, s0;
	v7 =	vmov v14;
	v8 =	vld.idx.msk [tilespmem:v0+s1+$0x20 ss:$0x1], $0xffff  }
0x1e1: {  	_ =	sdelay $0x3  }
0x1e2: {  	v0 =	vld.idx.msk [tilespmem:v0+s1+$0x30 ss:$0x1], $0xffff;
	_ =	sdelay $0x2  }
0x1e3: {  	v9 =	vadd.f32 v10, v9;
	v62 =	vadd.f32 v12, v11  }
0x1e4: {  	v2 =	vadd.f32 v2, v7;
	v4 =	vadd.f32 v5, v4  }
0x1e5: {  	v3 =	vadd.f32 v3, v6;
	v0 =	vadd.f32 v0, v8  }
0x1e6: {  	v63 =	vadd.f32 v62, v9  }
0x1e7: {  	v2 =	vadd.f32 v4, v2;
	v0 =	vadd.f32 v0, v3;
	_ =	sdelay $0x1  }
0x1e8: {  	s0 =	sshll.u32 s30, $0x4;
	s30 =	sadd.s32 $0x1, s30;
	v1 =	vadd.f32 v63, v1;
	v0 =	vadd.f32 v0, v2  }
0x1e9: {  	p0 =	sne.s32 s30, $0x8  }
.Ltmp21:
0x1ea: {  	v0 =	vadd.f32 v0, v1;
	(pc) =	sbr.rel @p0 .LBB2_42-.Ltmp21, $4  }
0x1eb: {  	_ = 	snop  }
0x1ec: {  	v0 =	vmul.f32 $4.999999890e-03, v0  }
0x1ed: {  	s0 =	sand.u32 $0x3FFFFFF0, s0  }
0x1ee: {  	s31 =	sadd.s32 $0xC80, s31;
	[tilespmem:s0+$0x13100] =	vst v0  }
0x1ef: {  	[tilespmem:s9], [sflag:$0x1] =	stream.indirect.gather [hbm4b:s3+s8], $0x10, s23, s8, $0xb8;
	[tilespmem:$0x13400] =	vst v63  }
0x1f0: {  	_ =	swait.ge [sflag:s13], $0x6400  }
0x1f1: {  	[sflag:s13] =	ssyncset.done $0x0  }
0x1f2: {  	s30 =	simm.s32 $0x0;
	s31 =	simm.s32 $0xC840;
	[sflag:s13] =	ssyncadd.s32 $0xFFFF9C00  }
.LBB2_46:
0x1f3: {  	v0 =	vmov s31;
	_ =	sdelay $0x3  }
0x1f4: {  	s0 =	simm.s32 $0x0  }
0x1f5: {  	v1 =	vld.idx.msk [tilespmem:v0+s0+$0xFFFFFFC0 ss:$0x1], $0xffff  }
0x1f6: {  	v3 =	vld.idx.msk [tilespmem:v0+s0+$0xFFFFFFD0 ss:$0x1], $0xffff  }
0x1f7: {  	v8 =	vld.idx.msk [tilespmem:v0+s0+$0xFFFFFFE0 ss:$0x1], $0xffff  }
0x1f8: {  	v10 =	vld.idx.msk [tilespmem:v0+s0+$0xFFFFFFF0 ss:$0x1], $0xffff  }
0x1f9: {  	v11 =	vld.idx.msk [tilespmem:v0+s0+$0x0 ss:$0x1], $0xffff  }
0x1fa: {  	v12 =	vld.idx.msk [tilespmem:v0+s0+$0x10 ss:$0x1], $0xffff  }
0x1fb: {  	v13 =	vld.idx.msk [tilespmem:v0+s0+$0x20 ss:$0x1], $0xffff  }
0x1fc: {  	s1 =	simm.s32 $0x80;
	v14 =	vld.idx.msk [tilespmem:v0+s0+$0x30 ss:$0x1], $0xffff  }
0x1fd: {  	v7 =	vld.idx.msk [tilespmem:v0+s1+$0xFFFFFFC0 ss:$0x1], $0xffff  }
0x1fe: {  	v2 =	vld.idx.msk [tilespmem:v0+s1+$0xFFFFFFD0 ss:$0x1], $0xffff  }
0x1ff: {  	v4 =	vld.idx.msk [tilespmem:v0+s1+$0xFFFFFFE0 ss:$0x1], $0xffff  }
0x200: {  	v5 =	vld.idx.msk [tilespmem:v0+s1+$0xFFFFFFF0 ss:$0x1], $0xffff  }
0x201: {  	v6 =	vld.idx.msk [tilespmem:v0+s1+$0x0 ss:$0x1], $0xffff;
	v9 =	vadd.f32 v3, v1;
	v10 =	vadd.f32 v10, v8  }
0x202: {  	v3 =	vld.idx.msk [tilespmem:v0+s1+$0x10 ss:$0x1], $0xffff;
	v11 =	vadd.f32 v12, v11;
	v12 =	vadd.f32 v14, v13  }
0x203: {  	s0 =	simm.s32 $0x400;
	v1 =	vimm.f32 $0.0e+00;
	v8 =	vld.idx.msk [tilespmem:v0+s1+$0x20 ss:$0x1], $0xffff  }
.LBB2_47:
0x204: {  	p0 =	sne.s32 s0, $0x3000;
	v13 =	vld.idx.msk [tilespmem:v0+s1+$0x30 ss:$0x1], $0xffff;
	s1 =	sshra.s32 s0, $0x2;
	v9 =	vadd.f32 v10, v9;
	v16 =	vadd.f32 v12, v11;
	v11 =	vmov v2  }
0x205: {  	v12 =	vmov v4;
	v14 =	vld.idx.msk [tilespmem:v0+s1+$0xFFFFFFC0 ss:$0x1], $0xffff  }
0x206: {  	v10 =	vmov v5;
	v2 =	vld.idx.msk [tilespmem:v0+s1+$0xFFFFFFD0 ss:$0x1], $0xffff;
	v9 =	vadd.f32 v16, v9  }
.Ltmp22:
0x207: {  	v15 =	vmov v6;
	v4 =	vld.idx.msk [tilespmem:v0+s1+$0xFFFFFFE0 ss:$0x1], $0xffff;
	(pc) =	sbr.rel @p0 .LBB2_47-.Ltmp22, $4  }
0x208: {  	v5 =	vld.idx.msk [tilespmem:v0+s1+$0xFFFFFFF0 ss:$0x1], $0xffff;
	v1 =	vadd.f32 v9, v1  }
0x209: {  	v10 =	vadd.f32 v10, v12;
	v9 =	vadd.f32 v11, v7;
	v6 =	vld.idx.msk [tilespmem:v0+s1+$0x0 ss:$0x1], $0xffff  }
0x20a: {  	v11 =	vadd.f32 v3, v15;
	v12 =	vadd.f32 v13, v8;
	v3 =	vld.idx.msk [tilespmem:v0+s1+$0x10 ss:$0x1], $0xffff  }
0x20b: {  	s0 =	sadd.s32 $0x200, s0;
	v7 =	vmov v14;
	v8 =	vld.idx.msk [tilespmem:v0+s1+$0x20 ss:$0x1], $0xffff  }
0x20c: {  	_ =	sdelay $0x3  }
0x20d: {  	v0 =	vld.idx.msk [tilespmem:v0+s1+$0x30 ss:$0x1], $0xffff;
	_ =	sdelay $0x2  }
0x20e: {  	v9 =	vadd.f32 v10, v9;
	v62 =	vadd.f32 v12, v11  }
0x20f: {  	v2 =	vadd.f32 v2, v7;
	v4 =	vadd.f32 v5, v4  }
0x210: {  	v3 =	vadd.f32 v3, v6;
	v0 =	vadd.f32 v0, v8  }
0x211: {  	v63 =	vadd.f32 v62, v9  }
0x212: {  	v2 =	vadd.f32 v4, v2;
	v0 =	vadd.f32 v0, v3;
	_ =	sdelay $0x1  }
0x213: {  	s0 =	sshll.u32 s30, $0x4;
	s30 =	sadd.s32 $0x1, s30;
	v1 =	vadd.f32 v63, v1;
	v0 =	vadd.f32 v0, v2  }
0x214: {  	p0 =	sne.s32 s30, $0x8  }
.Ltmp23:
0x215: {  	v0 =	vadd.f32 v0, v1;
	(pc) =	sbr.rel @p0 .LBB2_46-.Ltmp23, $4  }
0x216: {  	_ = 	snop  }
0x217: {  	v0 =	vmul.f32 $4.999999890e-03, v0  }
0x218: {  	s0 =	sand.u32 $0x3FFFFFF0, s0  }
0x219: {  	s31 =	sadd.s32 $0xC80, s31;
	[tilespmem:s0+$0x13180] =	vst v0  }
0x21a: {  	[tilespmem:s10], [sflag:$0x2] =	stream.indirect.gather [hbm4b:s3+s8], $0x10, s24, s8, $0xb8;
	[tilespmem:$0x13400] =	vst v63  }
0x21b: {  	_ =	swait.ge [sflag:s11], $0x6400  }
0x21c: {  	[sflag:s11] =	ssyncset.done $0x0  }
0x21d: {  	s30 =	simm.s32 $0x0;
	s31 =	simm.s32 $0x6440;
	[sflag:s11] =	ssyncadd.s32 $0xFFFF9C00  }
.LBB2_50:
0x21e: {  	v0 =	vmov s31;
	_ =	sdelay $0x3  }
0x21f: {  	s0 =	simm.s32 $0x0  }
0x220: {  	v1 =	vld.idx.msk [tilespmem:v0+s0+$0xFFFFFFC0 ss:$0x1], $0xffff  }
0x221: {  	v3 =	vld.idx.msk [tilespmem:v0+s0+$0xFFFFFFD0 ss:$0x1], $0xffff  }
0x222: {  	v8 =	vld.idx.msk [tilespmem:v0+s0+$0xFFFFFFE0 ss:$0x1], $0xffff  }
0x223: {  	v10 =	vld.idx.msk [tilespmem:v0+s0+$0xFFFFFFF0 ss:$0x1], $0xffff  }
0x224: {  	v11 =	vld.idx.msk [tilespmem:v0+s0+$0x0 ss:$0x1], $0xffff  }
0x225: {  	v12 =	vld.idx.msk [tilespmem:v0+s0+$0x10 ss:$0x1], $0xffff  }
0x226: {  	v13 =	vld.idx.msk [tilespmem:v0+s0+$0x20 ss:$0x1], $0xffff  }
0x227: {  	s1 =	simm.s32 $0x80;
	v14 =	vld.idx.msk [tilespmem:v0+s0+$0x30 ss:$0x1], $0xffff  }
0x228: {  	v7 =	vld.idx.msk [tilespmem:v0+s1+$0xFFFFFFC0 ss:$0x1], $0xffff  }
0x229: {  	v2 =	vld.idx.msk [tilespmem:v0+s1+$0xFFFFFFD0 ss:$0x1], $0xffff  }
0x22a: {  	v4 =	vld.idx.msk [tilespmem:v0+s1+$0xFFFFFFE0 ss:$0x1], $0xffff  }
0x22b: {  	v5 =	vld.idx.msk [tilespmem:v0+s1+$0xFFFFFFF0 ss:$0x1], $0xffff  }
0x22c: {  	v6 =	vld.idx.msk [tilespmem:v0+s1+$0x0 ss:$0x1], $0xffff;
	v9 =	vadd.f32 v3, v1;
	v10 =	vadd.f32 v10, v8  }
0x22d: {  	v3 =	vld.idx.msk [tilespmem:v0+s1+$0x10 ss:$0x1], $0xffff;
	v11 =	vadd.f32 v12, v11;
	v12 =	vadd.f32 v14, v13  }
0x22e: {  	s0 =	simm.s32 $0x400;
	v1 =	vimm.f32 $0.0e+00;
	v8 =	vld.idx.msk [tilespmem:v0+s1+$0x20 ss:$0x1], $0xffff  }
.LBB2_51:
0x22f: {  	p0 =	sne.s32 s0, $0x3000;
	v13 =	vld.idx.msk [tilespmem:v0+s1+$0x30 ss:$0x1], $0xffff;
	s1 =	sshra.s32 s0, $0x2;
	v9 =	vadd.f32 v10, v9;
	v16 =	vadd.f32 v12, v11;
	v11 =	vmov v2  }
0x230: {  	v12 =	vmov v4;
	v14 =	vld.idx.msk [tilespmem:v0+s1+$0xFFFFFFC0 ss:$0x1], $0xffff  }
0x231: {  	v10 =	vmov v5;
	v2 =	vld.idx.msk [tilespmem:v0+s1+$0xFFFFFFD0 ss:$0x1], $0xffff;
	v9 =	vadd.f32 v16, v9  }
.Ltmp24:
0x232: {  	v15 =	vmov v6;
	v4 =	vld.idx.msk [tilespmem:v0+s1+$0xFFFFFFE0 ss:$0x1], $0xffff;
	(pc) =	sbr.rel @p0 .LBB2_51-.Ltmp24, $4  }
0x233: {  	v5 =	vld.idx.msk [tilespmem:v0+s1+$0xFFFFFFF0 ss:$0x1], $0xffff;
	v1 =	vadd.f32 v9, v1  }
0x234: {  	v10 =	vadd.f32 v10, v12;
	v9 =	vadd.f32 v11, v7;
	v6 =	vld.idx.msk [tilespmem:v0+s1+$0x0 ss:$0x1], $0xffff  }
0x235: {  	v11 =	vadd.f32 v3, v15;
	v12 =	vadd.f32 v13, v8;
	v3 =	vld.idx.msk [tilespmem:v0+s1+$0x10 ss:$0x1], $0xffff  }
0x236: {  	s0 =	sadd.s32 $0x200, s0;
	v7 =	vmov v14;
	v8 =	vld.idx.msk [tilespmem:v0+s1+$0x20 ss:$0x1], $0xffff  }
0x237: {  	_ =	sdelay $0x3  }
0x238: {  	v0 =	vld.idx.msk [tilespmem:v0+s1+$0x30 ss:$0x1], $0xffff;
	_ =	sdelay $0x2  }
0x239: {  	v9 =	vadd.f32 v10, v9;
	v62 =	vadd.f32 v12, v11  }
0x23a: {  	v2 =	vadd.f32 v2, v7;
	v4 =	vadd.f32 v5, v4  }
0x23b: {  	v3 =	vadd.f32 v3, v6;
	v0 =	vadd.f32 v0, v8  }
0x23c: {  	v63 =	vadd.f32 v62, v9  }
0x23d: {  	v2 =	vadd.f32 v4, v2;
	v0 =	vadd.f32 v0, v3;
	_ =	sdelay $0x1  }
0x23e: {  	s0 =	sshll.u32 s30, $0x4;
	s30 =	sadd.s32 $0x1, s30;
	v1 =	vadd.f32 v63, v1;
	v0 =	vadd.f32 v0, v2  }
0x23f: {  	p0 =	sne.s32 s30, $0x8  }
.Ltmp25:
0x240: {  	v0 =	vadd.f32 v0, v1;
	(pc) =	sbr.rel @p0 .LBB2_50-.Ltmp25, $4  }
0x241: {  	_ = 	snop  }
0x242: {  	v0 =	vmul.f32 $4.999999890e-03, v0  }
0x243: {  	s0 =	sand.u32 $0x3FFFFFF0, s0  }
0x244: {  	s31 =	sadd.s32 $0xC80, s31;
	[tilespmem:s0+$0x13200] =	vst v0  }
0x245: {  	[tilespmem:s9], [sflag:$0x1] =	stream.indirect.gather [hbm4b:s3+s8], $0x10, s25, s8, $0xb8;
	[tilespmem:$0x13400] =	vst v63  }
0x246: {  	_ =	swait.ge [sflag:s13], $0x6400  }
0x247: {  	[sflag:s13] =	ssyncset.done $0x0  }
0x248: {  	s30 =	simm.s32 $0x0;
	s31 =	simm.s32 $0xC840;
	[sflag:s13] =	ssyncadd.s32 $0xFFFF9C00  }
.LBB2_54:
0x249: {  	v0 =	vmov s31;
	_ =	sdelay $0x3  }
0x24a: {  	s0 =	simm.s32 $0x0  }
0x24b: {  	v1 =	vld.idx.msk [tilespmem:v0+s0+$0xFFFFFFC0 ss:$0x1], $0xffff  }
0x24c: {  	v3 =	vld.idx.msk [tilespmem:v0+s0+$0xFFFFFFD0 ss:$0x1], $0xffff  }
0x24d: {  	v8 =	vld.idx.msk [tilespmem:v0+s0+$0xFFFFFFE0 ss:$0x1], $0xffff  }
0x24e: {  	v10 =	vld.idx.msk [tilespmem:v0+s0+$0xFFFFFFF0 ss:$0x1], $0xffff  }
0x24f: {  	v11 =	vld.idx.msk [tilespmem:v0+s0+$0x0 ss:$0x1], $0xffff  }
0x250: {  	v12 =	vld.idx.msk [tilespmem:v0+s0+$0x10 ss:$0x1], $0xffff  }
0x251: {  	v13 =	vld.idx.msk [tilespmem:v0+s0+$0x20 ss:$0x1], $0xffff  }
0x252: {  	s1 =	simm.s32 $0x80;
	v14 =	vld.idx.msk [tilespmem:v0+s0+$0x30 ss:$0x1], $0xffff  }
0x253: {  	v7 =	vld.idx.msk [tilespmem:v0+s1+$0xFFFFFFC0 ss:$0x1], $0xffff  }
0x254: {  	v2 =	vld.idx.msk [tilespmem:v0+s1+$0xFFFFFFD0 ss:$0x1], $0xffff  }
0x255: {  	v4 =	vld.idx.msk [tilespmem:v0+s1+$0xFFFFFFE0 ss:$0x1], $0xffff  }
0x256: {  	v5 =	vld.idx.msk [tilespmem:v0+s1+$0xFFFFFFF0 ss:$0x1], $0xffff  }
0x257: {  	v6 =	vld.idx.msk [tilespmem:v0+s1+$0x0 ss:$0x1], $0xffff;
	v9 =	vadd.f32 v3, v1;
	v10 =	vadd.f32 v10, v8  }
0x258: {  	v3 =	vld.idx.msk [tilespmem:v0+s1+$0x10 ss:$0x1], $0xffff;
	v11 =	vadd.f32 v12, v11;
	v12 =	vadd.f32 v14, v13  }
0x259: {  	s0 =	simm.s32 $0x400;
	v1 =	vimm.f32 $0.0e+00;
	v8 =	vld.idx.msk [tilespmem:v0+s1+$0x20 ss:$0x1], $0xffff  }
.LBB2_55:
0x25a: {  	p0 =	sne.s32 s0, $0x3000;
	v13 =	vld.idx.msk [tilespmem:v0+s1+$0x30 ss:$0x1], $0xffff;
	s1 =	sshra.s32 s0, $0x2;
	v9 =	vadd.f32 v10, v9;
	v16 =	vadd.f32 v12, v11;
	v11 =	vmov v2  }
0x25b: {  	v12 =	vmov v4;
	v14 =	vld.idx.msk [tilespmem:v0+s1+$0xFFFFFFC0 ss:$0x1], $0xffff  }
0x25c: {  	v10 =	vmov v5;
	v2 =	vld.idx.msk [tilespmem:v0+s1+$0xFFFFFFD0 ss:$0x1], $0xffff;
	v9 =	vadd.f32 v16, v9  }
.Ltmp26:
0x25d: {  	v15 =	vmov v6;
	v4 =	vld.idx.msk [tilespmem:v0+s1+$0xFFFFFFE0 ss:$0x1], $0xffff;
	(pc) =	sbr.rel @p0 .LBB2_55-.Ltmp26, $4  }
0x25e: {  	v5 =	vld.idx.msk [tilespmem:v0+s1+$0xFFFFFFF0 ss:$0x1], $0xffff;
	v1 =	vadd.f32 v9, v1  }
0x25f: {  	v10 =	vadd.f32 v10, v12;
	v9 =	vadd.f32 v11, v7;
	v6 =	vld.idx.msk [tilespmem:v0+s1+$0x0 ss:$0x1], $0xffff  }
0x260: {  	v11 =	vadd.f32 v3, v15;
	v12 =	vadd.f32 v13, v8;
	v3 =	vld.idx.msk [tilespmem:v0+s1+$0x10 ss:$0x1], $0xffff  }
0x261: {  	s0 =	sadd.s32 $0x200, s0;
	v7 =	vmov v14;
	v8 =	vld.idx.msk [tilespmem:v0+s1+$0x20 ss:$0x1], $0xffff  }
0x262: {  	_ =	sdelay $0x3  }
0x263: {  	v0 =	vld.idx.msk [tilespmem:v0+s1+$0x30 ss:$0x1], $0xffff;
	_ =	sdelay $0x2  }
0x264: {  	v9 =	vadd.f32 v10, v9;
	v62 =	vadd.f32 v12, v11  }
0x265: {  	v2 =	vadd.f32 v2, v7;
	v4 =	vadd.f32 v5, v4  }
0x266: {  	v3 =	vadd.f32 v3, v6;
	v0 =	vadd.f32 v0, v8  }
0x267: {  	v63 =	vadd.f32 v62, v9  }
0x268: {  	v2 =	vadd.f32 v4, v2;
	v0 =	vadd.f32 v0, v3;
	_ =	sdelay $0x1  }
0x269: {  	s0 =	sshll.u32 s30, $0x4;
	s30 =	sadd.s32 $0x1, s30;
	v1 =	vadd.f32 v63, v1;
	v0 =	vadd.f32 v0, v2  }
0x26a: {  	p0 =	sne.s32 s30, $0x8  }
.Ltmp27:
0x26b: {  	v0 =	vadd.f32 v0, v1;
	(pc) =	sbr.rel @p0 .LBB2_54-.Ltmp27, $4  }
0x26c: {  	_ = 	snop  }
0x26d: {  	v0 =	vmul.f32 $4.999999890e-03, v0  }
0x26e: {  	s0 =	sand.u32 $0x3FFFFFF0, s0  }
0x26f: {  	s31 =	sadd.s32 $0xC80, s31;
	[tilespmem:s0+$0x13280] =	vst v0  }
0x270: {  	[tilespmem:s10], [sflag:$0x2] =	stream.indirect.gather [hbm4b:s3+s8], $0x10, s26, s8, $0xb8;
	[tilespmem:$0x13400] =	vst v63  }
0x271: {  	_ =	swait.ge [sflag:s11], $0x6400  }
0x272: {  	[sflag:s11] =	ssyncset.done $0x0  }
0x273: {  	s30 =	simm.s32 $0x0;
	s31 =	simm.s32 $0x6440;
	[sflag:s11] =	ssyncadd.s32 $0xFFFF9C00  }
.LBB2_58:
0x274: {  	v0 =	vmov s31;
	_ =	sdelay $0x3  }
0x275: {  	s0 =	simm.s32 $0x0  }
0x276: {  	v1 =	vld.idx.msk [tilespmem:v0+s0+$0xFFFFFFC0 ss:$0x1], $0xffff  }
0x277: {  	v3 =	vld.idx.msk [tilespmem:v0+s0+$0xFFFFFFD0 ss:$0x1], $0xffff  }
0x278: {  	v8 =	vld.idx.msk [tilespmem:v0+s0+$0xFFFFFFE0 ss:$0x1], $0xffff  }
0x279: {  	v10 =	vld.idx.msk [tilespmem:v0+s0+$0xFFFFFFF0 ss:$0x1], $0xffff  }
0x27a: {  	v11 =	vld.idx.msk [tilespmem:v0+s0+$0x0 ss:$0x1], $0xffff  }
0x27b: {  	v12 =	vld.idx.msk [tilespmem:v0+s0+$0x10 ss:$0x1], $0xffff  }
0x27c: {  	v13 =	vld.idx.msk [tilespmem:v0+s0+$0x20 ss:$0x1], $0xffff  }
0x27d: {  	s1 =	simm.s32 $0x80;
	v14 =	vld.idx.msk [tilespmem:v0+s0+$0x30 ss:$0x1], $0xffff  }
0x27e: {  	v7 =	vld.idx.msk [tilespmem:v0+s1+$0xFFFFFFC0 ss:$0x1], $0xffff  }
0x27f: {  	v2 =	vld.idx.msk [tilespmem:v0+s1+$0xFFFFFFD0 ss:$0x1], $0xffff  }
0x280: {  	v4 =	vld.idx.msk [tilespmem:v0+s1+$0xFFFFFFE0 ss:$0x1], $0xffff  }
0x281: {  	v5 =	vld.idx.msk [tilespmem:v0+s1+$0xFFFFFFF0 ss:$0x1], $0xffff  }
0x282: {  	v6 =	vld.idx.msk [tilespmem:v0+s1+$0x0 ss:$0x1], $0xffff;
	v9 =	vadd.f32 v3, v1;
	v10 =	vadd.f32 v10, v8  }
0x283: {  	v3 =	vld.idx.msk [tilespmem:v0+s1+$0x10 ss:$0x1], $0xffff;
	v11 =	vadd.f32 v12, v11;
	v12 =	vadd.f32 v14, v13  }
0x284: {  	s0 =	simm.s32 $0x400;
	v1 =	vimm.f32 $0.0e+00;
	v8 =	vld.idx.msk [tilespmem:v0+s1+$0x20 ss:$0x1], $0xffff  }
.LBB2_59:
0x285: {  	p0 =	sne.s32 s0, $0x3000;
	v13 =	vld.idx.msk [tilespmem:v0+s1+$0x30 ss:$0x1], $0xffff;
	s1 =	sshra.s32 s0, $0x2;
	v9 =	vadd.f32 v10, v9;
	v16 =	vadd.f32 v12, v11;
	v11 =	vmov v2  }
0x286: {  	v12 =	vmov v4;
	v14 =	vld.idx.msk [tilespmem:v0+s1+$0xFFFFFFC0 ss:$0x1], $0xffff  }
0x287: {  	v10 =	vmov v5;
	v2 =	vld.idx.msk [tilespmem:v0+s1+$0xFFFFFFD0 ss:$0x1], $0xffff;
	v9 =	vadd.f32 v16, v9  }
.Ltmp28:
0x288: {  	v15 =	vmov v6;
	v4 =	vld.idx.msk [tilespmem:v0+s1+$0xFFFFFFE0 ss:$0x1], $0xffff;
	(pc) =	sbr.rel @p0 .LBB2_59-.Ltmp28, $4  }
0x289: {  	v5 =	vld.idx.msk [tilespmem:v0+s1+$0xFFFFFFF0 ss:$0x1], $0xffff;
	v1 =	vadd.f32 v9, v1  }
0x28a: {  	v10 =	vadd.f32 v10, v12;
	v9 =	vadd.f32 v11, v7;
	v6 =	vld.idx.msk [tilespmem:v0+s1+$0x0 ss:$0x1], $0xffff  }
0x28b: {  	v11 =	vadd.f32 v3, v15;
	v12 =	vadd.f32 v13, v8;
	v3 =	vld.idx.msk [tilespmem:v0+s1+$0x10 ss:$0x1], $0xffff  }
0x28c: {  	s0 =	sadd.s32 $0x200, s0;
	v7 =	vmov v14;
	v8 =	vld.idx.msk [tilespmem:v0+s1+$0x20 ss:$0x1], $0xffff  }
0x28d: {  	_ =	sdelay $0x3  }
0x28e: {  	v0 =	vld.idx.msk [tilespmem:v0+s1+$0x30 ss:$0x1], $0xffff;
	_ =	sdelay $0x2  }
0x28f: {  	v9 =	vadd.f32 v10, v9;
	v62 =	vadd.f32 v12, v11  }
0x290: {  	v2 =	vadd.f32 v2, v7;
	v4 =	vadd.f32 v5, v4  }
0x291: {  	v3 =	vadd.f32 v3, v6;
	v0 =	vadd.f32 v0, v8  }
0x292: {  	v63 =	vadd.f32 v62, v9  }
0x293: {  	v2 =	vadd.f32 v4, v2;
	v0 =	vadd.f32 v0, v3;
	_ =	sdelay $0x1  }
0x294: {  	s0 =	sshll.u32 s30, $0x4;
	s30 =	sadd.s32 $0x1, s30;
	v1 =	vadd.f32 v63, v1;
	v0 =	vadd.f32 v0, v2  }
0x295: {  	p0 =	sne.s32 s30, $0x8  }
.Ltmp29:
0x296: {  	v0 =	vadd.f32 v0, v1;
	(pc) =	sbr.rel @p0 .LBB2_58-.Ltmp29, $4  }
0x297: {  	_ = 	snop  }
0x298: {  	v0 =	vmul.f32 $4.999999890e-03, v0  }
0x299: {  	s0 =	sand.u32 $0x3FFFFFF0, s0  }
0x29a: {  	s31 =	sadd.s32 $0xC80, s31;
	[tilespmem:s0+$0x13300] =	vst v0  }
0x29b: {  	_ =	swait.ge [sflag:s13], $0x6400  }
0x29c: {  	[sflag:s13] =	ssyncset.done $0x0  }
0x29d: {  	s30 =	simm.s32 $0x0;
	s31 =	simm.s32 $0xC840;
	[sflag:s13] =	ssyncadd.s32 $0xFFFF9C00  }
.LBB2_62:
0x29e: {  	v0 =	vmov s31;
	_ =	sdelay $0x3  }
0x29f: {  	s0 =	simm.s32 $0x0  }
0x2a0: {  	v1 =	vld.idx.msk [tilespmem:v0+s0+$0xFFFFFFC0 ss:$0x1], $0xffff  }
0x2a1: {  	v3 =	vld.idx.msk [tilespmem:v0+s0+$0xFFFFFFD0 ss:$0x1], $0xffff  }
0x2a2: {  	v8 =	vld.idx.msk [tilespmem:v0+s0+$0xFFFFFFE0 ss:$0x1], $0xffff  }
0x2a3: {  	v10 =	vld.idx.msk [tilespmem:v0+s0+$0xFFFFFFF0 ss:$0x1], $0xffff  }
0x2a4: {  	v11 =	vld.idx.msk [tilespmem:v0+s0+$0x0 ss:$0x1], $0xffff  }
0x2a5: {  	v12 =	vld.idx.msk [tilespmem:v0+s0+$0x10 ss:$0x1], $0xffff  }
0x2a6: {  	v13 =	vld.idx.msk [tilespmem:v0+s0+$0x20 ss:$0x1], $0xffff  }
0x2a7: {  	s1 =	simm.s32 $0x80;
	v14 =	vld.idx.msk [tilespmem:v0+s0+$0x30 ss:$0x1], $0xffff  }
0x2a8: {  	v7 =	vld.idx.msk [tilespmem:v0+s1+$0xFFFFFFC0 ss:$0x1], $0xffff  }
0x2a9: {  	v2 =	vld.idx.msk [tilespmem:v0+s1+$0xFFFFFFD0 ss:$0x1], $0xffff  }
0x2aa: {  	v4 =	vld.idx.msk [tilespmem:v0+s1+$0xFFFFFFE0 ss:$0x1], $0xffff  }
0x2ab: {  	v5 =	vld.idx.msk [tilespmem:v0+s1+$0xFFFFFFF0 ss:$0x1], $0xffff  }
0x2ac: {  	v6 =	vld.idx.msk [tilespmem:v0+s1+$0x0 ss:$0x1], $0xffff;
	v9 =	vadd.f32 v3, v1;
	v10 =	vadd.f32 v10, v8  }
0x2ad: {  	v3 =	vld.idx.msk [tilespmem:v0+s1+$0x10 ss:$0x1], $0xffff;
	v11 =	vadd.f32 v12, v11;
	v12 =	vadd.f32 v14, v13  }
0x2ae: {  	s0 =	simm.s32 $0x400;
	v1 =	vimm.f32 $0.0e+00;
	v8 =	vld.idx.msk [tilespmem:v0+s1+$0x20 ss:$0x1], $0xffff  }
.LBB2_63:
0x2af: {  	p0 =	sne.s32 s0, $0x3000;
	v13 =	vld.idx.msk [tilespmem:v0+s1+$0x30 ss:$0x1], $0xffff;
	s1 =	sshra.s32 s0, $0x2;
	v9 =	vadd.f32 v10, v9;
	v16 =	vadd.f32 v12, v11;
	v11 =	vmov v2  }
0x2b0: {  	v12 =	vmov v4;
	v14 =	vld.idx.msk [tilespmem:v0+s1+$0xFFFFFFC0 ss:$0x1], $0xffff  }
0x2b1: {  	v10 =	vmov v5;
	v2 =	vld.idx.msk [tilespmem:v0+s1+$0xFFFFFFD0 ss:$0x1], $0xffff;
	v9 =	vadd.f32 v16, v9  }
.Ltmp30:
0x2b2: {  	v15 =	vmov v6;
	v4 =	vld.idx.msk [tilespmem:v0+s1+$0xFFFFFFE0 ss:$0x1], $0xffff;
	(pc) =	sbr.rel @p0 .LBB2_63-.Ltmp30, $4  }
0x2b3: {  	v5 =	vld.idx.msk [tilespmem:v0+s1+$0xFFFFFFF0 ss:$0x1], $0xffff;
	v1 =	vadd.f32 v9, v1  }
0x2b4: {  	v10 =	vadd.f32 v10, v12;
	v9 =	vadd.f32 v11, v7;
	v6 =	vld.idx.msk [tilespmem:v0+s1+$0x0 ss:$0x1], $0xffff  }
0x2b5: {  	v11 =	vadd.f32 v3, v15;
	v12 =	vadd.f32 v13, v8;
	v3 =	vld.idx.msk [tilespmem:v0+s1+$0x10 ss:$0x1], $0xffff  }
0x2b6: {  	s0 =	sadd.s32 $0x200, s0;
	v7 =	vmov v14;
	v8 =	vld.idx.msk [tilespmem:v0+s1+$0x20 ss:$0x1], $0xffff  }
0x2b7: {  	_ =	sdelay $0x3  }
0x2b8: {  	v0 =	vld.idx.msk [tilespmem:v0+s1+$0x30 ss:$0x1], $0xffff;
	_ =	sdelay $0x2  }
0x2b9: {  	v9 =	vadd.f32 v10, v9;
	v62 =	vadd.f32 v12, v11  }
0x2ba: {  	v2 =	vadd.f32 v2, v7;
	v4 =	vadd.f32 v5, v4  }
0x2bb: {  	v3 =	vadd.f32 v3, v6;
	v0 =	vadd.f32 v0, v8  }
0x2bc: {  	v63 =	vadd.f32 v62, v9  }
0x2bd: {  	v2 =	vadd.f32 v4, v2;
	v0 =	vadd.f32 v0, v3;
	_ =	sdelay $0x1  }
0x2be: {  	s0 =	sshll.u32 s30, $0x4;
	s30 =	sadd.s32 $0x1, s30;
	v1 =	vadd.f32 v63, v1;
	v0 =	vadd.f32 v0, v2  }
0x2bf: {  	p0 =	sne.s32 s30, $0x8  }
.Ltmp31:
0x2c0: {  	v0 =	vadd.f32 v0, v1;
	(pc) =	sbr.rel @p0 .LBB2_62-.Ltmp31, $4  }
0x2c1: {  	_ = 	snop  }
0x2c2: {  	v0 =	vmul.f32 $4.999999890e-03, v0  }
0x2c3: {  	s0 =	sand.u32 $0x3FFFFFF0, s0  }
0x2c4: {  	s31 =	sadd.s32 $0xC80, s31;
	[tilespmem:s0+$0x13380] =	vst v0  }
0x2c5: {  	s29 =	sadd.s32 $0x1, s29  }
0x2c6: {  	p0 =	sne.s32 s29, s6  }
.Ltmp32:
0x2c7: {  	_ = 	snop;
	(pc) =	sbr.rel @p0 .LBB2_1-.Ltmp32, $4  }
0x2c8: {  	[hbm4b:s5+s2] =	stream.linear.scatter [tilespmem:s28], [sflag:$0x3], $0x800, $0x38;
	[tilespmem:$0x13400] =	vst v63  }
0x2c9: {  	_ =	swait.ge [sflag:s7], $0x800  }
0x2ca: {  	[sflag:s7] =	ssyncset.done $0x0  }
0x2cb: {  	[sflag:s7] =	ssyncadd.s32 $0xFFFFF800  }
0x2cc: {  	_ =	sfence.sel $0x180000  }
0x2cd: {  	[bflag:$0x0] =	sbarrier.arrive $0xFFFF  }
0x2ce: {  	_ =	strace $0x9000004A  }
0x2cf: {  	s0 =	stileid.u32;
	[bflag:$0x2] =	sbarrier.arrive $0xFFFF  }
0x2d0: {  	p0 =	sne.s32 s0, $0x0;
	s0 =	rddreg [dreg:$0x1]  }
0x2d1: {  	s0 =	sadd.s32 @!p0 $0x100000, s0  }
0x2d2: {  	[sflag:s0] =	ssyncadd.tile.s32 @!p0 $0x1;
	_ =	shalt  }
.Lfunc_end2:
_tile_overlayer_lowered:
.L_overlay_start_2:
0x2d3: {  	(tag) =	ssettag $0x2  }
0x2d4: {  	s0 =	rddreg [dreg:$0x0];
	s2 =	stileid.u32  }
0x2d5: {  	s1 =	rddreg [dreg:$0x1];
	p0 =	sne.s32 s2, $0x0  }
0x2d6: {  	s3 =	rddreg [dreg:$0x2];
	[bflag:$0x3] =	sbarrier.arrive $0xFFFF;
	s2 =	simm.s32 @!p0 $0x1C03  }
0x2d7: {  	[timem:s3], [sflag:s2] =	dma.local @!p0 [hbm:s0], s1  }
0x2d8: {  	s0 =	simm.s32 @!p0 $0x3  }
0x2d9: {  	_ =	swait.ge @!p0 [sflag:s0], s1  }
0x2da: {  	s1 =	ssub.s32 @!p0 $0x0, s1;
	[sflag:s0] =	ssyncset.done @!p0 $0x0  }
0x2db: {  	[sflag:s0] =	ssyncadd.s32 @!p0 s1  }
0x2dc: {  	[bflag:$0x3] =	sbarrier.arrive $0xFFFF  }
0x2dd: {  	_ =	shalt  }

</sc_bundles>
